<compile_context>
chip_gen: v7x
topology: tpu7x:2x2x1
jax: 0.10.2.dev20260603
libtpu: 0.0.44.dev20260713+nightly
codegen_flags: <defaults>
</compile_context>

<pallas_src>
import jax
import jax.numpy as jnp
from jax import lax
from jax.experimental import pallas as pl
from jax.experimental.pallas import tpu as pltpu
from jax.experimental.pallas import tpu_sc as plsc

N = 10000
D = 128
E = 320000

NC = 2
NS = 16
NW = NC * NS
C = 128
NCH = 80
NH = NCH // 2
EPT = NCH * C
EPAD = NW * EPT
NPAD = 10112
RPT = NPAD // NS
NDEG = 10240
DPT = NDEG // NS

_sc_cache = {}


def _mesh():
    return plsc.VectorSubcoreMesh(core_axis_name="c", subcore_axis_name="s")



def _sc_deg_body(dstT_hbm, z1_hbm, degp_hbm, dst_v, ones_v, acc_sh):
    c = lax.axis_index("c")
    s = lax.axis_index("s")
    wid = c * NS + s
    pltpu.sync_copy(dstT_hbm.at[wid], dst_v)
    for k in range(C // 16):
        ones_v[pl.ds(k * 16, 16)] = jnp.ones((16,), jnp.float32)
    pltpu.sync_copy(z1_hbm.at[pl.ds(s * DPT, DPT)], acc_sh.at[pl.ds(s * DPT, DPT)])
    plsc.subcore_barrier()

    def step(j, carry):
        pltpu.sync_copy(ones_v, acc_sh.at[dst_v.at[j]], add=True)
        return carry

    lax.fori_loop(0, NCH, step, 0)
    plsc.subcore_barrier()
    pltpu.sync_copy(acc_sh.at[pl.ds(s * DPT, DPT)], degp_hbm.at[c, pl.ds(s * DPT, DPT)])


def _sc_deg(*args):
    if "deg" not in _sc_cache:
        _sc_cache["deg"] = pl.kernel(
            _sc_deg_body,
            out_type=jax.ShapeDtypeStruct((NC, NDEG), jnp.float32),
            mesh=_mesh(),
            scratch_types=[
                pltpu.VMEM((NCH, C), jnp.int32),
                pltpu.VMEM((C,), jnp.float32),
                pltpu.VMEM_SHARED((NDEG,), jnp.float32),
            ],
        )
    return _sc_cache["deg"](*args)



def _sc_agg_body(h2_hbm, srcT_hbm, dstT_hbm, zrows_hbm, aggp_hbm,
                 src_v, dst_v, rows0, rows1, acc_sh, sg0, sg1):
    c = lax.axis_index("c")
    s = lax.axis_index("s")
    wid = c * NS + s
    pltpu.sync_copy(srcT_hbm.at[wid, pl.ds(0, NH)], src_v)
    pltpu.sync_copy(dstT_hbm.at[wid, pl.ds(0, NH)], dst_v)
    pltpu.async_copy(h2_hbm.at[src_v.at[0]], rows0, sg0)
    pltpu.async_copy(h2_hbm.at[src_v.at[1]], rows1, sg1)
    pltpu.sync_copy(zrows_hbm.at[pl.ds(s * RPT, RPT)], acc_sh.at[pl.ds(s * RPT, RPT)])
    plsc.subcore_barrier()

    for half in range(2):
        if half == 1:
            pltpu.async_copy(h2_hbm.at[src_v.at[0]], rows0, sg0)
            pltpu.async_copy(h2_hbm.at[src_v.at[1]], rows1, sg1)

        def step(i, carry):
            j0 = 2 * i
            j1 = j0 + 1
            j2 = jnp.minimum(j0 + 2, NH - 1)
            j3 = jnp.minimum(j1 + 2, NH - 1)
            pltpu.make_async_copy(h2_hbm.at[src_v.at[j0]], rows0, sg0).wait()
            pltpu.sync_copy(rows0, acc_sh.at[dst_v.at[j0]], add=True)
            pltpu.async_copy(h2_hbm.at[src_v.at[j2]], rows0, sg0)
            pltpu.make_async_copy(h2_hbm.at[src_v.at[j1]], rows1, sg1).wait()
            pltpu.sync_copy(rows1, acc_sh.at[dst_v.at[j1]], add=True)
            pltpu.async_copy(h2_hbm.at[src_v.at[j3]], rows1, sg1)
            return carry

        lax.fori_loop(0, NH // 2, step, 0)
        pltpu.make_async_copy(h2_hbm.at[src_v.at[NH - 1]], rows0, sg0).wait()
        pltpu.make_async_copy(h2_hbm.at[src_v.at[NH - 1]], rows1, sg1).wait()
        if half == 0:
            pltpu.sync_copy(srcT_hbm.at[wid, pl.ds(NH, NH)], src_v)
            pltpu.sync_copy(dstT_hbm.at[wid, pl.ds(NH, NH)], dst_v)

    plsc.subcore_barrier()
    pltpu.sync_copy(acc_sh.at[pl.ds(s * RPT, RPT)],
                    aggp_hbm.at[c, pl.ds(s * RPT, RPT)])


def _sc_agg(*args):
    if "agg" not in _sc_cache:
        _sc_cache["agg"] = pl.kernel(
            _sc_agg_body,
            out_type=jax.ShapeDtypeStruct((NC, NPAD, D), jnp.float32),
            mesh=_mesh(),
            scratch_types=[
                pltpu.VMEM((NH, C), jnp.int32),
                pltpu.VMEM((NH, C), jnp.int32),
                pltpu.VMEM((C, D), jnp.float32),
                pltpu.VMEM((C, D), jnp.float32),
                pltpu.VMEM_SHARED((NPAD, D), jnp.float32),
                pltpu.SemaphoreType.DMA,
                pltpu.SemaphoreType.DMA,
            ],
        )
    return _sc_cache["agg"](*args)



def _tc_rsqrt_body(degp_ref, dinv_ref):
    deg = degp_ref[0] + degp_ref[1] + 1.0
    dinv_ref[...] = lax.rsqrt(deg)


def _tc_rsqrt(degp):
    return pl.pallas_call(
        _tc_rsqrt_body,
        out_shape=jax.ShapeDtypeStruct((NDEG // D, D), jnp.float32),
    )(degp)


def _tc_pre_body(x_ref, w_ref, dinv_ref, h2_ref):
    hw = lax.dot_general(x_ref[...], w_ref[...], (((1,), (1,)), ((), ())),
                         preferred_element_type=jnp.float32)
    h2_ref[...] = hw * dinv_ref[...]


def _tc_pre(x, W, dinv):
    return pl.pallas_call(
        _tc_pre_body,
        out_shape=jax.ShapeDtypeStruct((N, D), jnp.float32),
    )(x, W, dinv)


def _tc_mid_body(aggp_ref, h2p_ref, dinv_ref, b_ref, g_ref, be_ref, w_ref,
                 h2n_ref):
    dinv = dinv_ref[...]
    t = (aggp_ref[0, :N, :] + aggp_ref[1, :N, :] + h2p_ref[...]) * dinv + b_ref[...]
    mu = jnp.mean(t, axis=0, keepdims=True)
    var = jnp.mean((t - mu) * (t - mu), axis=0, keepdims=True)
    y = (t - mu) * lax.rsqrt(var + 1e-5) * g_ref[...] + be_ref[...]
    y = jnp.maximum(y, 0.0)
    hw = lax.dot_general(y, w_ref[...], (((1,), (1,)), ((), ())),
                         preferred_element_type=jnp.float32)
    h2n_ref[...] = hw * dinv


def _tc_mid(aggp, h2p, dinv, b, g, be, Wn):
    return pl.pallas_call(
        _tc_mid_body,
        out_shape=jax.ShapeDtypeStruct((N, D), jnp.float32),
    )(aggp, h2p, dinv, b, g, be, Wn)


def _tc_final_body(aggp_ref, h2_ref, dinv_ref, b_ref, out_ref):
    out_ref[...] = ((aggp_ref[0, :N, :] + aggp_ref[1, :N, :] + h2_ref[...])
                    * dinv_ref[...] + b_ref[...])


def _tc_final(aggp, h2, dinv, b):
    return pl.pallas_call(
        _tc_final_body,
        out_shape=jax.ShapeDtypeStruct((N, D), jnp.float32),
    )(aggp, h2, dinv, b)



def kernel(x, edge_index, W1, b1, g1, be1, W2, b2, g2, be2, W3, b3):
    src = edge_index[0]
    dst = edge_index[1]
    npad_e = EPAD - E
    pad_ar = jnp.arange(npad_e, dtype=jnp.int32)
    pad_src = (pad_ar * 13 + 1) % N
    pad_dst = N + (pad_ar % 16)
    srcT = jnp.concatenate([src, pad_src]).reshape(NW, NCH, C)
    dstT = jnp.concatenate([dst, pad_dst]).reshape(NW, NCH, C)
    z1 = jnp.zeros((NDEG,), jnp.float32)
    zrows = jnp.zeros((NPAD, D), jnp.float32)

    degp = _sc_deg(dstT, z1)
    dinv2d = _tc_rsqrt(degp.reshape(NC, NDEG // D, D))
    dinv = dinv2d.reshape(NDEG, 1)[:N]

    b1r, g1r, be1r = b1.reshape(1, D), g1.reshape(1, D), be1.reshape(1, D)
    b2r, g2r, be2r = b2.reshape(1, D), g2.reshape(1, D), be2.reshape(1, D)
    b3r = b3.reshape(1, D)

    h2 = _tc_pre(x, W1, dinv)
    aggp = _sc_agg(h2, srcT, dstT, zrows)
    h2 = _tc_mid(aggp, h2, dinv, b1r, g1r, be1r, W2)
    aggp = _sc_agg(h2, srcT, dstT, zrows)
    h2 = _tc_mid(aggp, h2, dinv, b2r, g2r, be2r, W3)
    aggp = _sc_agg(h2, srcT, dstT, zrows)
    return _tc_final(aggp, h2, dinv, b3r)

# --- scband reference (transcript-rebuilt; emitter-appended) ---
"""Pipeline reference for scband-graph-encoder-67989332296218 (READ-ONLY COPY).

The authoritative reference and input builder live on the scoring server;
editing this copy changes nothing except your own understanding.
"""

import jax, jax.numpy as jnp
import numpy as np

N = 10000
D = 128
E = 320000


def setup_inputs(seed: int = 0) -> dict:
    key = jax.random.key(seed)
    ks = jax.random.split(key, 8)
    x = jax.random.normal(ks[0], (N, D), dtype=jnp.float32)
    edge_index = jax.random.randint(ks[1], (2, E), 0, N, dtype=jnp.int32)
    W1 = jax.random.normal(ks[2], (D, D), dtype=jnp.float32) * 0.05
    b1 = jnp.zeros((D,), dtype=jnp.float32)
    g1 = jnp.ones((D,), dtype=jnp.float32)
    be1 = jnp.zeros((D,), dtype=jnp.float32)
    W2 = jax.random.normal(ks[3], (D, D), dtype=jnp.float32) * 0.05
    b2 = jnp.zeros((D,), dtype=jnp.float32)
    g2 = jnp.ones((D,), dtype=jnp.float32)
    be2 = jnp.zeros((D,), dtype=jnp.float32)
    W3 = jax.random.normal(ks[4], (D, D), dtype=jnp.float32) * 0.05
    b3 = jnp.zeros((D,), dtype=jnp.float32)
    return {"x": x, "edge_index": edge_index, "W1": W1, "b1": b1, "g1": g1, "be1": be1, "W2": W2, "b2": b2, "g2": g2, "be2": be2, "W3": W3, "b3": b3}


def _gcn_conv(h, edge_index, W, b):
    # PyG GCNConv: linear transform, add self-loops, symmetric normalization, scatter-add aggregation, bias
    h = h @ W.T
    src = edge_index[0]
    dst = edge_index[1]
    loop = jnp.arange(N, dtype=edge_index.dtype)
    s = jnp.concatenate([src, loop])
    d = jnp.concatenate([dst, loop])
    deg = jnp.zeros((N,), dtype=h.dtype).at[d].add(jnp.ones((s.shape[0],), dtype=h.dtype))
    dinv = jnp.where(deg > 0, jax.lax.rsqrt(deg), 0.0)
    norm = dinv[s] * dinv[d]
    msgs = h[s] * norm[:, None]
    out = jnp.zeros_like(h).at[d].add(msgs)
    return out + b


def _bn(h, g, be):
    # BatchNorm1d in training mode: batch statistics (biased variance), eps=1e-5
    mu = jnp.mean(h, axis=0)
    var = jnp.var(h, axis=0)
    return (h - mu) * jax.lax.rsqrt(var + 1e-5) * g + be


def reference(x, edge_index, W1, b1, g1, be1, W2, b2, g2, be2, W3, b3):
    h = _gcn_conv(x, edge_index, W1, b1)
    h = _bn(h, g1, be1)
    h = jax.nn.relu(h)
    h = _gcn_conv(h, edge_index, W2, b2)
    h = _bn(h, g2, be2)
    h = jax.nn.relu(h)
    h = _gcn_conv(h, edge_index, W3, b3)
    return h

if __name__ == "__main__":
    import jax
    _d = setup_inputs()
    print(jax.jit(kernel)(*tuple(_d.values())))

</pallas_src>

<mosaic_0001>
#map = affine_map<(d0, d1) -> (0, 0, 0)>
#map1 = affine_map<(d0, d1) -> (0)>
#map2 = affine_map<(d0, d1) -> (0, 0)>
module attributes {stable_mosaic.version = 14 : i64} {
  func.func @_sc_deg_body(%arg0: i32, %arg1: i32, %arg2: memref<32x80x128xi32, #tpu.memory_space<hbm>>, %arg3: memref<10240xf32, #tpu.memory_space<hbm>>, %arg4: memref<2x10240xf32, #tpu.memory_space<hbm>>, %arg5: memref<80x128xi32, #tpu.memory_space<vmem>>, %arg6: memref<128xf32, #tpu.memory_space<vmem>>, %arg7: memref<10240xf32, #tpu.memory_space<vmem_shared>>) attributes {dimension_semantics = [#tpu.dimension_semantics<core_parallel>, #tpu.dimension_semantics<subcore_parallel>], iteration_bounds = array<i64: 2, 16>, scalar_prefetch = 0 : i64, scratch_operands = 3 : i64, tpu.core_type = #tpu.core_type<sc_vector_subcore>, window_params = [{transform_indices = #map}, {transform_indices = #map1}, {transform_indices = #map2}]} {
    %mul3A = arith.constant 16 : i32
    %mul3A_0 = arith.muli %arg0, %mul3A : i32
    %add3A = arith.addi %mul3A_0, %arg1 : i32
    "tpu.region"() ({
      %run_scoped3A = tpu.sem_alloc : memref<!tpu.dma_semaphore, #tpu.memory_space<semaphore_mem>>
      %dma_start3A = arith.constant 0 : i32
      %dma_start3A_61 = arith.constant 0 : i32
      %dma_start3A_62 = tpu.memref_slice %arg2[%add3A, %dma_start3A, %dma_start3A_61] : memref<32x80x128xi32, #tpu.memory_space<hbm>> -> memref<1x80x128xi32, #tpu.memory_space<hbm>>
      %dma_start3A_63 = tpu.memref_squeeze %dma_start3A_62 : memref<1x80x128xi32, #tpu.memory_space<hbm>> -> memref<80x128xi32, #tpu.memory_space<hbm>>
      %dma_start3A_64 = arith.constant 0 : i32
      %dma_start3A_65 = arith.constant 0 : i32
      %dma_start3A_66 = tpu.memref_slice %arg2[%add3A, %dma_start3A_64, %dma_start3A_65] : memref<32x80x128xi32, #tpu.memory_space<hbm>> -> memref<1x80x128xi32, #tpu.memory_space<hbm>>
      %dma_start3A_67 = tpu.memref_squeeze %dma_start3A_66 : memref<1x80x128xi32, #tpu.memory_space<hbm>> -> memref<80x128xi32, #tpu.memory_space<hbm>>
      tpu.enqueue_dma source(%dma_start3A_67 : memref<80x128xi32, #tpu.memory_space<hbm>>) target(%arg5 : memref<80x128xi32, #tpu.memory_space<vmem>>) target_semaphore(%run_scoped3A : memref<!tpu.dma_semaphore, #tpu.memory_space<semaphore_mem>>)
      %dma_wait3A = arith.constant 0 : i32
      %dma_wait3A_68 = arith.constant 0 : i32
      %dma_wait3A_69 = tpu.memref_slice %arg2[%add3A, %dma_wait3A, %dma_wait3A_68] : memref<32x80x128xi32, #tpu.memory_space<hbm>> -> memref<1x80x128xi32, #tpu.memory_space<hbm>>
      %dma_wait3A_70 = tpu.memref_squeeze %dma_wait3A_69 : memref<1x80x128xi32, #tpu.memory_space<hbm>> -> memref<80x128xi32, #tpu.memory_space<hbm>>
      %dma_wait3A_71 = arith.constant 0 : i32
      %dma_wait3A_72 = arith.constant 0 : i32
      %dma_wait3A_73 = tpu.memref_slice %arg2[%add3A, %dma_wait3A_71, %dma_wait3A_72] : memref<32x80x128xi32, #tpu.memory_space<hbm>> -> memref<1x80x128xi32, #tpu.memory_space<hbm>>
      %dma_wait3A_74 = tpu.memref_squeeze %dma_wait3A_73 : memref<1x80x128xi32, #tpu.memory_space<hbm>> -> memref<80x128xi32, #tpu.memory_space<hbm>>
      tpu.wait_dma2 semaphore(%run_scoped3A : memref<!tpu.dma_semaphore, #tpu.memory_space<semaphore_mem>>) src(%dma_wait3A_74 : memref<80x128xi32, #tpu.memory_space<hbm>>) dst(%arg5 : memref<80x128xi32, #tpu.memory_space<vmem>>)
      tpu.yield
    }) : () -> ()
    %broadcast_in_dim3A = arith.constant 1.000000e+00 : f32
    %broadcast_in_dim3A_1 = vector.broadcast %broadcast_in_dim3A : f32 to vector<16xf32>
    %swap3A = arith.constant 0 : index
    %swap3A_2 = tpu.vector_load %arg6[%swap3A] {strides = array<i32>} : memref<128xf32, #tpu.memory_space<vmem>>, vector<16xf32>,
    %swap3A_3 = vector.shape_cast %swap3A_2 : vector<16xf32> to vector<16xf32>
    %swap3A_4 = vector.shape_cast %broadcast_in_dim3A_1 : vector<16xf32> to vector<16xf32>
    tpu.vector_store %arg6[%swap3A], %swap3A_4 {strides = array<i32>} : memref<128xf32, #tpu.memory_space<vmem>>, vector<16xf32>,
    %broadcast_in_dim3A_5 = arith.constant 1.000000e+00 : f32
    %broadcast_in_dim3A_6 = vector.broadcast %broadcast_in_dim3A_5 : f32 to vector<16xf32>
    %swap3A_7 = arith.constant 16 : index
    %swap3A_8 = tpu.vector_load %arg6[%swap3A_7] {strides = array<i32>} : memref<128xf32, #tpu.memory_space<vmem>>, vector<16xf32>,
    %swap3A_9 = vector.shape_cast %swap3A_8 : vector<16xf32> to vector<16xf32>
    %swap3A_10 = vector.shape_cast %broadcast_in_dim3A_6 : vector<16xf32> to vector<16xf32>
    tpu.vector_store %arg6[%swap3A_7], %swap3A_10 {strides = array<i32>} : memref<128xf32, #tpu.memory_space<vmem>>, vector<16xf32>,
    %broadcast_in_dim3A_11 = arith.constant 1.000000e+00 : f32
    %broadcast_in_dim3A_12 = vector.broadcast %broadcast_in_dim3A_11 : f32 to vector<16xf32>
    %swap3A_13 = arith.constant 32 : index
    %swap3A_14 = tpu.vector_load %arg6[%swap3A_13] {strides = array<i32>} : memref<128xf32, #tpu.memory_space<vmem>>, vector<16xf32>,
    %swap3A_15 = vector.shape_cast %swap3A_14 : vector<16xf32> to vector<16xf32>
    %swap3A_16 = vector.shape_cast %broadcast_in_dim3A_12 : vector<16xf32> to vector<16xf32>
    tpu.vector_store %arg6[%swap3A_13], %swap3A_16 {strides = array<i32>} : memref<128xf32, #tpu.memory_space<vmem>>, vector<16xf32>,
    %broadcast_in_dim3A_17 = arith.constant 1.000000e+00 : f32
    %broadcast_in_dim3A_18 = vector.broadcast %broadcast_in_dim3A_17 : f32 to vector<16xf32>
    %swap3A_19 = arith.constant 48 : index
    %swap3A_20 = tpu.vector_load %arg6[%swap3A_19] {strides = array<i32>} : memref<128xf32, #tpu.memory_space<vmem>>, vector<16xf32>,
    %swap3A_21 = vector.shape_cast %swap3A_20 : vector<16xf32> to vector<16xf32>
    %swap3A_22 = vector.shape_cast %broadcast_in_dim3A_18 : vector<16xf32> to vector<16xf32>
    tpu.vector_store %arg6[%swap3A_19], %swap3A_22 {strides = array<i32>} : memref<128xf32, #tpu.memory_space<vmem>>, vector<16xf32>,
    %broadcast_in_dim3A_23 = arith.constant 1.000000e+00 : f32
    %broadcast_in_dim3A_24 = vector.broadcast %broadcast_in_dim3A_23 : f32 to vector<16xf32>
    %swap3A_25 = arith.constant 64 : index
    %swap3A_26 = tpu.vector_load %arg6[%swap3A_25] {strides = array<i32>} : memref<128xf32, #tpu.memory_space<vmem>>, vector<16xf32>,
    %swap3A_27 = vector.shape_cast %swap3A_26 : vector<16xf32> to vector<16xf32>
    %swap3A_28 = vector.shape_cast %broadcast_in_dim3A_24 : vector<16xf32> to vector<16xf32>
    tpu.vector_store %arg6[%swap3A_25], %swap3A_28 {strides = array<i32>} : memref<128xf32, #tpu.memory_space<vmem>>, vector<16xf32>,
    %broadcast_in_dim3A_29 = arith.constant 1.000000e+00 : f32
    %broadcast_in_dim3A_30 = vector.broadcast %broadcast_in_dim3A_29 : f32 to vector<16xf32>
    %swap3A_31 = arith.constant 80 : index
    %swap3A_32 = tpu.vector_load %arg6[%swap3A_31] {strides = array<i32>} : memref<128xf32, #tpu.memory_space<vmem>>, vector<16xf32>,
    %swap3A_33 = vector.shape_cast %swap3A_32 : vector<16xf32> to vector<16xf32>
    %swap3A_34 = vector.shape_cast %broadcast_in_dim3A_30 : vector<16xf32> to vector<16xf32>
    tpu.vector_store %arg6[%swap3A_31], %swap3A_34 {strides = array<i32>} : memref<128xf32, #tpu.memory_space<vmem>>, vector<16xf32>,
    %broadcast_in_dim3A_35 = arith.constant 1.000000e+00 : f32
    %broadcast_in_dim3A_36 = vector.broadcast %broadcast_in_dim3A_35 : f32 to vector<16xf32>
    %swap3A_37 = arith.constant 96 : index
    %swap3A_38 = tpu.vector_load %arg6[%swap3A_37] {strides = array<i32>} : memref<128xf32, #tpu.memory_space<vmem>>, vector<16xf32>,
    %swap3A_39 = vector.shape_cast %swap3A_38 : vector<16xf32> to vector<16xf32>
    %swap3A_40 = vector.shape_cast %broadcast_in_dim3A_36 : vector<16xf32> to vector<16xf32>
    tpu.vector_store %arg6[%swap3A_37], %swap3A_40 {strides = array<i32>} : memref<128xf32, #tpu.memory_space<vmem>>, vector<16xf32>,
    %broadcast_in_dim3A_41 = arith.constant 1.000000e+00 : f32
    %broadcast_in_dim3A_42 = vector.broadcast %broadcast_in_dim3A_41 : f32 to vector<16xf32>
    %swap3A_43 = arith.constant 112 : index
    %swap3A_44 = tpu.vector_load %arg6[%swap3A_43] {strides = array<i32>} : memref<128xf32, #tpu.memory_space<vmem>>, vector<16xf32>,
    %swap3A_45 = vector.shape_cast %swap3A_44 : vector<16xf32> to vector<16xf32>
    %swap3A_46 = vector.shape_cast %broadcast_in_dim3A_42 : vector<16xf32> to vector<16xf32>
    tpu.vector_store %arg6[%swap3A_43], %swap3A_46 {strides = array<i32>} : memref<128xf32, #tpu.memory_space<vmem>>, vector<16xf32>,
    %mul3A_47 = arith.constant 640 : i32
    %mul3A_48 = arith.muli %arg1, %mul3A_47 : i32
    %mul3A_49 = arith.constant 640 : i32
    %mul3A_50 = arith.muli %arg1, %mul3A_49 : i32
    "tpu.region"() ({
      %run_scoped3A = tpu.sem_alloc : memref<!tpu.dma_semaphore, #tpu.memory_space<semaphore_mem>>
      %dma_start3A = tpu.memref_slice %arg7[%mul3A_50] : memref<10240xf32, #tpu.memory_space<vmem_shared>> -> memref<640xf32, #tpu.memory_space<vmem_shared>>
      %dma_start3A_61 = tpu.memref_slice %arg3[%mul3A_48] : memref<10240xf32, #tpu.memory_space<hbm>> -> memref<640xf32, #tpu.memory_space<hbm>>
      tpu.enqueue_dma source(%dma_start3A_61 : memref<640xf32, #tpu.memory_space<hbm>>) target(%dma_start3A : memref<640xf32, #tpu.memory_space<vmem_shared>>) target_semaphore(%run_scoped3A : memref<!tpu.dma_semaphore, #tpu.memory_space<semaphore_mem>>)
      %dma_wait3A = tpu.memref_slice %arg7[%mul3A_50] : memref<10240xf32, #tpu.memory_space<vmem_shared>> -> memref<640xf32, #tpu.memory_space<vmem_shared>>
      %dma_wait3A_62 = tpu.memref_slice %arg3[%mul3A_48] : memref<10240xf32, #tpu.memory_space<hbm>> -> memref<640xf32, #tpu.memory_space<hbm>>
      tpu.wait_dma2 semaphore(%run_scoped3A : memref<!tpu.dma_semaphore, #tpu.memory_space<semaphore_mem>>) src(%dma_wait3A_62 : memref<640xf32, #tpu.memory_space<hbm>>) dst(%dma_wait3A : memref<640xf32, #tpu.memory_space<vmem_shared>>)
      tpu.yield
    }) : () -> ()
    %barrier3A = arith.constant 0 : index
    tpu.barrier barrier_id(%barrier3A)
    %scan3A = arith.constant 0 : i32
    %scan3A_51 = arith.constant 0 : i32
    %scan3A_52 = arith.constant 80 : i32
    %scan3A_53 = arith.addi %scan3A_51, %scan3A_52 : i32
    %scan3A_54 = arith.constant 1 : i32
    scf.for %scan3A_61 = %scan3A_51 to %scan3A_53 step %scan3A_54  : i32 {
      "tpu.region"() ({
        %run_scoped3A = tpu.sem_alloc : memref<!tpu.dma_semaphore, #tpu.memory_space<semaphore_mem>>
        %dma_start3A = arith.constant 0 : i32
        %dma_start3A_62 = tpu.memref_slice %arg5[%scan3A_61, %dma_start3A] : memref<80x128xi32, #tpu.memory_space<vmem>> -> memref<1x128xi32, #tpu.memory_space<vmem>>
        %dma_start3A_63 = tpu.memref_squeeze %dma_start3A_62 : memref<1x128xi32, #tpu.memory_space<vmem>> -> memref<128xi32, #tpu.memory_space<vmem>>
        %dma_start3A_64 = arith.constant 0 : i32
        %dma_start3A_65 = tpu.memref_slice %arg7[%dma_start3A_64] : memref<10240xf32, #tpu.memory_space<vmem_shared>> -> memref<10240xf32, #tpu.memory_space<vmem_shared>>
        tpu.enqueue_indirect_dma source(%arg6 : memref<128xf32, #tpu.memory_space<vmem>>) target(%dma_start3A_65 : memref<10240xf32, #tpu.memory_space<vmem_shared>>) offsets(%dma_start3A_63 : memref<128xi32, #tpu.memory_space<vmem>>) semaphore(%run_scoped3A : memref<!tpu.dma_semaphore, #tpu.memory_space<semaphore_mem>>) {add = true}
        %dma_wait3A = arith.constant 0 : i32
        %dma_wait3A_66 = tpu.memref_slice %arg5[%scan3A_61, %dma_wait3A] : memref<80x128xi32, #tpu.memory_space<vmem>> -> memref<1x128xi32, #tpu.memory_space<vmem>>
        %dma_wait3A_67 = tpu.memref_squeeze %dma_wait3A_66 : memref<1x128xi32, #tpu.memory_space<vmem>> -> memref<128xi32, #tpu.memory_space<vmem>>
        %dma_wait3A_68 = arith.constant 0 : i32
        %dma_wait3A_69 = tpu.memref_slice %arg7[%dma_wait3A_68] : memref<10240xf32, #tpu.memory_space<vmem_shared>> -> memref<10240xf32, #tpu.memory_space<vmem_shared>>
        tpu.wait_indirect_dma semaphore(%run_scoped3A : memref<!tpu.dma_semaphore, #tpu.memory_space<semaphore_mem>>) src(%arg6 : memref<128xf32, #tpu.memory_space<vmem>>) dst(%dma_wait3A_69 : memref<10240xf32, #tpu.memory_space<vmem_shared>>)
        tpu.yield
      }) : () -> ()
    }
    %scan3A_55 = arith.constant 80 : i32
    %barrier3A_56 = arith.constant 0 : index
    tpu.barrier barrier_id(%barrier3A_56)
    %mul3A_57 = arith.constant 640 : i32
    %mul3A_58 = arith.muli %arg1, %mul3A_57 : i32
    %mul3A_59 = arith.constant 640 : i32
    %mul3A_60 = arith.muli %arg1, %mul3A_59 : i32
    "tpu.region"() ({
      %run_scoped3A = tpu.sem_alloc : memref<!tpu.dma_semaphore, #tpu.memory_space<semaphore_mem>>
      %dma_start3A = tpu.memref_slice %arg4[%arg0, %mul3A_60] : memref<2x10240xf32, #tpu.memory_space<hbm>> -> memref<1x640xf32, #tpu.memory_space<hbm>>
      %dma_start3A_61 = tpu.memref_squeeze %dma_start3A : memref<1x640xf32, #tpu.memory_space<hbm>> -> memref<640xf32, #tpu.memory_space<hbm>>
      %dma_start3A_62 = tpu.memref_slice %arg7[%mul3A_58] : memref<10240xf32, #tpu.memory_space<vmem_shared>> -> memref<640xf32, #tpu.memory_space<vmem_shared>>
      tpu.enqueue_dma source(%dma_start3A_62 : memref<640xf32, #tpu.memory_space<vmem_shared>>) target(%dma_start3A_61 : memref<640xf32, #tpu.memory_space<hbm>>) target_semaphore(%run_scoped3A : memref<!tpu.dma_semaphore, #tpu.memory_space<semaphore_mem>>)
      %dma_wait3A = tpu.memref_slice %arg4[%arg0, %mul3A_60] : memref<2x10240xf32, #tpu.memory_space<hbm>> -> memref<1x640xf32, #tpu.memory_space<hbm>>
      %dma_wait3A_63 = tpu.memref_squeeze %dma_wait3A : memref<1x640xf32, #tpu.memory_space<hbm>> -> memref<640xf32, #tpu.memory_space<hbm>>
      %dma_wait3A_64 = tpu.memref_slice %arg7[%mul3A_58] : memref<10240xf32, #tpu.memory_space<vmem_shared>> -> memref<640xf32, #tpu.memory_space<vmem_shared>>
      tpu.wait_dma2 semaphore(%run_scoped3A : memref<!tpu.dma_semaphore, #tpu.memory_space<semaphore_mem>>) src(%dma_wait3A_64 : memref<640xf32, #tpu.memory_space<vmem_shared>>) dst(%dma_wait3A_63 : memref<640xf32, #tpu.memory_space<hbm>>)
      tpu.yield
    }) : () -> ()
    return
  }
}

#map = affine_map<(d0, d1) -> (0, 0)>
#map1 = affine_map<(d0, d1) -> (0, 0, 0)>
module attributes {stable_mosaic.version = 14 : i64} {
  func.func @_sc_agg_body(%arg0: i32, %arg1: i32, %arg2: memref<10000x128xf32, #tpu.memory_space<hbm>>, %arg3: memref<32x80x128xi32, #tpu.memory_space<hbm>>, %arg4: memref<32x80x128xi32, #tpu.memory_space<hbm>>, %arg5: memref<10112x128xf32, #tpu.memory_space<hbm>>, %arg6: memref<2x10112x128xf32, #tpu.memory_space<hbm>>, %arg7: memref<40x128xi32, #tpu.memory_space<vmem>>, %arg8: memref<40x128xi32, #tpu.memory_space<vmem>>, %arg9: memref<128x128xf32, #tpu.memory_space<vmem>>, %arg10: memref<128x128xf32, #tpu.memory_space<vmem>>, %arg11: memref<10112x128xf32, #tpu.memory_space<vmem_shared>>, %arg12: memref<!tpu.dma_semaphore, #tpu.memory_space<semaphore_mem>>, %arg13: memref<!tpu.dma_semaphore, #tpu.memory_space<semaphore_mem>>) attributes {dimension_semantics = [#tpu.dimension_semantics<core_parallel>, #tpu.dimension_semantics<subcore_parallel>], iteration_bounds = array<i64: 2, 16>, scalar_prefetch = 0 : i64, scratch_operands = 7 : i64, tpu.core_type = #tpu.core_type<sc_vector_subcore>, window_params = [{transform_indices = #map}, {transform_indices = #map1}, {transform_indices = #map1}, {transform_indices = #map}, {transform_indices = #map1}]} {
    %mul3A = arith.constant 16 : i32
    %mul3A_0 = arith.muli %arg0, %mul3A : i32
    %add3A = arith.addi %mul3A_0, %arg1 : i32
    "tpu.region"() ({
      %run_scoped3A = tpu.sem_alloc : memref<!tpu.dma_semaphore, #tpu.memory_space<semaphore_mem>>
      %dma_start3A_75 = arith.constant 0 : i32
      %dma_start3A_76 = arith.constant 0 : i32
      %dma_start3A_77 = tpu.memref_slice %arg3[%add3A, %dma_start3A_75, %dma_start3A_76] : memref<32x80x128xi32, #tpu.memory_space<hbm>> -> memref<1x40x128xi32, #tpu.memory_space<hbm>>
      %dma_start3A_78 = tpu.memref_squeeze %dma_start3A_77 : memref<1x40x128xi32, #tpu.memory_space<hbm>> -> memref<40x128xi32, #tpu.memory_space<hbm>>
      %dma_start3A_79 = arith.constant 0 : i32
      %dma_start3A_80 = arith.constant 0 : i32
      %dma_start3A_81 = tpu.memref_slice %arg3[%add3A, %dma_start3A_79, %dma_start3A_80] : memref<32x80x128xi32, #tpu.memory_space<hbm>> -> memref<1x40x128xi32, #tpu.memory_space<hbm>>
      %dma_start3A_82 = tpu.memref_squeeze %dma_start3A_81 : memref<1x40x128xi32, #tpu.memory_space<hbm>> -> memref<40x128xi32, #tpu.memory_space<hbm>>
      tpu.enqueue_dma source(%dma_start3A_82 : memref<40x128xi32, #tpu.memory_space<hbm>>) target(%arg7 : memref<40x128xi32, #tpu.memory_space<vmem>>) target_semaphore(%run_scoped3A : memref<!tpu.dma_semaphore, #tpu.memory_space<semaphore_mem>>)
      %dma_wait3A_83 = arith.constant 0 : i32
      %dma_wait3A_84 = arith.constant 0 : i32
      %dma_wait3A_85 = tpu.memref_slice %arg3[%add3A, %dma_wait3A_83, %dma_wait3A_84] : memref<32x80x128xi32, #tpu.memory_space<hbm>> -> memref<1x40x128xi32, #tpu.memory_space<hbm>>
      %dma_wait3A_86 = tpu.memref_squeeze %dma_wait3A_85 : memref<1x40x128xi32, #tpu.memory_space<hbm>> -> memref<40x128xi32, #tpu.memory_space<hbm>>
      %dma_wait3A_87 = arith.constant 0 : i32
      %dma_wait3A_88 = arith.constant 0 : i32
      %dma_wait3A_89 = tpu.memref_slice %arg3[%add3A, %dma_wait3A_87, %dma_wait3A_88] : memref<32x80x128xi32, #tpu.memory_space<hbm>> -> memref<1x40x128xi32, #tpu.memory_space<hbm>>
      %dma_wait3A_90 = tpu.memref_squeeze %dma_wait3A_89 : memref<1x40x128xi32, #tpu.memory_space<hbm>> -> memref<40x128xi32, #tpu.memory_space<hbm>>
      tpu.wait_dma2 semaphore(%run_scoped3A : memref<!tpu.dma_semaphore, #tpu.memory_space<semaphore_mem>>) src(%dma_wait3A_90 : memref<40x128xi32, #tpu.memory_space<hbm>>) dst(%arg7 : memref<40x128xi32, #tpu.memory_space<vmem>>)
      tpu.yield
    }) : () -> ()
    "tpu.region"() ({
      %run_scoped3A = tpu.sem_alloc : memref<!tpu.dma_semaphore, #tpu.memory_space<semaphore_mem>>
      %dma_start3A_75 = arith.constant 0 : i32
      %dma_start3A_76 = arith.constant 0 : i32
      %dma_start3A_77 = tpu.memref_slice %arg4[%add3A, %dma_start3A_75, %dma_start3A_76] : memref<32x80x128xi32, #tpu.memory_space<hbm>> -> memref<1x40x128xi32, #tpu.memory_space<hbm>>
      %dma_start3A_78 = tpu.memref_squeeze %dma_start3A_77 : memref<1x40x128xi32, #tpu.memory_space<hbm>> -> memref<40x128xi32, #tpu.memory_space<hbm>>
      %dma_start3A_79 = arith.constant 0 : i32
      %dma_start3A_80 = arith.constant 0 : i32
      %dma_start3A_81 = tpu.memref_slice %arg4[%add3A, %dma_start3A_79, %dma_start3A_80] : memref<32x80x128xi32, #tpu.memory_space<hbm>> -> memref<1x40x128xi32, #tpu.memory_space<hbm>>
      %dma_start3A_82 = tpu.memref_squeeze %dma_start3A_81 : memref<1x40x128xi32, #tpu.memory_space<hbm>> -> memref<40x128xi32, #tpu.memory_space<hbm>>
      tpu.enqueue_dma source(%dma_start3A_82 : memref<40x128xi32, #tpu.memory_space<hbm>>) target(%arg8 : memref<40x128xi32, #tpu.memory_space<vmem>>) target_semaphore(%run_scoped3A : memref<!tpu.dma_semaphore, #tpu.memory_space<semaphore_mem>>)
      %dma_wait3A_83 = arith.constant 0 : i32
      %dma_wait3A_84 = arith.constant 0 : i32
      %dma_wait3A_85 = tpu.memref_slice %arg4[%add3A, %dma_wait3A_83, %dma_wait3A_84] : memref<32x80x128xi32, #tpu.memory_space<hbm>> -> memref<1x40x128xi32, #tpu.memory_space<hbm>>
      %dma_wait3A_86 = tpu.memref_squeeze %dma_wait3A_85 : memref<1x40x128xi32, #tpu.memory_space<hbm>> -> memref<40x128xi32, #tpu.memory_space<hbm>>
      %dma_wait3A_87 = arith.constant 0 : i32
      %dma_wait3A_88 = arith.constant 0 : i32
      %dma_wait3A_89 = tpu.memref_slice %arg4[%add3A, %dma_wait3A_87, %dma_wait3A_88] : memref<32x80x128xi32, #tpu.memory_space<hbm>> -> memref<1x40x128xi32, #tpu.memory_space<hbm>>
      %dma_wait3A_90 = tpu.memref_squeeze %dma_wait3A_89 : memref<1x40x128xi32, #tpu.memory_space<hbm>> -> memref<40x128xi32, #tpu.memory_space<hbm>>
      tpu.wait_dma2 semaphore(%run_scoped3A : memref<!tpu.dma_semaphore, #tpu.memory_space<semaphore_mem>>) src(%dma_wait3A_90 : memref<40x128xi32, #tpu.memory_space<hbm>>) dst(%arg8 : memref<40x128xi32, #tpu.memory_space<vmem>>)
      tpu.yield
    }) : () -> ()
    %dma_start3A = arith.constant 0 : i32
    %dma_start3A_1 = arith.constant 0 : i32
    %dma_start3A_2 = tpu.memref_slice %arg7[%dma_start3A, %dma_start3A_1] : memref<40x128xi32, #tpu.memory_space<vmem>> -> memref<1x128xi32, #tpu.memory_space<vmem>>
    %dma_start3A_3 = tpu.memref_squeeze %dma_start3A_2 : memref<1x128xi32, #tpu.memory_space<vmem>> -> memref<128xi32, #tpu.memory_space<vmem>>
    %dma_start3A_4 = arith.constant 0 : i32
    %dma_start3A_5 = arith.constant 0 : i32
    %dma_start3A_6 = tpu.memref_slice %arg2[%dma_start3A_4, %dma_start3A_5] : memref<10000x128xf32, #tpu.memory_space<hbm>> -> memref<10000x128xf32, #tpu.memory_space<hbm>>
    tpu.enqueue_indirect_dma source(%dma_start3A_6 : memref<10000x128xf32, #tpu.memory_space<hbm>>) target(%arg9 : memref<128x128xf32, #tpu.memory_space<vmem>>) offsets(%dma_start3A_3 : memref<128xi32, #tpu.memory_space<vmem>>) semaphore(%arg12 : memref<!tpu.dma_semaphore, #tpu.memory_space<semaphore_mem>>)
    %dma_start3A_7 = arith.constant 1 : i32
    %dma_start3A_8 = arith.constant 0 : i32
    %dma_start3A_9 = tpu.memref_slice %arg7[%dma_start3A_7, %dma_start3A_8] : memref<40x128xi32, #tpu.memory_space<vmem>> -> memref<1x128xi32, #tpu.memory_space<vmem>>
    %dma_start3A_10 = tpu.memref_squeeze %dma_start3A_9 : memref<1x128xi32, #tpu.memory_space<vmem>> -> memref<128xi32, #tpu.memory_space<vmem>>
    %dma_start3A_11 = arith.constant 0 : i32
    %dma_start3A_12 = arith.constant 0 : i32
    %dma_start3A_13 = tpu.memref_slice %arg2[%dma_start3A_11, %dma_start3A_12] : memref<10000x128xf32, #tpu.memory_space<hbm>> -> memref<10000x128xf32, #tpu.memory_space<hbm>>
    tpu.enqueue_indirect_dma source(%dma_start3A_13 : memref<10000x128xf32, #tpu.memory_space<hbm>>) target(%arg10 : memref<128x128xf32, #tpu.memory_space<vmem>>) offsets(%dma_start3A_10 : memref<128xi32, #tpu.memory_space<vmem>>) semaphore(%arg13 : memref<!tpu.dma_semaphore, #tpu.memory_space<semaphore_mem>>)
    %mul3A_14 = arith.constant 632 : i32
    %mul3A_15 = arith.muli %arg1, %mul3A_14 : i32
    %mul3A_16 = arith.constant 632 : i32
    %mul3A_17 = arith.muli %arg1, %mul3A_16 : i32
    "tpu.region"() ({
      %run_scoped3A = tpu.sem_alloc : memref<!tpu.dma_semaphore, #tpu.memory_space<semaphore_mem>>
      %dma_start3A_75 = arith.constant 0 : i32
      %dma_start3A_76 = tpu.memref_slice %arg11[%mul3A_17, %dma_start3A_75] : memref<10112x128xf32, #tpu.memory_space<vmem_shared>> -> memref<632x128xf32, #tpu.memory_space<vmem_shared>>
      %dma_start3A_77 = arith.constant 0 : i32
      %dma_start3A_78 = tpu.memref_slice %arg5[%mul3A_15, %dma_start3A_77] : memref<10112x128xf32, #tpu.memory_space<hbm>> -> memref<632x128xf32, #tpu.memory_space<hbm>>
      tpu.enqueue_dma source(%dma_start3A_78 : memref<632x128xf32, #tpu.memory_space<hbm>>) target(%dma_start3A_76 : memref<632x128xf32, #tpu.memory_space<vmem_shared>>) target_semaphore(%run_scoped3A : memref<!tpu.dma_semaphore, #tpu.memory_space<semaphore_mem>>)
      %dma_wait3A_79 = arith.constant 0 : i32
      %dma_wait3A_80 = tpu.memref_slice %arg11[%mul3A_17, %dma_wait3A_79] : memref<10112x128xf32, #tpu.memory_space<vmem_shared>> -> memref<632x128xf32, #tpu.memory_space<vmem_shared>>
      %dma_wait3A_81 = arith.constant 0 : i32
      %dma_wait3A_82 = tpu.memref_slice %arg5[%mul3A_15, %dma_wait3A_81] : memref<10112x128xf32, #tpu.memory_space<hbm>> -> memref<632x128xf32, #tpu.memory_space<hbm>>
      tpu.wait_dma2 semaphore(%run_scoped3A : memref<!tpu.dma_semaphore, #tpu.memory_space<semaphore_mem>>) src(%dma_wait3A_82 : memref<632x128xf32, #tpu.memory_space<hbm>>) dst(%dma_wait3A_80 : memref<632x128xf32, #tpu.memory_space<vmem_shared>>)
      tpu.yield
    }) : () -> ()
    %barrier3A = arith.constant 0 : index
    tpu.barrier barrier_id(%barrier3A)
    %scan3A = arith.constant 0 : i32
    %scan3A_18 = arith.constant 0 : i32
    %scan3A_19 = arith.constant 20 : i32
    %scan3A_20 = arith.addi %scan3A_18, %scan3A_19 : i32
    %scan3A_21 = arith.constant 1 : i32
    scf.for %scan3A_75 = %scan3A_18 to %scan3A_20 step %scan3A_21  : i32 {
      %mul3A_76 = arith.constant 2 : i32
      %mul3A_77 = arith.muli %mul3A_76, %scan3A_75 : i32
      %add3A_78 = arith.constant 1 : i32
      %add3A_79 = arith.addi %mul3A_77, %add3A_78 : i32
      %add3A_80 = arith.constant 2 : i32
      %add3A_81 = arith.addi %mul3A_77, %add3A_80 : i32
      %min3A = arith.constant 39 : i32
      %min3A_82 = arith.minsi %add3A_81, %min3A : i32
      %add3A_83 = arith.constant 2 : i32
      %add3A_84 = arith.addi %add3A_79, %add3A_83 : i32
      %min3A_85 = arith.constant 39 : i32
      %min3A_86 = arith.minsi %add3A_84, %min3A_85 : i32
      %dma_wait3A_87 = arith.constant 0 : i32
      %dma_wait3A_88 = tpu.memref_slice %arg7[%mul3A_77, %dma_wait3A_87] : memref<40x128xi32, #tpu.memory_space<vmem>> -> memref<1x128xi32, #tpu.memory_space<vmem>>
      %dma_wait3A_89 = tpu.memref_squeeze %dma_wait3A_88 : memref<1x128xi32, #tpu.memory_space<vmem>> -> memref<128xi32, #tpu.memory_space<vmem>>
      %dma_wait3A_90 = arith.constant 0 : i32
      %dma_wait3A_91 = arith.constant 0 : i32
      %dma_wait3A_92 = tpu.memref_slice %arg2[%dma_wait3A_90, %dma_wait3A_91] : memref<10000x128xf32, #tpu.memory_space<hbm>> -> memref<10000x128xf32, #tpu.memory_space<hbm>>
      tpu.wait_indirect_dma semaphore(%arg12 : memref<!tpu.dma_semaphore, #tpu.memory_space<semaphore_mem>>) src(%dma_wait3A_92 : memref<10000x128xf32, #tpu.memory_space<hbm>>) dst(%arg9 : memref<128x128xf32, #tpu.memory_space<vmem>>)
      "tpu.region"() ({
        %run_scoped3A = tpu.sem_alloc : memref<!tpu.dma_semaphore, #tpu.memory_space<semaphore_mem>>
        %dma_start3A_111 = arith.constant 0 : i32
        %dma_start3A_112 = tpu.memref_slice %arg8[%mul3A_77, %dma_start3A_111] : memref<40x128xi32, #tpu.memory_space<vmem>> -> memref<1x128xi32, #tpu.memory_space<vmem>>
        %dma_start3A_113 = tpu.memref_squeeze %dma_start3A_112 : memref<1x128xi32, #tpu.memory_space<vmem>> -> memref<128xi32, #tpu.memory_space<vmem>>
        %dma_start3A_114 = arith.constant 0 : i32
        %dma_start3A_115 = arith.constant 0 : i32
        %dma_start3A_116 = tpu.memref_slice %arg11[%dma_start3A_114, %dma_start3A_115] : memref<10112x128xf32, #tpu.memory_space<vmem_shared>> -> memref<10112x128xf32, #tpu.memory_space<vmem_shared>>
        tpu.enqueue_indirect_dma source(%arg9 : memref<128x128xf32, #tpu.memory_space<vmem>>) target(%dma_start3A_116 : memref<10112x128xf32, #tpu.memory_space<vmem_shared>>) offsets(%dma_start3A_113 : memref<128xi32, #tpu.memory_space<vmem>>) semaphore(%run_scoped3A : memref<!tpu.dma_semaphore, #tpu.memory_space<semaphore_mem>>) {add = true}
        %dma_wait3A_117 = arith.constant 0 : i32
        %dma_wait3A_118 = tpu.memref_slice %arg8[%mul3A_77, %dma_wait3A_117] : memref<40x128xi32, #tpu.memory_space<vmem>> -> memref<1x128xi32, #tpu.memory_space<vmem>>
        %dma_wait3A_119 = tpu.memref_squeeze %dma_wait3A_118 : memref<1x128xi32, #tpu.memory_space<vmem>> -> memref<128xi32, #tpu.memory_space<vmem>>
        %dma_wait3A_120 = arith.constant 0 : i32
        %dma_wait3A_121 = arith.constant 0 : i32
        %dma_wait3A_122 = tpu.memref_slice %arg11[%dma_wait3A_120, %dma_wait3A_121] : memref<10112x128xf32, #tpu.memory_space<vmem_shared>> -> memref<10112x128xf32, #tpu.memory_space<vmem_shared>>
        tpu.wait_indirect_dma semaphore(%run_scoped3A : memref<!tpu.dma_semaphore, #tpu.memory_space<semaphore_mem>>) src(%arg9 : memref<128x128xf32, #tpu.memory_space<vmem>>) dst(%dma_wait3A_122 : memref<10112x128xf32, #tpu.memory_space<vmem_shared>>)
        tpu.yield
      }) : () -> ()
      %dma_start3A_93 = arith.constant 0 : i32
      %dma_start3A_94 = tpu.memref_slice %arg7[%min3A_82, %dma_start3A_93] : memref<40x128xi32, #tpu.memory_space<vmem>> -> memref<1x128xi32, #tpu.memory_space<vmem>>
      %dma_start3A_95 = tpu.memref_squeeze %dma_start3A_94 : memref<1x128xi32, #tpu.memory_space<vmem>> -> memref<128xi32, #tpu.memory_space<vmem>>
      %dma_start3A_96 = arith.constant 0 : i32
      %dma_start3A_97 = arith.constant 0 : i32
      %dma_start3A_98 = tpu.memref_slice %arg2[%dma_start3A_96, %dma_start3A_97] : memref<10000x128xf32, #tpu.memory_space<hbm>> -> memref<10000x128xf32, #tpu.memory_space<hbm>>
      tpu.enqueue_indirect_dma source(%dma_start3A_98 : memref<10000x128xf32, #tpu.memory_space<hbm>>) target(%arg9 : memref<128x128xf32, #tpu.memory_space<vmem>>) offsets(%dma_start3A_95 : memref<128xi32, #tpu.memory_space<vmem>>) semaphore(%arg12 : memref<!tpu.dma_semaphore, #tpu.memory_space<semaphore_mem>>)
      %dma_wait3A_99 = arith.constant 0 : i32
      %dma_wait3A_100 = tpu.memref_slice %arg7[%add3A_79, %dma_wait3A_99] : memref<40x128xi32, #tpu.memory_space<vmem>> -> memref<1x128xi32, #tpu.memory_space<vmem>>
      %dma_wait3A_101 = tpu.memref_squeeze %dma_wait3A_100 : memref<1x128xi32, #tpu.memory_space<vmem>> -> memref<128xi32, #tpu.memory_space<vmem>>
      %dma_wait3A_102 = arith.constant 0 : i32
      %dma_wait3A_103 = arith.constant 0 : i32
      %dma_wait3A_104 = tpu.memref_slice %arg2[%dma_wait3A_102, %dma_wait3A_103] : memref<10000x128xf32, #tpu.memory_space<hbm>> -> memref<10000x128xf32, #tpu.memory_space<hbm>>
      tpu.wait_indirect_dma semaphore(%arg13 : memref<!tpu.dma_semaphore, #tpu.memory_space<semaphore_mem>>) src(%dma_wait3A_104 : memref<10000x128xf32, #tpu.memory_space<hbm>>) dst(%arg10 : memref<128x128xf32, #tpu.memory_space<vmem>>)
      "tpu.region"() ({
        %run_scoped3A = tpu.sem_alloc : memref<!tpu.dma_semaphore, #tpu.memory_space<semaphore_mem>>
        %dma_start3A_111 = arith.constant 0 : i32
        %dma_start3A_112 = tpu.memref_slice %arg8[%add3A_79, %dma_start3A_111] : memref<40x128xi32, #tpu.memory_space<vmem>> -> memref<1x128xi32, #tpu.memory_space<vmem>>
        %dma_start3A_113 = tpu.memref_squeeze %dma_start3A_112 : memref<1x128xi32, #tpu.memory_space<vmem>> -> memref<128xi32, #tpu.memory_space<vmem>>
        %dma_start3A_114 = arith.constant 0 : i32
        %dma_start3A_115 = arith.constant 0 : i32
        %dma_start3A_116 = tpu.memref_slice %arg11[%dma_start3A_114, %dma_start3A_115] : memref<10112x128xf32, #tpu.memory_space<vmem_shared>> -> memref<10112x128xf32, #tpu.memory_space<vmem_shared>>
        tpu.enqueue_indirect_dma source(%arg10 : memref<128x128xf32, #tpu.memory_space<vmem>>) target(%dma_start3A_116 : memref<10112x128xf32, #tpu.memory_space<vmem_shared>>) offsets(%dma_start3A_113 : memref<128xi32, #tpu.memory_space<vmem>>) semaphore(%run_scoped3A : memref<!tpu.dma_semaphore, #tpu.memory_space<semaphore_mem>>) {add = true}
        %dma_wait3A_117 = arith.constant 0 : i32
        %dma_wait3A_118 = tpu.memref_slice %arg8[%add3A_79, %dma_wait3A_117] : memref<40x128xi32, #tpu.memory_space<vmem>> -> memref<1x128xi32, #tpu.memory_space<vmem>>
        %dma_wait3A_119 = tpu.memref_squeeze %dma_wait3A_118 : memref<1x128xi32, #tpu.memory_space<vmem>> -> memref<128xi32, #tpu.memory_space<vmem>>
        %dma_wait3A_120 = arith.constant 0 : i32
        %dma_wait3A_121 = arith.constant 0 : i32
        %dma_wait3A_122 = tpu.memref_slice %arg11[%dma_wait3A_120, %dma_wait3A_121] : memref<10112x128xf32, #tpu.memory_space<vmem_shared>> -> memref<10112x128xf32, #tpu.memory_space<vmem_shared>>
        tpu.wait_indirect_dma semaphore(%run_scoped3A : memref<!tpu.dma_semaphore, #tpu.memory_space<semaphore_mem>>) src(%arg10 : memref<128x128xf32, #tpu.memory_space<vmem>>) dst(%dma_wait3A_122 : memref<10112x128xf32, #tpu.memory_space<vmem_shared>>)
        tpu.yield
      }) : () -> ()
      %dma_start3A_105 = arith.constant 0 : i32
      %dma_start3A_106 = tpu.memref_slice %arg7[%min3A_86, %dma_start3A_105] : memref<40x128xi32, #tpu.memory_space<vmem>> -> memref<1x128xi32, #tpu.memory_space<vmem>>
      %dma_start3A_107 = tpu.memref_squeeze %dma_start3A_106 : memref<1x128xi32, #tpu.memory_space<vmem>> -> memref<128xi32, #tpu.memory_space<vmem>>
      %dma_start3A_108 = arith.constant 0 : i32
      %dma_start3A_109 = arith.constant 0 : i32
      %dma_start3A_110 = tpu.memref_slice %arg2[%dma_start3A_108, %dma_start3A_109] : memref<10000x128xf32, #tpu.memory_space<hbm>> -> memref<10000x128xf32, #tpu.memory_space<hbm>>
      tpu.enqueue_indirect_dma source(%dma_start3A_110 : memref<10000x128xf32, #tpu.memory_space<hbm>>) target(%arg10 : memref<128x128xf32, #tpu.memory_space<vmem>>) offsets(%dma_start3A_107 : memref<128xi32, #tpu.memory_space<vmem>>) semaphore(%arg13 : memref<!tpu.dma_semaphore, #tpu.memory_space<semaphore_mem>>)
    }
    %scan3A_22 = arith.constant 20 : i32
    %dma_wait3A = arith.constant 39 : i32
    %dma_wait3A_23 = arith.constant 0 : i32
    %dma_wait3A_24 = tpu.memref_slice %arg7[%dma_wait3A, %dma_wait3A_23] : memref<40x128xi32, #tpu.memory_space<vmem>> -> memref<1x128xi32, #tpu.memory_space<vmem>>
    %dma_wait3A_25 = tpu.memref_squeeze %dma_wait3A_24 : memref<1x128xi32, #tpu.memory_space<vmem>> -> memref<128xi32, #tpu.memory_space<vmem>>
    %dma_wait3A_26 = arith.constant 0 : i32
    %dma_wait3A_27 = arith.constant 0 : i32
    %dma_wait3A_28 = tpu.memref_slice %arg2[%dma_wait3A_26, %dma_wait3A_27] : memref<10000x128xf32, #tpu.memory_space<hbm>> -> memref<10000x128xf32, #tpu.memory_space<hbm>>
    tpu.wait_indirect_dma semaphore(%arg12 : memref<!tpu.dma_semaphore, #tpu.memory_space<semaphore_mem>>) src(%dma_wait3A_28 : memref<10000x128xf32, #tpu.memory_space<hbm>>) dst(%arg9 : memref<128x128xf32, #tpu.memory_space<vmem>>)
    %dma_wait3A_29 = arith.constant 39 : i32
    %dma_wait3A_30 = arith.constant 0 : i32
    %dma_wait3A_31 = tpu.memref_slice %arg7[%dma_wait3A_29, %dma_wait3A_30] : memref<40x128xi32, #tpu.memory_space<vmem>> -> memref<1x128xi32, #tpu.memory_space<vmem>>
    %dma_wait3A_32 = tpu.memref_squeeze %dma_wait3A_31 : memref<1x128xi32, #tpu.memory_space<vmem>> -> memref<128xi32, #tpu.memory_space<vmem>>
    %dma_wait3A_33 = arith.constant 0 : i32
    %dma_wait3A_34 = arith.constant 0 : i32
    %dma_wait3A_35 = tpu.memref_slice %arg2[%dma_wait3A_33, %dma_wait3A_34] : memref<10000x128xf32, #tpu.memory_space<hbm>> -> memref<10000x128xf32, #tpu.memory_space<hbm>>
    tpu.wait_indirect_dma semaphore(%arg13 : memref<!tpu.dma_semaphore, #tpu.memory_space<semaphore_mem>>) src(%dma_wait3A_35 : memref<10000x128xf32, #tpu.memory_space<hbm>>) dst(%arg10 : memref<128x128xf32, #tpu.memory_space<vmem>>)
    "tpu.region"() ({
      %run_scoped3A = tpu.sem_alloc : memref<!tpu.dma_semaphore, #tpu.memory_space<semaphore_mem>>
      %dma_start3A_75 = arith.constant 40 : i32
      %dma_start3A_76 = arith.constant 0 : i32
      %dma_start3A_77 = tpu.memref_slice %arg3[%add3A, %dma_start3A_75, %dma_start3A_76] : memref<32x80x128xi32, #tpu.memory_space<hbm>> -> memref<1x40x128xi32, #tpu.memory_space<hbm>>
      %dma_start3A_78 = tpu.memref_squeeze %dma_start3A_77 : memref<1x40x128xi32, #tpu.memory_space<hbm>> -> memref<40x128xi32, #tpu.memory_space<hbm>>
      %dma_start3A_79 = arith.constant 40 : i32
      %dma_start3A_80 = arith.constant 0 : i32
      %dma_start3A_81 = tpu.memref_slice %arg3[%add3A, %dma_start3A_79, %dma_start3A_80] : memref<32x80x128xi32, #tpu.memory_space<hbm>> -> memref<1x40x128xi32, #tpu.memory_space<hbm>>
      %dma_start3A_82 = tpu.memref_squeeze %dma_start3A_81 : memref<1x40x128xi32, #tpu.memory_space<hbm>> -> memref<40x128xi32, #tpu.memory_space<hbm>>
      tpu.enqueue_dma source(%dma_start3A_82 : memref<40x128xi32, #tpu.memory_space<hbm>>) target(%arg7 : memref<40x128xi32, #tpu.memory_space<vmem>>) target_semaphore(%run_scoped3A : memref<!tpu.dma_semaphore, #tpu.memory_space<semaphore_mem>>)
      %dma_wait3A_83 = arith.constant 40 : i32
      %dma_wait3A_84 = arith.constant 0 : i32
      %dma_wait3A_85 = tpu.memref_slice %arg3[%add3A, %dma_wait3A_83, %dma_wait3A_84] : memref<32x80x128xi32, #tpu.memory_space<hbm>> -> memref<1x40x128xi32, #tpu.memory_space<hbm>>
      %dma_wait3A_86 = tpu.memref_squeeze %dma_wait3A_85 : memref<1x40x128xi32, #tpu.memory_space<hbm>> -> memref<40x128xi32, #tpu.memory_space<hbm>>
      %dma_wait3A_87 = arith.constant 40 : i32
      %dma_wait3A_88 = arith.constant 0 : i32
      %dma_wait3A_89 = tpu.memref_slice %arg3[%add3A, %dma_wait3A_87, %dma_wait3A_88] : memref<32x80x128xi32, #tpu.memory_space<hbm>> -> memref<1x40x128xi32, #tpu.memory_space<hbm>>
      %dma_wait3A_90 = tpu.memref_squeeze %dma_wait3A_89 : memref<1x40x128xi32, #tpu.memory_space<hbm>> -> memref<40x128xi32, #tpu.memory_space<hbm>>
      tpu.wait_dma2 semaphore(%run_scoped3A : memref<!tpu.dma_semaphore, #tpu.memory_space<semaphore_mem>>) src(%dma_wait3A_90 : memref<40x128xi32, #tpu.memory_space<hbm>>) dst(%arg7 : memref<40x128xi32, #tpu.memory_space<vmem>>)
      tpu.yield
    }) : () -> ()
    "tpu.region"() ({
      %run_scoped3A = tpu.sem_alloc : memref<!tpu.dma_semaphore, #tpu.memory_space<semaphore_mem>>
      %dma_start3A_75 = arith.constant 40 : i32
      %dma_start3A_76 = arith.constant 0 : i32
      %dma_start3A_77 = tpu.memref_slice %arg4[%add3A, %dma_start3A_75, %dma_start3A_76] : memref<32x80x128xi32, #tpu.memory_space<hbm>> -> memref<1x40x128xi32, #tpu.memory_space<hbm>>
      %dma_start3A_78 = tpu.memref_squeeze %dma_start3A_77 : memref<1x40x128xi32, #tpu.memory_space<hbm>> -> memref<40x128xi32, #tpu.memory_space<hbm>>
      %dma_start3A_79 = arith.constant 40 : i32
      %dma_start3A_80 = arith.constant 0 : i32
      %dma_start3A_81 = tpu.memref_slice %arg4[%add3A, %dma_start3A_79, %dma_start3A_80] : memref<32x80x128xi32, #tpu.memory_space<hbm>> -> memref<1x40x128xi32, #tpu.memory_space<hbm>>
      %dma_start3A_82 = tpu.memref_squeeze %dma_start3A_81 : memref<1x40x128xi32, #tpu.memory_space<hbm>> -> memref<40x128xi32, #tpu.memory_space<hbm>>
      tpu.enqueue_dma source(%dma_start3A_82 : memref<40x128xi32, #tpu.memory_space<hbm>>) target(%arg8 : memref<40x128xi32, #tpu.memory_space<vmem>>) target_semaphore(%run_scoped3A : memref<!tpu.dma_semaphore, #tpu.memory_space<semaphore_mem>>)
      %dma_wait3A_83 = arith.constant 40 : i32
      %dma_wait3A_84 = arith.constant 0 : i32
      %dma_wait3A_85 = tpu.memref_slice %arg4[%add3A, %dma_wait3A_83, %dma_wait3A_84] : memref<32x80x128xi32, #tpu.memory_space<hbm>> -> memref<1x40x128xi32, #tpu.memory_space<hbm>>
      %dma_wait3A_86 = tpu.memref_squeeze %dma_wait3A_85 : memref<1x40x128xi32, #tpu.memory_space<hbm>> -> memref<40x128xi32, #tpu.memory_space<hbm>>
      %dma_wait3A_87 = arith.constant 40 : i32
      %dma_wait3A_88 = arith.constant 0 : i32
      %dma_wait3A_89 = tpu.memref_slice %arg4[%add3A, %dma_wait3A_87, %dma_wait3A_88] : memref<32x80x128xi32, #tpu.memory_space<hbm>> -> memref<1x40x128xi32, #tpu.memory_space<hbm>>
      %dma_wait3A_90 = tpu.memref_squeeze %dma_wait3A_89 : memref<1x40x128xi32, #tpu.memory_space<hbm>> -> memref<40x128xi32, #tpu.memory_space<hbm>>
      tpu.wait_dma2 semaphore(%run_scoped3A : memref<!tpu.dma_semaphore, #tpu.memory_space<semaphore_mem>>) src(%dma_wait3A_90 : memref<40x128xi32, #tpu.memory_space<hbm>>) dst(%arg8 : memref<40x128xi32, #tpu.memory_space<vmem>>)
      tpu.yield
    }) : () -> ()
    %dma_start3A_36 = arith.constant 0 : i32
    %dma_start3A_37 = arith.constant 0 : i32
    %dma_start3A_38 = tpu.memref_slice %arg7[%dma_start3A_36, %dma_start3A_37] : memref<40x128xi32, #tpu.memory_space<vmem>> -> memref<1x128xi32, #tpu.memory_space<vmem>>
    %dma_start3A_39 = tpu.memref_squeeze %dma_start3A_38 : memref<1x128xi32, #tpu.memory_space<vmem>> -> memref<128xi32, #tpu.memory_space<vmem>>
    %dma_start3A_40 = arith.constant 0 : i32
    %dma_start3A_41 = arith.constant 0 : i32
    %dma_start3A_42 = tpu.memref_slice %arg2[%dma_start3A_40, %dma_start3A_41] : memref<10000x128xf32, #tpu.memory_space<hbm>> -> memref<10000x128xf32, #tpu.memory_space<hbm>>
    tpu.enqueue_indirect_dma source(%dma_start3A_42 : memref<10000x128xf32, #tpu.memory_space<hbm>>) target(%arg9 : memref<128x128xf32, #tpu.memory_space<vmem>>) offsets(%dma_start3A_39 : memref<128xi32, #tpu.memory_space<vmem>>) semaphore(%arg12 : memref<!tpu.dma_semaphore, #tpu.memory_space<semaphore_mem>>)
    %dma_start3A_43 = arith.constant 1 : i32
    %dma_start3A_44 = arith.constant 0 : i32
    %dma_start3A_45 = tpu.memref_slice %arg7[%dma_start3A_43, %dma_start3A_44] : memref<40x128xi32, #tpu.memory_space<vmem>> -> memref<1x128xi32, #tpu.memory_space<vmem>>
    %dma_start3A_46 = tpu.memref_squeeze %dma_start3A_45 : memref<1x128xi32, #tpu.memory_space<vmem>> -> memref<128xi32, #tpu.memory_space<vmem>>
    %dma_start3A_47 = arith.constant 0 : i32
    %dma_start3A_48 = arith.constant 0 : i32
    %dma_start3A_49 = tpu.memref_slice %arg2[%dma_start3A_47, %dma_start3A_48] : memref<10000x128xf32, #tpu.memory_space<hbm>> -> memref<10000x128xf32, #tpu.memory_space<hbm>>
    tpu.enqueue_indirect_dma source(%dma_start3A_49 : memref<10000x128xf32, #tpu.memory_space<hbm>>) target(%arg10 : memref<128x128xf32, #tpu.memory_space<vmem>>) offsets(%dma_start3A_46 : memref<128xi32, #tpu.memory_space<vmem>>) semaphore(%arg13 : memref<!tpu.dma_semaphore, #tpu.memory_space<semaphore_mem>>)
    %scan3A_50 = arith.constant 0 : i32
    %scan3A_51 = arith.constant 0 : i32
    %scan3A_52 = arith.constant 20 : i32
    %scan3A_53 = arith.addi %scan3A_51, %scan3A_52 : i32
    %scan3A_54 = arith.constant 1 : i32
    scf.for %scan3A_75 = %scan3A_51 to %scan3A_53 step %scan3A_54  : i32 {
      %mul3A_76 = arith.constant 2 : i32
      %mul3A_77 = arith.muli %mul3A_76, %scan3A_75 : i32
      %add3A_78 = arith.constant 1 : i32
      %add3A_79 = arith.addi %mul3A_77, %add3A_78 : i32
      %add3A_80 = arith.constant 2 : i32
      %add3A_81 = arith.addi %mul3A_77, %add3A_80 : i32
      %min3A = arith.constant 39 : i32
      %min3A_82 = arith.minsi %add3A_81, %min3A : i32
      %add3A_83 = arith.constant 2 : i32
      %add3A_84 = arith.addi %add3A_79, %add3A_83 : i32
      %min3A_85 = arith.constant 39 : i32
      %min3A_86 = arith.minsi %add3A_84, %min3A_85 : i32
      %dma_wait3A_87 = arith.constant 0 : i32
      %dma_wait3A_88 = tpu.memref_slice %arg7[%mul3A_77, %dma_wait3A_87] : memref<40x128xi32, #tpu.memory_space<vmem>> -> memref<1x128xi32, #tpu.memory_space<vmem>>
      %dma_wait3A_89 = tpu.memref_squeeze %dma_wait3A_88 : memref<1x128xi32, #tpu.memory_space<vmem>> -> memref<128xi32, #tpu.memory_space<vmem>>
      %dma_wait3A_90 = arith.constant 0 : i32
      %dma_wait3A_91 = arith.constant 0 : i32
      %dma_wait3A_92 = tpu.memref_slice %arg2[%dma_wait3A_90, %dma_wait3A_91] : memref<10000x128xf32, #tpu.memory_space<hbm>> -> memref<10000x128xf32, #tpu.memory_space<hbm>>
      tpu.wait_indirect_dma semaphore(%arg12 : memref<!tpu.dma_semaphore, #tpu.memory_space<semaphore_mem>>) src(%dma_wait3A_92 : memref<10000x128xf32, #tpu.memory_space<hbm>>) dst(%arg9 : memref<128x128xf32, #tpu.memory_space<vmem>>)
      "tpu.region"() ({
        %run_scoped3A = tpu.sem_alloc : memref<!tpu.dma_semaphore, #tpu.memory_space<semaphore_mem>>
        %dma_start3A_111 = arith.constant 0 : i32
        %dma_start3A_112 = tpu.memref_slice %arg8[%mul3A_77, %dma_start3A_111] : memref<40x128xi32, #tpu.memory_space<vmem>> -> memref<1x128xi32, #tpu.memory_space<vmem>>
        %dma_start3A_113 = tpu.memref_squeeze %dma_start3A_112 : memref<1x128xi32, #tpu.memory_space<vmem>> -> memref<128xi32, #tpu.memory_space<vmem>>
        %dma_start3A_114 = arith.constant 0 : i32
        %dma_start3A_115 = arith.constant 0 : i32
        %dma_start3A_116 = tpu.memref_slice %arg11[%dma_start3A_114, %dma_start3A_115] : memref<10112x128xf32, #tpu.memory_space<vmem_shared>> -> memref<10112x128xf32, #tpu.memory_space<vmem_shared>>
        tpu.enqueue_indirect_dma source(%arg9 : memref<128x128xf32, #tpu.memory_space<vmem>>) target(%dma_start3A_116 : memref<10112x128xf32, #tpu.memory_space<vmem_shared>>) offsets(%dma_start3A_113 : memref<128xi32, #tpu.memory_space<vmem>>) semaphore(%run_scoped3A : memref<!tpu.dma_semaphore, #tpu.memory_space<semaphore_mem>>) {add = true}
        %dma_wait3A_117 = arith.constant 0 : i32
        %dma_wait3A_118 = tpu.memref_slice %arg8[%mul3A_77, %dma_wait3A_117] : memref<40x128xi32, #tpu.memory_space<vmem>> -> memref<1x128xi32, #tpu.memory_space<vmem>>
        %dma_wait3A_119 = tpu.memref_squeeze %dma_wait3A_118 : memref<1x128xi32, #tpu.memory_space<vmem>> -> memref<128xi32, #tpu.memory_space<vmem>>
        %dma_wait3A_120 = arith.constant 0 : i32
        %dma_wait3A_121 = arith.constant 0 : i32
        %dma_wait3A_122 = tpu.memref_slice %arg11[%dma_wait3A_120, %dma_wait3A_121] : memref<10112x128xf32, #tpu.memory_space<vmem_shared>> -> memref<10112x128xf32, #tpu.memory_space<vmem_shared>>
        tpu.wait_indirect_dma semaphore(%run_scoped3A : memref<!tpu.dma_semaphore, #tpu.memory_space<semaphore_mem>>) src(%arg9 : memref<128x128xf32, #tpu.memory_space<vmem>>) dst(%dma_wait3A_122 : memref<10112x128xf32, #tpu.memory_space<vmem_shared>>)
        tpu.yield
      }) : () -> ()
      %dma_start3A_93 = arith.constant 0 : i32
      %dma_start3A_94 = tpu.memref_slice %arg7[%min3A_82, %dma_start3A_93] : memref<40x128xi32, #tpu.memory_space<vmem>> -> memref<1x128xi32, #tpu.memory_space<vmem>>
      %dma_start3A_95 = tpu.memref_squeeze %dma_start3A_94 : memref<1x128xi32, #tpu.memory_space<vmem>> -> memref<128xi32, #tpu.memory_space<vmem>>
      %dma_start3A_96 = arith.constant 0 : i32
      %dma_start3A_97 = arith.constant 0 : i32
      %dma_start3A_98 = tpu.memref_slice %arg2[%dma_start3A_96, %dma_start3A_97] : memref<10000x128xf32, #tpu.memory_space<hbm>> -> memref<10000x128xf32, #tpu.memory_space<hbm>>
      tpu.enqueue_indirect_dma source(%dma_start3A_98 : memref<10000x128xf32, #tpu.memory_space<hbm>>) target(%arg9 : memref<128x128xf32, #tpu.memory_space<vmem>>) offsets(%dma_start3A_95 : memref<128xi32, #tpu.memory_space<vmem>>) semaphore(%arg12 : memref<!tpu.dma_semaphore, #tpu.memory_space<semaphore_mem>>)
      %dma_wait3A_99 = arith.constant 0 : i32
      %dma_wait3A_100 = tpu.memref_slice %arg7[%add3A_79, %dma_wait3A_99] : memref<40x128xi32, #tpu.memory_space<vmem>> -> memref<1x128xi32, #tpu.memory_space<vmem>>
      %dma_wait3A_101 = tpu.memref_squeeze %dma_wait3A_100 : memref<1x128xi32, #tpu.memory_space<vmem>> -> memref<128xi32, #tpu.memory_space<vmem>>
      %dma_wait3A_102 = arith.constant 0 : i32
      %dma_wait3A_103 = arith.constant 0 : i32
      %dma_wait3A_104 = tpu.memref_slice %arg2[%dma_wait3A_102, %dma_wait3A_103] : memref<10000x128xf32, #tpu.memory_space<hbm>> -> memref<10000x128xf32, #tpu.memory_space<hbm>>
      tpu.wait_indirect_dma semaphore(%arg13 : memref<!tpu.dma_semaphore, #tpu.memory_space<semaphore_mem>>) src(%dma_wait3A_104 : memref<10000x128xf32, #tpu.memory_space<hbm>>) dst(%arg10 : memref<128x128xf32, #tpu.memory_space<vmem>>)
      "tpu.region"() ({
        %run_scoped3A = tpu.sem_alloc : memref<!tpu.dma_semaphore, #tpu.memory_space<semaphore_mem>>
        %dma_start3A_111 = arith.constant 0 : i32
        %dma_start3A_112 = tpu.memref_slice %arg8[%add3A_79, %dma_start3A_111] : memref<40x128xi32, #tpu.memory_space<vmem>> -> memref<1x128xi32, #tpu.memory_space<vmem>>
        %dma_start3A_113 = tpu.memref_squeeze %dma_start3A_112 : memref<1x128xi32, #tpu.memory_space<vmem>> -> memref<128xi32, #tpu.memory_space<vmem>>
        %dma_start3A_114 = arith.constant 0 : i32
        %dma_start3A_115 = arith.constant 0 : i32
        %dma_start3A_116 = tpu.memref_slice %arg11[%dma_start3A_114, %dma_start3A_115] : memref<10112x128xf32, #tpu.memory_space<vmem_shared>> -> memref<10112x128xf32, #tpu.memory_space<vmem_shared>>
        tpu.enqueue_indirect_dma source(%arg10 : memref<128x128xf32, #tpu.memory_space<vmem>>) target(%dma_start3A_116 : memref<10112x128xf32, #tpu.memory_space<vmem_shared>>) offsets(%dma_start3A_113 : memref<128xi32, #tpu.memory_space<vmem>>) semaphore(%run_scoped3A : memref<!tpu.dma_semaphore, #tpu.memory_space<semaphore_mem>>) {add = true}
        %dma_wait3A_117 = arith.constant 0 : i32
        %dma_wait3A_118 = tpu.memref_slice %arg8[%add3A_79, %dma_wait3A_117] : memref<40x128xi32, #tpu.memory_space<vmem>> -> memref<1x128xi32, #tpu.memory_space<vmem>>
        %dma_wait3A_119 = tpu.memref_squeeze %dma_wait3A_118 : memref<1x128xi32, #tpu.memory_space<vmem>> -> memref<128xi32, #tpu.memory_space<vmem>>
        %dma_wait3A_120 = arith.constant 0 : i32
        %dma_wait3A_121 = arith.constant 0 : i32
        %dma_wait3A_122 = tpu.memref_slice %arg11[%dma_wait3A_120, %dma_wait3A_121] : memref<10112x128xf32, #tpu.memory_space<vmem_shared>> -> memref<10112x128xf32, #tpu.memory_space<vmem_shared>>
        tpu.wait_indirect_dma semaphore(%run_scoped3A : memref<!tpu.dma_semaphore, #tpu.memory_space<semaphore_mem>>) src(%arg10 : memref<128x128xf32, #tpu.memory_space<vmem>>) dst(%dma_wait3A_122 : memref<10112x128xf32, #tpu.memory_space<vmem_shared>>)
        tpu.yield
      }) : () -> ()
      %dma_start3A_105 = arith.constant 0 : i32
      %dma_start3A_106 = tpu.memref_slice %arg7[%min3A_86, %dma_start3A_105] : memref<40x128xi32, #tpu.memory_space<vmem>> -> memref<1x128xi32, #tpu.memory_space<vmem>>
      %dma_start3A_107 = tpu.memref_squeeze %dma_start3A_106 : memref<1x128xi32, #tpu.memory_space<vmem>> -> memref<128xi32, #tpu.memory_space<vmem>>
      %dma_start3A_108 = arith.constant 0 : i32
      %dma_start3A_109 = arith.constant 0 : i32
      %dma_start3A_110 = tpu.memref_slice %arg2[%dma_start3A_108, %dma_start3A_109] : memref<10000x128xf32, #tpu.memory_space<hbm>> -> memref<10000x128xf32, #tpu.memory_space<hbm>>
      tpu.enqueue_indirect_dma source(%dma_start3A_110 : memref<10000x128xf32, #tpu.memory_space<hbm>>) target(%arg10 : memref<128x128xf32, #tpu.memory_space<vmem>>) offsets(%dma_start3A_107 : memref<128xi32, #tpu.memory_space<vmem>>) semaphore(%arg13 : memref<!tpu.dma_semaphore, #tpu.memory_space<semaphore_mem>>)
    }
    %scan3A_55 = arith.constant 20 : i32
    %dma_wait3A_56 = arith.constant 39 : i32
    %dma_wait3A_57 = arith.constant 0 : i32
    %dma_wait3A_58 = tpu.memref_slice %arg7[%dma_wait3A_56, %dma_wait3A_57] : memref<40x128xi32, #tpu.memory_space<vmem>> -> memref<1x128xi32, #tpu.memory_space<vmem>>
    %dma_wait3A_59 = tpu.memref_squeeze %dma_wait3A_58 : memref<1x128xi32, #tpu.memory_space<vmem>> -> memref<128xi32, #tpu.memory_space<vmem>>
    %dma_wait3A_60 = arith.constant 0 : i32
    %dma_wait3A_61 = arith.constant 0 : i32
    %dma_wait3A_62 = tpu.memref_slice %arg2[%dma_wait3A_60, %dma_wait3A_61] : memref<10000x128xf32, #tpu.memory_space<hbm>> -> memref<10000x128xf32, #tpu.memory_space<hbm>>
    tpu.wait_indirect_dma semaphore(%arg12 : memref<!tpu.dma_semaphore, #tpu.memory_space<semaphore_mem>>) src(%dma_wait3A_62 : memref<10000x128xf32, #tpu.memory_space<hbm>>) dst(%arg9 : memref<128x128xf32, #tpu.memory_space<vmem>>)
    %dma_wait3A_63 = arith.constant 39 : i32
    %dma_wait3A_64 = arith.constant 0 : i32
    %dma_wait3A_65 = tpu.memref_slice %arg7[%dma_wait3A_63, %dma_wait3A_64] : memref<40x128xi32, #tpu.memory_space<vmem>> -> memref<1x128xi32, #tpu.memory_space<vmem>>
    %dma_wait3A_66 = tpu.memref_squeeze %dma_wait3A_65 : memref<1x128xi32, #tpu.memory_space<vmem>> -> memref<128xi32, #tpu.memory_space<vmem>>
    %dma_wait3A_67 = arith.constant 0 : i32
    %dma_wait3A_68 = arith.constant 0 : i32
    %dma_wait3A_69 = tpu.memref_slice %arg2[%dma_wait3A_67, %dma_wait3A_68] : memref<10000x128xf32, #tpu.memory_space<hbm>> -> memref<10000x128xf32, #tpu.memory_space<hbm>>
    tpu.wait_indirect_dma semaphore(%arg13 : memref<!tpu.dma_semaphore, #tpu.memory_space<semaphore_mem>>) src(%dma_wait3A_69 : memref<10000x128xf32, #tpu.memory_space<hbm>>) dst(%arg10 : memref<128x128xf32, #tpu.memory_space<vmem>>)
    %barrier3A_70 = arith.constant 0 : index
    tpu.barrier barrier_id(%barrier3A_70)
    %mul3A_71 = arith.constant 632 : i32
    %mul3A_72 = arith.muli %arg1, %mul3A_71 : i32
    %mul3A_73 = arith.constant 632 : i32
    %mul3A_74 = arith.muli %arg1, %mul3A_73 : i32
    "tpu.region"() ({
      %run_scoped3A = tpu.sem_alloc : memref<!tpu.dma_semaphore, #tpu.memory_space<semaphore_mem>>
      %dma_start3A_75 = arith.constant 0 : i32
      %dma_start3A_76 = tpu.memref_slice %arg6[%arg0, %mul3A_74, %dma_start3A_75] : memref<2x10112x128xf32, #tpu.memory_space<hbm>> -> memref<1x632x128xf32, #tpu.memory_space<hbm>>
      %dma_start3A_77 = tpu.memref_squeeze %dma_start3A_76 : memref<1x632x128xf32, #tpu.memory_space<hbm>> -> memref<632x128xf32, #tpu.memory_space<hbm>>
      %dma_start3A_78 = arith.constant 0 : i32
      %dma_start3A_79 = tpu.memref_slice %arg11[%mul3A_72, %dma_start3A_78] : memref<10112x128xf32, #tpu.memory_space<vmem_shared>> -> memref<632x128xf32, #tpu.memory_space<vmem_shared>>
      tpu.enqueue_dma source(%dma_start3A_79 : memref<632x128xf32, #tpu.memory_space<vmem_shared>>) target(%dma_start3A_77 : memref<632x128xf32, #tpu.memory_space<hbm>>) target_semaphore(%run_scoped3A : memref<!tpu.dma_semaphore, #tpu.memory_space<semaphore_mem>>)
      %dma_wait3A_80 = arith.constant 0 : i32
      %dma_wait3A_81 = tpu.memref_slice %arg6[%arg0, %mul3A_74, %dma_wait3A_80] : memref<2x10112x128xf32, #tpu.memory_space<hbm>> -> memref<1x632x128xf32, #tpu.memory_space<hbm>>
      %dma_wait3A_82 = tpu.memref_squeeze %dma_wait3A_81 : memref<1x632x128xf32, #tpu.memory_space<hbm>> -> memref<632x128xf32, #tpu.memory_space<hbm>>
      %dma_wait3A_83 = arith.constant 0 : i32
      %dma_wait3A_84 = tpu.memref_slice %arg11[%mul3A_72, %dma_wait3A_83] : memref<10112x128xf32, #tpu.memory_space<vmem_shared>> -> memref<632x128xf32, #tpu.memory_space<vmem_shared>>
      tpu.wait_dma2 semaphore(%run_scoped3A : memref<!tpu.dma_semaphore, #tpu.memory_space<semaphore_mem>>) src(%dma_wait3A_84 : memref<632x128xf32, #tpu.memory_space<vmem_shared>>) dst(%dma_wait3A_82 : memref<632x128xf32, #tpu.memory_space<hbm>>)
      tpu.yield
    }) : () -> ()
    return
  }
}

#map = affine_map<(d0, d1) -> (0, 0)>
#map1 = affine_map<(d0, d1) -> (0, 0, 0)>
module attributes {stable_mosaic.version = 14 : i64} {
  func.func @_sc_agg_body(%arg0: i32, %arg1: i32, %arg2: memref<10000x128xf32, #tpu.memory_space<hbm>>, %arg3: memref<32x80x128xi32, #tpu.memory_space<hbm>>, %arg4: memref<32x80x128xi32, #tpu.memory_space<hbm>>, %arg5: memref<10112x128xf32, #tpu.memory_space<hbm>>, %arg6: memref<2x10112x128xf32, #tpu.memory_space<hbm>>, %arg7: memref<40x128xi32, #tpu.memory_space<vmem>>, %arg8: memref<40x128xi32, #tpu.memory_space<vmem>>, %arg9: memref<128x128xf32, #tpu.memory_space<vmem>>, %arg10: memref<128x128xf32, #tpu.memory_space<vmem>>, %arg11: memref<10112x128xf32, #tpu.memory_space<vmem_shared>>, %arg12: memref<!tpu.dma_semaphore, #tpu.memory_space<semaphore_mem>>, %arg13: memref<!tpu.dma_semaphore, #tpu.memory_space<semaphore_mem>>) attributes {dimension_semantics = [#tpu.dimension_semantics<core_parallel>, #tpu.dimension_semantics<subcore_parallel>], iteration_bounds = array<i64: 2, 16>, scalar_prefetch = 0 : i64, scratch_operands = 7 : i64, tpu.core_type = #tpu.core_type<sc_vector_subcore>, window_params = [{transform_indices = #map}, {transform_indices = #map1}, {transform_indices = #map1}, {transform_indices = #map}, {transform_indices = #map1}]} {
    %mul3A = arith.constant 16 : i32
    %mul3A_0 = arith.muli %arg0, %mul3A : i32
    %add3A = arith.addi %mul3A_0, %arg1 : i32
    "tpu.region"() ({
      %run_scoped3A = tpu.sem_alloc : memref<!tpu.dma_semaphore, #tpu.memory_space<semaphore_mem>>
      %dma_start3A_75 = arith.constant 0 : i32
      %dma_start3A_76 = arith.constant 0 : i32
      %dma_start3A_77 = tpu.memref_slice %arg3[%add3A, %dma_start3A_75, %dma_start3A_76] : memref<32x80x128xi32, #tpu.memory_space<hbm>> -> memref<1x40x128xi32, #tpu.memory_space<hbm>>
      %dma_start3A_78 = tpu.memref_squeeze %dma_start3A_77 : memref<1x40x128xi32, #tpu.memory_space<hbm>> -> memref<40x128xi32, #tpu.memory_space<hbm>>
      %dma_start3A_79 = arith.constant 0 : i32
      %dma_start3A_80 = arith.constant 0 : i32
      %dma_start3A_81 = tpu.memref_slice %arg3[%add3A, %dma_start3A_79, %dma_start3A_80] : memref<32x80x128xi32, #tpu.memory_space<hbm>> -> memref<1x40x128xi32, #tpu.memory_space<hbm>>
      %dma_start3A_82 = tpu.memref_squeeze %dma_start3A_81 : memref<1x40x128xi32, #tpu.memory_space<hbm>> -> memref<40x128xi32, #tpu.memory_space<hbm>>
      tpu.enqueue_dma source(%dma_start3A_82 : memref<40x128xi32, #tpu.memory_space<hbm>>) target(%arg7 : memref<40x128xi32, #tpu.memory_space<vmem>>) target_semaphore(%run_scoped3A : memref<!tpu.dma_semaphore, #tpu.memory_space<semaphore_mem>>)
      %dma_wait3A_83 = arith.constant 0 : i32
      %dma_wait3A_84 = arith.constant 0 : i32
      %dma_wait3A_85 = tpu.memref_slice %arg3[%add3A, %dma_wait3A_83, %dma_wait3A_84] : memref<32x80x128xi32, #tpu.memory_space<hbm>> -> memref<1x40x128xi32, #tpu.memory_space<hbm>>
      %dma_wait3A_86 = tpu.memref_squeeze %dma_wait3A_85 : memref<1x40x128xi32, #tpu.memory_space<hbm>> -> memref<40x128xi32, #tpu.memory_space<hbm>>
      %dma_wait3A_87 = arith.constant 0 : i32
      %dma_wait3A_88 = arith.constant 0 : i32
      %dma_wait3A_89 = tpu.memref_slice %arg3[%add3A, %dma_wait3A_87, %dma_wait3A_88] : memref<32x80x128xi32, #tpu.memory_space<hbm>> -> memref<1x40x128xi32, #tpu.memory_space<hbm>>
      %dma_wait3A_90 = tpu.memref_squeeze %dma_wait3A_89 : memref<1x40x128xi32, #tpu.memory_space<hbm>> -> memref<40x128xi32, #tpu.memory_space<hbm>>
      tpu.wait_dma2 semaphore(%run_scoped3A : memref<!tpu.dma_semaphore, #tpu.memory_space<semaphore_mem>>) src(%dma_wait3A_90 : memref<40x128xi32, #tpu.memory_space<hbm>>) dst(%arg7 : memref<40x128xi32, #tpu.memory_space<vmem>>)
      tpu.yield
    }) : () -> ()
    "tpu.region"() ({
      %run_scoped3A = tpu.sem_alloc : memref<!tpu.dma_semaphore, #tpu.memory_space<semaphore_mem>>
      %dma_start3A_75 = arith.constant 0 : i32
      %dma_start3A_76 = arith.constant 0 : i32
      %dma_start3A_77 = tpu.memref_slice %arg4[%add3A, %dma_start3A_75, %dma_start3A_76] : memref<32x80x128xi32, #tpu.memory_space<hbm>> -> memref<1x40x128xi32, #tpu.memory_space<hbm>>
      %dma_start3A_78 = tpu.memref_squeeze %dma_start3A_77 : memref<1x40x128xi32, #tpu.memory_space<hbm>> -> memref<40x128xi32, #tpu.memory_space<hbm>>
      %dma_start3A_79 = arith.constant 0 : i32
      %dma_start3A_80 = arith.constant 0 : i32
      %dma_start3A_81 = tpu.memref_slice %arg4[%add3A, %dma_start3A_79, %dma_start3A_80] : memref<32x80x128xi32, #tpu.memory_space<hbm>> -> memref<1x40x128xi32, #tpu.memory_space<hbm>>
      %dma_start3A_82 = tpu.memref_squeeze %dma_start3A_81 : memref<1x40x128xi32, #tpu.memory_space<hbm>> -> memref<40x128xi32, #tpu.memory_space<hbm>>
      tpu.enqueue_dma source(%dma_start3A_82 : memref<40x128xi32, #tpu.memory_space<hbm>>) target(%arg8 : memref<40x128xi32, #tpu.memory_space<vmem>>) target_semaphore(%run_scoped3A : memref<!tpu.dma_semaphore, #tpu.memory_space<semaphore_mem>>)
      %dma_wait3A_83 = arith.constant 0 : i32
      %dma_wait3A_84 = arith.constant 0 : i32
      %dma_wait3A_85 = tpu.memref_slice %arg4[%add3A, %dma_wait3A_83, %dma_wait3A_84] : memref<32x80x128xi32, #tpu.memory_space<hbm>> -> memref<1x40x128xi32, #tpu.memory_space<hbm>>
      %dma_wait3A_86 = tpu.memref_squeeze %dma_wait3A_85 : memref<1x40x128xi32, #tpu.memory_space<hbm>> -> memref<40x128xi32, #tpu.memory_space<hbm>>
      %dma_wait3A_87 = arith.constant 0 : i32
      %dma_wait3A_88 = arith.constant 0 : i32
      %dma_wait3A_89 = tpu.memref_slice %arg4[%add3A, %dma_wait3A_87, %dma_wait3A_88] : memref<32x80x128xi32, #tpu.memory_space<hbm>> -> memref<1x40x128xi32, #tpu.memory_space<hbm>>
      %dma_wait3A_90 = tpu.memref_squeeze %dma_wait3A_89 : memref<1x40x128xi32, #tpu.memory_space<hbm>> -> memref<40x128xi32, #tpu.memory_space<hbm>>
      tpu.wait_dma2 semaphore(%run_scoped3A : memref<!tpu.dma_semaphore, #tpu.memory_space<semaphore_mem>>) src(%dma_wait3A_90 : memref<40x128xi32, #tpu.memory_space<hbm>>) dst(%arg8 : memref<40x128xi32, #tpu.memory_space<vmem>>)
      tpu.yield
    }) : () -> ()
    %dma_start3A = arith.constant 0 : i32
    %dma_start3A_1 = arith.constant 0 : i32
    %dma_start3A_2 = tpu.memref_slice %arg7[%dma_start3A, %dma_start3A_1] : memref<40x128xi32, #tpu.memory_space<vmem>> -> memref<1x128xi32, #tpu.memory_space<vmem>>
    %dma_start3A_3 = tpu.memref_squeeze %dma_start3A_2 : memref<1x128xi32, #tpu.memory_space<vmem>> -> memref<128xi32, #tpu.memory_space<vmem>>
    %dma_start3A_4 = arith.constant 0 : i32
    %dma_start3A_5 = arith.constant 0 : i32
    %dma_start3A_6 = tpu.memref_slice %arg2[%dma_start3A_4, %dma_start3A_5] : memref<10000x128xf32, #tpu.memory_space<hbm>> -> memref<10000x128xf32, #tpu.memory_space<hbm>>
    tpu.enqueue_indirect_dma source(%dma_start3A_6 : memref<10000x128xf32, #tpu.memory_space<hbm>>) target(%arg9 : memref<128x128xf32, #tpu.memory_space<vmem>>) offsets(%dma_start3A_3 : memref<128xi32, #tpu.memory_space<vmem>>) semaphore(%arg12 : memref<!tpu.dma_semaphore, #tpu.memory_space<semaphore_mem>>)
    %dma_start3A_7 = arith.constant 1 : i32
    %dma_start3A_8 = arith.constant 0 : i32
    %dma_start3A_9 = tpu.memref_slice %arg7[%dma_start3A_7, %dma_start3A_8] : memref<40x128xi32, #tpu.memory_space<vmem>> -> memref<1x128xi32, #tpu.memory_space<vmem>>
    %dma_start3A_10 = tpu.memref_squeeze %dma_start3A_9 : memref<1x128xi32, #tpu.memory_space<vmem>> -> memref<128xi32, #tpu.memory_space<vmem>>
    %dma_start3A_11 = arith.constant 0 : i32
    %dma_start3A_12 = arith.constant 0 : i32
    %dma_start3A_13 = tpu.memref_slice %arg2[%dma_start3A_11, %dma_start3A_12] : memref<10000x128xf32, #tpu.memory_space<hbm>> -> memref<10000x128xf32, #tpu.memory_space<hbm>>
    tpu.enqueue_indirect_dma source(%dma_start3A_13 : memref<10000x128xf32, #tpu.memory_space<hbm>>) target(%arg10 : memref<128x128xf32, #tpu.memory_space<vmem>>) offsets(%dma_start3A_10 : memref<128xi32, #tpu.memory_space<vmem>>) semaphore(%arg13 : memref<!tpu.dma_semaphore, #tpu.memory_space<semaphore_mem>>)
    %mul3A_14 = arith.constant 632 : i32
    %mul3A_15 = arith.muli %arg1, %mul3A_14 : i32
    %mul3A_16 = arith.constant 632 : i32
    %mul3A_17 = arith.muli %arg1, %mul3A_16 : i32
    "tpu.region"() ({
      %run_scoped3A = tpu.sem_alloc : memref<!tpu.dma_semaphore, #tpu.memory_space<semaphore_mem>>
      %dma_start3A_75 = arith.constant 0 : i32
      %dma_start3A_76 = tpu.memref_slice %arg11[%mul3A_17, %dma_start3A_75] : memref<10112x128xf32, #tpu.memory_space<vmem_shared>> -> memref<632x128xf32, #tpu.memory_space<vmem_shared>>
      %dma_start3A_77 = arith.constant 0 : i32
      %dma_start3A_78 = tpu.memref_slice %arg5[%mul3A_15, %dma_start3A_77] : memref<10112x128xf32, #tpu.memory_space<hbm>> -> memref<632x128xf32, #tpu.memory_space<hbm>>
      tpu.enqueue_dma source(%dma_start3A_78 : memref<632x128xf32, #tpu.memory_space<hbm>>) target(%dma_start3A_76 : memref<632x128xf32, #tpu.memory_space<vmem_shared>>) target_semaphore(%run_scoped3A : memref<!tpu.dma_semaphore, #tpu.memory_space<semaphore_mem>>)
      %dma_wait3A_79 = arith.constant 0 : i32
      %dma_wait3A_80 = tpu.memref_slice %arg11[%mul3A_17, %dma_wait3A_79] : memref<10112x128xf32, #tpu.memory_space<vmem_shared>> -> memref<632x128xf32, #tpu.memory_space<vmem_shared>>
      %dma_wait3A_81 = arith.constant 0 : i32
      %dma_wait3A_82 = tpu.memref_slice %arg5[%mul3A_15, %dma_wait3A_81] : memref<10112x128xf32, #tpu.memory_space<hbm>> -> memref<632x128xf32, #tpu.memory_space<hbm>>
      tpu.wait_dma2 semaphore(%run_scoped3A : memref<!tpu.dma_semaphore, #tpu.memory_space<semaphore_mem>>) src(%dma_wait3A_82 : memref<632x128xf32, #tpu.memory_space<hbm>>) dst(%dma_wait3A_80 : memref<632x128xf32, #tpu.memory_space<vmem_shared>>)
      tpu.yield
    }) : () -> ()
    %barrier3A = arith.constant 0 : index
    tpu.barrier barrier_id(%barrier3A)
    %scan3A = arith.constant 0 : i32
    %scan3A_18 = arith.constant 0 : i32
    %scan3A_19 = arith.constant 20 : i32
    %scan3A_20 = arith.addi %scan3A_18, %scan3A_19 : i32
    %scan3A_21 = arith.constant 1 : i32
    scf.for %scan3A_75 = %scan3A_18 to %scan3A_20 step %scan3A_21  : i32 {
      %mul3A_76 = arith.constant 2 : i32
      %mul3A_77 = arith.muli %mul3A_76, %scan3A_75 : i32
      %add3A_78 = arith.constant 1 : i32
      %add3A_79 = arith.addi %mul3A_77, %add3A_78 : i32
      %add3A_80 = arith.constant 2 : i32
      %add3A_81 = arith.addi %mul3A_77, %add3A_80 : i32
      %min3A = arith.constant 39 : i32
      %min3A_82 = arith.minsi %add3A_81, %min3A : i32
      %add3A_83 = arith.constant 2 : i32
      %add3A_84 = arith.addi %add3A_79, %add3A_83 : i32
      %min3A_85 = arith.constant 39 : i32
      %min3A_86 = arith.minsi %add3A_84, %min3A_85 : i32
      %dma_wait3A_87 = arith.constant 0 : i32
      %dma_wait3A_88 = tpu.memref_slice %arg7[%mul3A_77, %dma_wait3A_87] : memref<40x128xi32, #tpu.memory_space<vmem>> -> memref<1x128xi32, #tpu.memory_space<vmem>>
      %dma_wait3A_89 = tpu.memref_squeeze %dma_wait3A_88 : memref<1x128xi32, #tpu.memory_space<vmem>> -> memref<128xi32, #tpu.memory_space<vmem>>
      %dma_wait3A_90 = arith.constant 0 : i32
      %dma_wait3A_91 = arith.constant 0 : i32
      %dma_wait3A_92 = tpu.memref_slice %arg2[%dma_wait3A_90, %dma_wait3A_91] : memref<10000x128xf32, #tpu.memory_space<hbm>> -> memref<10000x128xf32, #tpu.memory_space<hbm>>
      tpu.wait_indirect_dma semaphore(%arg12 : memref<!tpu.dma_semaphore, #tpu.memory_space<semaphore_mem>>) src(%dma_wait3A_92 : memref<10000x128xf32, #tpu.memory_space<hbm>>) dst(%arg9 : memref<128x128xf32, #tpu.memory_space<vmem>>)
      "tpu.region"() ({
        %run_scoped3A = tpu.sem_alloc : memref<!tpu.dma_semaphore, #tpu.memory_space<semaphore_mem>>
        %dma_start3A_111 = arith.constant 0 : i32
        %dma_start3A_112 = tpu.memref_slice %arg8[%mul3A_77, %dma_start3A_111] : memref<40x128xi32, #tpu.memory_space<vmem>> -> memref<1x128xi32, #tpu.memory_space<vmem>>
        %dma_start3A_113 = tpu.memref_squeeze %dma_start3A_112 : memref<1x128xi32, #tpu.memory_space<vmem>> -> memref<128xi32, #tpu.memory_space<vmem>>
        %dma_start3A_114 = arith.constant 0 : i32
        %dma_start3A_115 = arith.constant 0 : i32
        %dma_start3A_116 = tpu.memref_slice %arg11[%dma_start3A_114, %dma_start3A_115] : memref<10112x128xf32, #tpu.memory_space<vmem_shared>> -> memref<10112x128xf32, #tpu.memory_space<vmem_shared>>
        tpu.enqueue_indirect_dma source(%arg9 : memref<128x128xf32, #tpu.memory_space<vmem>>) target(%dma_start3A_116 : memref<10112x128xf32, #tpu.memory_space<vmem_shared>>) offsets(%dma_start3A_113 : memref<128xi32, #tpu.memory_space<vmem>>) semaphore(%run_scoped3A : memref<!tpu.dma_semaphore, #tpu.memory_space<semaphore_mem>>) {add = true}
        %dma_wait3A_117 = arith.constant 0 : i32
        %dma_wait3A_118 = tpu.memref_slice %arg8[%mul3A_77, %dma_wait3A_117] : memref<40x128xi32, #tpu.memory_space<vmem>> -> memref<1x128xi32, #tpu.memory_space<vmem>>
        %dma_wait3A_119 = tpu.memref_squeeze %dma_wait3A_118 : memref<1x128xi32, #tpu.memory_space<vmem>> -> memref<128xi32, #tpu.memory_space<vmem>>
        %dma_wait3A_120 = arith.constant 0 : i32
        %dma_wait3A_121 = arith.constant 0 : i32
        %dma_wait3A_122 = tpu.memref_slice %arg11[%dma_wait3A_120, %dma_wait3A_121] : memref<10112x128xf32, #tpu.memory_space<vmem_shared>> -> memref<10112x128xf32, #tpu.memory_space<vmem_shared>>
        tpu.wait_indirect_dma semaphore(%run_scoped3A : memref<!tpu.dma_semaphore, #tpu.memory_space<semaphore_mem>>) src(%arg9 : memref<128x128xf32, #tpu.memory_space<vmem>>) dst(%dma_wait3A_122 : memref<10112x128xf32, #tpu.memory_space<vmem_shared>>)
        tpu.yield
      }) : () -> ()
      %dma_start3A_93 = arith.constant 0 : i32
      %dma_start3A_94 = tpu.memref_slice %arg7[%min3A_82, %dma_start3A_93] : memref<40x128xi32, #tpu.memory_space<vmem>> -> memref<1x128xi32, #tpu.memory_space<vmem>>
      %dma_start3A_95 = tpu.memref_squeeze %dma_start3A_94 : memref<1x128xi32, #tpu.memory_space<vmem>> -> memref<128xi32, #tpu.memory_space<vmem>>
      %dma_start3A_96 = arith.constant 0 : i32
      %dma_start3A_97 = arith.constant 0 : i32
      %dma_start3A_98 = tpu.memref_slice %arg2[%dma_start3A_96, %dma_start3A_97] : memref<10000x128xf32, #tpu.memory_space<hbm>> -> memref<10000x128xf32, #tpu.memory_space<hbm>>
      tpu.enqueue_indirect_dma source(%dma_start3A_98 : memref<10000x128xf32, #tpu.memory_space<hbm>>) target(%arg9 : memref<128x128xf32, #tpu.memory_space<vmem>>) offsets(%dma_start3A_95 : memref<128xi32, #tpu.memory_space<vmem>>) semaphore(%arg12 : memref<!tpu.dma_semaphore, #tpu.memory_space<semaphore_mem>>)
      %dma_wait3A_99 = arith.constant 0 : i32
      %dma_wait3A_100 = tpu.memref_slice %arg7[%add3A_79, %dma_wait3A_99] : memref<40x128xi32, #tpu.memory_space<vmem>> -> memref<1x128xi32, #tpu.memory_space<vmem>>
      %dma_wait3A_101 = tpu.memref_squeeze %dma_wait3A_100 : memref<1x128xi32, #tpu.memory_space<vmem>> -> memref<128xi32, #tpu.memory_space<vmem>>
      %dma_wait3A_102 = arith.constant 0 : i32
      %dma_wait3A_103 = arith.constant 0 : i32
      %dma_wait3A_104 = tpu.memref_slice %arg2[%dma_wait3A_102, %dma_wait3A_103] : memref<10000x128xf32, #tpu.memory_space<hbm>> -> memref<10000x128xf32, #tpu.memory_space<hbm>>
      tpu.wait_indirect_dma semaphore(%arg13 : memref<!tpu.dma_semaphore, #tpu.memory_space<semaphore_mem>>) src(%dma_wait3A_104 : memref<10000x128xf32, #tpu.memory_space<hbm>>) dst(%arg10 : memref<128x128xf32, #tpu.memory_space<vmem>>)
      "tpu.region"() ({
        %run_scoped3A = tpu.sem_alloc : memref<!tpu.dma_semaphore, #tpu.memory_space<semaphore_mem>>
        %dma_start3A_111 = arith.constant 0 : i32
        %dma_start3A_112 = tpu.memref_slice %arg8[%add3A_79, %dma_start3A_111] : memref<40x128xi32, #tpu.memory_space<vmem>> -> memref<1x128xi32, #tpu.memory_space<vmem>>
        %dma_start3A_113 = tpu.memref_squeeze %dma_start3A_112 : memref<1x128xi32, #tpu.memory_space<vmem>> -> memref<128xi32, #tpu.memory_space<vmem>>
        %dma_start3A_114 = arith.constant 0 : i32
        %dma_start3A_115 = arith.constant 0 : i32
        %dma_start3A_116 = tpu.memref_slice %arg11[%dma_start3A_114, %dma_start3A_115] : memref<10112x128xf32, #tpu.memory_space<vmem_shared>> -> memref<10112x128xf32, #tpu.memory_space<vmem_shared>>
        tpu.enqueue_indirect_dma source(%arg10 : memref<128x128xf32, #tpu.memory_space<vmem>>) target(%dma_start3A_116 : memref<10112x128xf32, #tpu.memory_space<vmem_shared>>) offsets(%dma_start3A_113 : memref<128xi32, #tpu.memory_space<vmem>>) semaphore(%run_scoped3A : memref<!tpu.dma_semaphore, #tpu.memory_space<semaphore_mem>>) {add = true}
        %dma_wait3A_117 = arith.constant 0 : i32
        %dma_wait3A_118 = tpu.memref_slice %arg8[%add3A_79, %dma_wait3A_117] : memref<40x128xi32, #tpu.memory_space<vmem>> -> memref<1x128xi32, #tpu.memory_space<vmem>>
        %dma_wait3A_119 = tpu.memref_squeeze %dma_wait3A_118 : memref<1x128xi32, #tpu.memory_space<vmem>> -> memref<128xi32, #tpu.memory_space<vmem>>
        %dma_wait3A_120 = arith.constant 0 : i32
        %dma_wait3A_121 = arith.constant 0 : i32
        %dma_wait3A_122 = tpu.memref_slice %arg11[%dma_wait3A_120, %dma_wait3A_121] : memref<10112x128xf32, #tpu.memory_space<vmem_shared>> -> memref<10112x128xf32, #tpu.memory_space<vmem_shared>>
        tpu.wait_indirect_dma semaphore(%run_scoped3A : memref<!tpu.dma_semaphore, #tpu.memory_space<semaphore_mem>>) src(%arg10 : memref<128x128xf32, #tpu.memory_space<vmem>>) dst(%dma_wait3A_122 : memref<10112x128xf32, #tpu.memory_space<vmem_shared>>)
        tpu.yield
      }) : () -> ()
      %dma_start3A_105 = arith.constant 0 : i32
      %dma_start3A_106 = tpu.memref_slice %arg7[%min3A_86, %dma_start3A_105] : memref<40x128xi32, #tpu.memory_space<vmem>> -> memref<1x128xi32, #tpu.memory_space<vmem>>
      %dma_start3A_107 = tpu.memref_squeeze %dma_start3A_106 : memref<1x128xi32, #tpu.memory_space<vmem>> -> memref<128xi32, #tpu.memory_space<vmem>>
      %dma_start3A_108 = arith.constant 0 : i32
      %dma_start3A_109 = arith.constant 0 : i32
      %dma_start3A_110 = tpu.memref_slice %arg2[%dma_start3A_108, %dma_start3A_109] : memref<10000x128xf32, #tpu.memory_space<hbm>> -> memref<10000x128xf32, #tpu.memory_space<hbm>>
      tpu.enqueue_indirect_dma source(%dma_start3A_110 : memref<10000x128xf32, #tpu.memory_space<hbm>>) target(%arg10 : memref<128x128xf32, #tpu.memory_space<vmem>>) offsets(%dma_start3A_107 : memref<128xi32, #tpu.memory_space<vmem>>) semaphore(%arg13 : memref<!tpu.dma_semaphore, #tpu.memory_space<semaphore_mem>>)
    }
    %scan3A_22 = arith.constant 20 : i32
    %dma_wait3A = arith.constant 39 : i32
    %dma_wait3A_23 = arith.constant 0 : i32
    %dma_wait3A_24 = tpu.memref_slice %arg7[%dma_wait3A, %dma_wait3A_23] : memref<40x128xi32, #tpu.memory_space<vmem>> -> memref<1x128xi32, #tpu.memory_space<vmem>>
    %dma_wait3A_25 = tpu.memref_squeeze %dma_wait3A_24 : memref<1x128xi32, #tpu.memory_space<vmem>> -> memref<128xi32, #tpu.memory_space<vmem>>
    %dma_wait3A_26 = arith.constant 0 : i32
    %dma_wait3A_27 = arith.constant 0 : i32
    %dma_wait3A_28 = tpu.memref_slice %arg2[%dma_wait3A_26, %dma_wait3A_27] : memref<10000x128xf32, #tpu.memory_space<hbm>> -> memref<10000x128xf32, #tpu.memory_space<hbm>>
    tpu.wait_indirect_dma semaphore(%arg12 : memref<!tpu.dma_semaphore, #tpu.memory_space<semaphore_mem>>) src(%dma_wait3A_28 : memref<10000x128xf32, #tpu.memory_space<hbm>>) dst(%arg9 : memref<128x128xf32, #tpu.memory_space<vmem>>)
    %dma_wait3A_29 = arith.constant 39 : i32
    %dma_wait3A_30 = arith.constant 0 : i32
    %dma_wait3A_31 = tpu.memref_slice %arg7[%dma_wait3A_29, %dma_wait3A_30] : memref<40x128xi32, #tpu.memory_space<vmem>> -> memref<1x128xi32, #tpu.memory_space<vmem>>
    %dma_wait3A_32 = tpu.memref_squeeze %dma_wait3A_31 : memref<1x128xi32, #tpu.memory_space<vmem>> -> memref<128xi32, #tpu.memory_space<vmem>>
    %dma_wait3A_33 = arith.constant 0 : i32
    %dma_wait3A_34 = arith.constant 0 : i32
    %dma_wait3A_35 = tpu.memref_slice %arg2[%dma_wait3A_33, %dma_wait3A_34] : memref<10000x128xf32, #tpu.memory_space<hbm>> -> memref<10000x128xf32, #tpu.memory_space<hbm>>
    tpu.wait_indirect_dma semaphore(%arg13 : memref<!tpu.dma_semaphore, #tpu.memory_space<semaphore_mem>>) src(%dma_wait3A_35 : memref<10000x128xf32, #tpu.memory_space<hbm>>) dst(%arg10 : memref<128x128xf32, #tpu.memory_space<vmem>>)
    "tpu.region"() ({
      %run_scoped3A = tpu.sem_alloc : memref<!tpu.dma_semaphore, #tpu.memory_space<semaphore_mem>>
      %dma_start3A_75 = arith.constant 40 : i32
      %dma_start3A_76 = arith.constant 0 : i32
      %dma_start3A_77 = tpu.memref_slice %arg3[%add3A, %dma_start3A_75, %dma_start3A_76] : memref<32x80x128xi32, #tpu.memory_space<hbm>> -> memref<1x40x128xi32, #tpu.memory_space<hbm>>
      %dma_start3A_78 = tpu.memref_squeeze %dma_start3A_77 : memref<1x40x128xi32, #tpu.memory_space<hbm>> -> memref<40x128xi32, #tpu.memory_space<hbm>>
      %dma_start3A_79 = arith.constant 40 : i32
      %dma_start3A_80 = arith.constant 0 : i32
      %dma_start3A_81 = tpu.memref_slice %arg3[%add3A, %dma_start3A_79, %dma_start3A_80] : memref<32x80x128xi32, #tpu.memory_space<hbm>> -> memref<1x40x128xi32, #tpu.memory_space<hbm>>
      %dma_start3A_82 = tpu.memref_squeeze %dma_start3A_81 : memref<1x40x128xi32, #tpu.memory_space<hbm>> -> memref<40x128xi32, #tpu.memory_space<hbm>>
      tpu.enqueue_dma source(%dma_start3A_82 : memref<40x128xi32, #tpu.memory_space<hbm>>) target(%arg7 : memref<40x128xi32, #tpu.memory_space<vmem>>) target_semaphore(%run_scoped3A : memref<!tpu.dma_semaphore, #tpu.memory_space<semaphore_mem>>)
      %dma_wait3A_83 = arith.constant 40 : i32
      %dma_wait3A_84 = arith.constant 0 : i32
      %dma_wait3A_85 = tpu.memref_slice %arg3[%add3A, %dma_wait3A_83, %dma_wait3A_84] : memref<32x80x128xi32, #tpu.memory_space<hbm>> -> memref<1x40x128xi32, #tpu.memory_space<hbm>>
      %dma_wait3A_86 = tpu.memref_squeeze %dma_wait3A_85 : memref<1x40x128xi32, #tpu.memory_space<hbm>> -> memref<40x128xi32, #tpu.memory_space<hbm>>
      %dma_wait3A_87 = arith.constant 40 : i32
      %dma_wait3A_88 = arith.constant 0 : i32
      %dma_wait3A_89 = tpu.memref_slice %arg3[%add3A, %dma_wait3A_87, %dma_wait3A_88] : memref<32x80x128xi32, #tpu.memory_space<hbm>> -> memref<1x40x128xi32, #tpu.memory_space<hbm>>
      %dma_wait3A_90 = tpu.memref_squeeze %dma_wait3A_89 : memref<1x40x128xi32, #tpu.memory_space<hbm>> -> memref<40x128xi32, #tpu.memory_space<hbm>>
      tpu.wait_dma2 semaphore(%run_scoped3A : memref<!tpu.dma_semaphore, #tpu.memory_space<semaphore_mem>>) src(%dma_wait3A_90 : memref<40x128xi32, #tpu.memory_space<hbm>>) dst(%arg7 : memref<40x128xi32, #tpu.memory_space<vmem>>)
      tpu.yield
    }) : () -> ()
    "tpu.region"() ({
      %run_scoped3A = tpu.sem_alloc : memref<!tpu.dma_semaphore, #tpu.memory_space<semaphore_mem>>
      %dma_start3A_75 = arith.constant 40 : i32
      %dma_start3A_76 = arith.constant 0 : i32
      %dma_start3A_77 = tpu.memref_slice %arg4[%add3A, %dma_start3A_75, %dma_start3A_76] : memref<32x80x128xi32, #tpu.memory_space<hbm>> -> memref<1x40x128xi32, #tpu.memory_space<hbm>>
      %dma_start3A_78 = tpu.memref_squeeze %dma_start3A_77 : memref<1x40x128xi32, #tpu.memory_space<hbm>> -> memref<40x128xi32, #tpu.memory_space<hbm>>
      %dma_start3A_79 = arith.constant 40 : i32
      %dma_start3A_80 = arith.constant 0 : i32
      %dma_start3A_81 = tpu.memref_slice %arg4[%add3A, %dma_start3A_79, %dma_start3A_80] : memref<32x80x128xi32, #tpu.memory_space<hbm>> -> memref<1x40x128xi32, #tpu.memory_space<hbm>>
      %dma_start3A_82 = tpu.memref_squeeze %dma_start3A_81 : memref<1x40x128xi32, #tpu.memory_space<hbm>> -> memref<40x128xi32, #tpu.memory_space<hbm>>
      tpu.enqueue_dma source(%dma_start3A_82 : memref<40x128xi32, #tpu.memory_space<hbm>>) target(%arg8 : memref<40x128xi32, #tpu.memory_space<vmem>>) target_semaphore(%run_scoped3A : memref<!tpu.dma_semaphore, #tpu.memory_space<semaphore_mem>>)
      %dma_wait3A_83 = arith.constant 40 : i32
      %dma_wait3A_84 = arith.constant 0 : i32
      %dma_wait3A_85 = tpu.memref_slice %arg4[%add3A, %dma_wait3A_83, %dma_wait3A_84] : memref<32x80x128xi32, #tpu.memory_space<hbm>> -> memref<1x40x128xi32, #tpu.memory_space<hbm>>
      %dma_wait3A_86 = tpu.memref_squeeze %dma_wait3A_85 : memref<1x40x128xi32, #tpu.memory_space<hbm>> -> memref<40x128xi32, #tpu.memory_space<hbm>>
      %dma_wait3A_87 = arith.constant 40 : i32
      %dma_wait3A_88 = arith.constant 0 : i32
      %dma_wait3A_89 = tpu.memref_slice %arg4[%add3A, %dma_wait3A_87, %dma_wait3A_88] : memref<32x80x128xi32, #tpu.memory_space<hbm>> -> memref<1x40x128xi32, #tpu.memory_space<hbm>>
      %dma_wait3A_90 = tpu.memref_squeeze %dma_wait3A_89 : memref<1x40x128xi32, #tpu.memory_space<hbm>> -> memref<40x128xi32, #tpu.memory_space<hbm>>
      tpu.wait_dma2 semaphore(%run_scoped3A : memref<!tpu.dma_semaphore, #tpu.memory_space<semaphore_mem>>) src(%dma_wait3A_90 : memref<40x128xi32, #tpu.memory_space<hbm>>) dst(%arg8 : memref<40x128xi32, #tpu.memory_space<vmem>>)
      tpu.yield
    }) : () -> ()
    %dma_start3A_36 = arith.constant 0 : i32
    %dma_start3A_37 = arith.constant 0 : i32
    %dma_start3A_38 = tpu.memref_slice %arg7[%dma_start3A_36, %dma_start3A_37] : memref<40x128xi32, #tpu.memory_space<vmem>> -> memref<1x128xi32, #tpu.memory_space<vmem>>
    %dma_start3A_39 = tpu.memref_squeeze %dma_start3A_38 : memref<1x128xi32, #tpu.memory_space<vmem>> -> memref<128xi32, #tpu.memory_space<vmem>>
    %dma_start3A_40 = arith.constant 0 : i32
    %dma_start3A_41 = arith.constant 0 : i32
    %dma_start3A_42 = tpu.memref_slice %arg2[%dma_start3A_40, %dma_start3A_41] : memref<10000x128xf32, #tpu.memory_space<hbm>> -> memref<10000x128xf32, #tpu.memory_space<hbm>>
    tpu.enqueue_indirect_dma source(%dma_start3A_42 : memref<10000x128xf32, #tpu.memory_space<hbm>>) target(%arg9 : memref<128x128xf32, #tpu.memory_space<vmem>>) offsets(%dma_start3A_39 : memref<128xi32, #tpu.memory_space<vmem>>) semaphore(%arg12 : memref<!tpu.dma_semaphore, #tpu.memory_space<semaphore_mem>>)
    %dma_start3A_43 = arith.constant 1 : i32
    %dma_start3A_44 = arith.constant 0 : i32
    %dma_start3A_45 = tpu.memref_slice %arg7[%dma_start3A_43, %dma_start3A_44] : memref<40x128xi32, #tpu.memory_space<vmem>> -> memref<1x128xi32, #tpu.memory_space<vmem>>
    %dma_start3A_46 = tpu.memref_squeeze %dma_start3A_45 : memref<1x128xi32, #tpu.memory_space<vmem>> -> memref<128xi32, #tpu.memory_space<vmem>>
    %dma_start3A_47 = arith.constant 0 : i32
    %dma_start3A_48 = arith.constant 0 : i32
    %dma_start3A_49 = tpu.memref_slice %arg2[%dma_start3A_47, %dma_start3A_48] : memref<10000x128xf32, #tpu.memory_space<hbm>> -> memref<10000x128xf32, #tpu.memory_space<hbm>>
    tpu.enqueue_indirect_dma source(%dma_start3A_49 : memref<10000x128xf32, #tpu.memory_space<hbm>>) target(%arg10 : memref<128x128xf32, #tpu.memory_space<vmem>>) offsets(%dma_start3A_46 : memref<128xi32, #tpu.memory_space<vmem>>) semaphore(%arg13 : memref<!tpu.dma_semaphore, #tpu.memory_space<semaphore_mem>>)
    %scan3A_50 = arith.constant 0 : i32
    %scan3A_51 = arith.constant 0 : i32
    %scan3A_52 = arith.constant 20 : i32
    %scan3A_53 = arith.addi %scan3A_51, %scan3A_52 : i32
    %scan3A_54 = arith.constant 1 : i32
    scf.for %scan3A_75 = %scan3A_51 to %scan3A_53 step %scan3A_54  : i32 {
      %mul3A_76 = arith.constant 2 : i32
      %mul3A_77 = arith.muli %mul3A_76, %scan3A_75 : i32
      %add3A_78 = arith.constant 1 : i32
      %add3A_79 = arith.addi %mul3A_77, %add3A_78 : i32
      %add3A_80 = arith.constant 2 : i32
      %add3A_81 = arith.addi %mul3A_77, %add3A_80 : i32
      %min3A = arith.constant 39 : i32
      %min3A_82 = arith.minsi %add3A_81, %min3A : i32
      %add3A_83 = arith.constant 2 : i32
      %add3A_84 = arith.addi %add3A_79, %add3A_83 : i32
      %min3A_85 = arith.constant 39 : i32
      %min3A_86 = arith.minsi %add3A_84, %min3A_85 : i32
      %dma_wait3A_87 = arith.constant 0 : i32
      %dma_wait3A_88 = tpu.memref_slice %arg7[%mul3A_77, %dma_wait3A_87] : memref<40x128xi32, #tpu.memory_space<vmem>> -> memref<1x128xi32, #tpu.memory_space<vmem>>
      %dma_wait3A_89 = tpu.memref_squeeze %dma_wait3A_88 : memref<1x128xi32, #tpu.memory_space<vmem>> -> memref<128xi32, #tpu.memory_space<vmem>>
      %dma_wait3A_90 = arith.constant 0 : i32
      %dma_wait3A_91 = arith.constant 0 : i32
      %dma_wait3A_92 = tpu.memref_slice %arg2[%dma_wait3A_90, %dma_wait3A_91] : memref<10000x128xf32, #tpu.memory_space<hbm>> -> memref<10000x128xf32, #tpu.memory_space<hbm>>
      tpu.wait_indirect_dma semaphore(%arg12 : memref<!tpu.dma_semaphore, #tpu.memory_space<semaphore_mem>>) src(%dma_wait3A_92 : memref<10000x128xf32, #tpu.memory_space<hbm>>) dst(%arg9 : memref<128x128xf32, #tpu.memory_space<vmem>>)
      "tpu.region"() ({
        %run_scoped3A = tpu.sem_alloc : memref<!tpu.dma_semaphore, #tpu.memory_space<semaphore_mem>>
        %dma_start3A_111 = arith.constant 0 : i32
        %dma_start3A_112 = tpu.memref_slice %arg8[%mul3A_77, %dma_start3A_111] : memref<40x128xi32, #tpu.memory_space<vmem>> -> memref<1x128xi32, #tpu.memory_space<vmem>>
        %dma_start3A_113 = tpu.memref_squeeze %dma_start3A_112 : memref<1x128xi32, #tpu.memory_space<vmem>> -> memref<128xi32, #tpu.memory_space<vmem>>
        %dma_start3A_114 = arith.constant 0 : i32
        %dma_start3A_115 = arith.constant 0 : i32
        %dma_start3A_116 = tpu.memref_slice %arg11[%dma_start3A_114, %dma_start3A_115] : memref<10112x128xf32, #tpu.memory_space<vmem_shared>> -> memref<10112x128xf32, #tpu.memory_space<vmem_shared>>
        tpu.enqueue_indirect_dma source(%arg9 : memref<128x128xf32, #tpu.memory_space<vmem>>) target(%dma_start3A_116 : memref<10112x128xf32, #tpu.memory_space<vmem_shared>>) offsets(%dma_start3A_113 : memref<128xi32, #tpu.memory_space<vmem>>) semaphore(%run_scoped3A : memref<!tpu.dma_semaphore, #tpu.memory_space<semaphore_mem>>) {add = true}
        %dma_wait3A_117 = arith.constant 0 : i32
        %dma_wait3A_118 = tpu.memref_slice %arg8[%mul3A_77, %dma_wait3A_117] : memref<40x128xi32, #tpu.memory_space<vmem>> -> memref<1x128xi32, #tpu.memory_space<vmem>>
        %dma_wait3A_119 = tpu.memref_squeeze %dma_wait3A_118 : memref<1x128xi32, #tpu.memory_space<vmem>> -> memref<128xi32, #tpu.memory_space<vmem>>
        %dma_wait3A_120 = arith.constant 0 : i32
        %dma_wait3A_121 = arith.constant 0 : i32
        %dma_wait3A_122 = tpu.memref_slice %arg11[%dma_wait3A_120, %dma_wait3A_121] : memref<10112x128xf32, #tpu.memory_space<vmem_shared>> -> memref<10112x128xf32, #tpu.memory_space<vmem_shared>>
        tpu.wait_indirect_dma semaphore(%run_scoped3A : memref<!tpu.dma_semaphore, #tpu.memory_space<semaphore_mem>>) src(%arg9 : memref<128x128xf32, #tpu.memory_space<vmem>>) dst(%dma_wait3A_122 : memref<10112x128xf32, #tpu.memory_space<vmem_shared>>)
        tpu.yield
      }) : () -> ()
      %dma_start3A_93 = arith.constant 0 : i32
      %dma_start3A_94 = tpu.memref_slice %arg7[%min3A_82, %dma_start3A_93] : memref<40x128xi32, #tpu.memory_space<vmem>> -> memref<1x128xi32, #tpu.memory_space<vmem>>
      %dma_start3A_95 = tpu.memref_squeeze %dma_start3A_94 : memref<1x128xi32, #tpu.memory_space<vmem>> -> memref<128xi32, #tpu.memory_space<vmem>>
      %dma_start3A_96 = arith.constant 0 : i32
      %dma_start3A_97 = arith.constant 0 : i32
      %dma_start3A_98 = tpu.memref_slice %arg2[%dma_start3A_96, %dma_start3A_97] : memref<10000x128xf32, #tpu.memory_space<hbm>> -> memref<10000x128xf32, #tpu.memory_space<hbm>>
      tpu.enqueue_indirect_dma source(%dma_start3A_98 : memref<10000x128xf32, #tpu.memory_space<hbm>>) target(%arg9 : memref<128x128xf32, #tpu.memory_space<vmem>>) offsets(%dma_start3A_95 : memref<128xi32, #tpu.memory_space<vmem>>) semaphore(%arg12 : memref<!tpu.dma_semaphore, #tpu.memory_space<semaphore_mem>>)
      %dma_wait3A_99 = arith.constant 0 : i32
      %dma_wait3A_100 = tpu.memref_slice %arg7[%add3A_79, %dma_wait3A_99] : memref<40x128xi32, #tpu.memory_space<vmem>> -> memref<1x128xi32, #tpu.memory_space<vmem>>
      %dma_wait3A_101 = tpu.memref_squeeze %dma_wait3A_100 : memref<1x128xi32, #tpu.memory_space<vmem>> -> memref<128xi32, #tpu.memory_space<vmem>>
      %dma_wait3A_102 = arith.constant 0 : i32
      %dma_wait3A_103 = arith.constant 0 : i32
      %dma_wait3A_104 = tpu.memref_slice %arg2[%dma_wait3A_102, %dma_wait3A_103] : memref<10000x128xf32, #tpu.memory_space<hbm>> -> memref<10000x128xf32, #tpu.memory_space<hbm>>
      tpu.wait_indirect_dma semaphore(%arg13 : memref<!tpu.dma_semaphore, #tpu.memory_space<semaphore_mem>>) src(%dma_wait3A_104 : memref<10000x128xf32, #tpu.memory_space<hbm>>) dst(%arg10 : memref<128x128xf32, #tpu.memory_space<vmem>>)
      "tpu.region"() ({
        %run_scoped3A = tpu.sem_alloc : memref<!tpu.dma_semaphore, #tpu.memory_space<semaphore_mem>>
        %dma_start3A_111 = arith.constant 0 : i32
        %dma_start3A_112 = tpu.memref_slice %arg8[%add3A_79, %dma_start3A_111] : memref<40x128xi32, #tpu.memory_space<vmem>> -> memref<1x128xi32, #tpu.memory_space<vmem>>
        %dma_start3A_113 = tpu.memref_squeeze %dma_start3A_112 : memref<1x128xi32, #tpu.memory_space<vmem>> -> memref<128xi32, #tpu.memory_space<vmem>>
        %dma_start3A_114 = arith.constant 0 : i32
        %dma_start3A_115 = arith.constant 0 : i32
        %dma_start3A_116 = tpu.memref_slice %arg11[%dma_start3A_114, %dma_start3A_115] : memref<10112x128xf32, #tpu.memory_space<vmem_shared>> -> memref<10112x128xf32, #tpu.memory_space<vmem_shared>>
        tpu.enqueue_indirect_dma source(%arg10 : memref<128x128xf32, #tpu.memory_space<vmem>>) target(%dma_start3A_116 : memref<10112x128xf32, #tpu.memory_space<vmem_shared>>) offsets(%dma_start3A_113 : memref<128xi32, #tpu.memory_space<vmem>>) semaphore(%run_scoped3A : memref<!tpu.dma_semaphore, #tpu.memory_space<semaphore_mem>>) {add = true}
        %dma_wait3A_117 = arith.constant 0 : i32
        %dma_wait3A_118 = tpu.memref_slice %arg8[%add3A_79, %dma_wait3A_117] : memref<40x128xi32, #tpu.memory_space<vmem>> -> memref<1x128xi32, #tpu.memory_space<vmem>>
        %dma_wait3A_119 = tpu.memref_squeeze %dma_wait3A_118 : memref<1x128xi32, #tpu.memory_space<vmem>> -> memref<128xi32, #tpu.memory_space<vmem>>
        %dma_wait3A_120 = arith.constant 0 : i32
        %dma_wait3A_121 = arith.constant 0 : i32
        %dma_wait3A_122 = tpu.memref_slice %arg11[%dma_wait3A_120, %dma_wait3A_121] : memref<10112x128xf32, #tpu.memory_space<vmem_shared>> -> memref<10112x128xf32, #tpu.memory_space<vmem_shared>>
        tpu.wait_indirect_dma semaphore(%run_scoped3A : memref<!tpu.dma_semaphore, #tpu.memory_space<semaphore_mem>>) src(%arg10 : memref<128x128xf32, #tpu.memory_space<vmem>>) dst(%dma_wait3A_122 : memref<10112x128xf32, #tpu.memory_space<vmem_shared>>)
        tpu.yield
      }) : () -> ()
      %dma_start3A_105 = arith.constant 0 : i32
      %dma_start3A_106 = tpu.memref_slice %arg7[%min3A_86, %dma_start3A_105] : memref<40x128xi32, #tpu.memory_space<vmem>> -> memref<1x128xi32, #tpu.memory_space<vmem>>
      %dma_start3A_107 = tpu.memref_squeeze %dma_start3A_106 : memref<1x128xi32, #tpu.memory_space<vmem>> -> memref<128xi32, #tpu.memory_space<vmem>>
      %dma_start3A_108 = arith.constant 0 : i32
      %dma_start3A_109 = arith.constant 0 : i32
      %dma_start3A_110 = tpu.memref_slice %arg2[%dma_start3A_108, %dma_start3A_109] : memref<10000x128xf32, #tpu.memory_space<hbm>> -> memref<10000x128xf32, #tpu.memory_space<hbm>>
      tpu.enqueue_indirect_dma source(%dma_start3A_110 : memref<10000x128xf32, #tpu.memory_space<hbm>>) target(%arg10 : memref<128x128xf32, #tpu.memory_space<vmem>>) offsets(%dma_start3A_107 : memref<128xi32, #tpu.memory_space<vmem>>) semaphore(%arg13 : memref<!tpu.dma_semaphore, #tpu.memory_space<semaphore_mem>>)
    }
    %scan3A_55 = arith.constant 20 : i32
    %dma_wait3A_56 = arith.constant 39 : i32
    %dma_wait3A_57 = arith.constant 0 : i32
    %dma_wait3A_58 = tpu.memref_slice %arg7[%dma_wait3A_56, %dma_wait3A_57] : memref<40x128xi32, #tpu.memory_space<vmem>> -> memref<1x128xi32, #tpu.memory_space<vmem>>
    %dma_wait3A_59 = tpu.memref_squeeze %dma_wait3A_58 : memref<1x128xi32, #tpu.memory_space<vmem>> -> memref<128xi32, #tpu.memory_space<vmem>>
    %dma_wait3A_60 = arith.constant 0 : i32
    %dma_wait3A_61 = arith.constant 0 : i32
    %dma_wait3A_62 = tpu.memref_slice %arg2[%dma_wait3A_60, %dma_wait3A_61] : memref<10000x128xf32, #tpu.memory_space<hbm>> -> memref<10000x128xf32, #tpu.memory_space<hbm>>
    tpu.wait_indirect_dma semaphore(%arg12 : memref<!tpu.dma_semaphore, #tpu.memory_space<semaphore_mem>>) src(%dma_wait3A_62 : memref<10000x128xf32, #tpu.memory_space<hbm>>) dst(%arg9 : memref<128x128xf32, #tpu.memory_space<vmem>>)
    %dma_wait3A_63 = arith.constant 39 : i32
    %dma_wait3A_64 = arith.constant 0 : i32
    %dma_wait3A_65 = tpu.memref_slice %arg7[%dma_wait3A_63, %dma_wait3A_64] : memref<40x128xi32, #tpu.memory_space<vmem>> -> memref<1x128xi32, #tpu.memory_space<vmem>>
    %dma_wait3A_66 = tpu.memref_squeeze %dma_wait3A_65 : memref<1x128xi32, #tpu.memory_space<vmem>> -> memref<128xi32, #tpu.memory_space<vmem>>
    %dma_wait3A_67 = arith.constant 0 : i32
    %dma_wait3A_68 = arith.constant 0 : i32
    %dma_wait3A_69 = tpu.memref_slice %arg2[%dma_wait3A_67, %dma_wait3A_68] : memref<10000x128xf32, #tpu.memory_space<hbm>> -> memref<10000x128xf32, #tpu.memory_space<hbm>>
    tpu.wait_indirect_dma semaphore(%arg13 : memref<!tpu.dma_semaphore, #tpu.memory_space<semaphore_mem>>) src(%dma_wait3A_69 : memref<10000x128xf32, #tpu.memory_space<hbm>>) dst(%arg10 : memref<128x128xf32, #tpu.memory_space<vmem>>)
    %barrier3A_70 = arith.constant 0 : index
    tpu.barrier barrier_id(%barrier3A_70)
    %mul3A_71 = arith.constant 632 : i32
    %mul3A_72 = arith.muli %arg1, %mul3A_71 : i32
    %mul3A_73 = arith.constant 632 : i32
    %mul3A_74 = arith.muli %arg1, %mul3A_73 : i32
    "tpu.region"() ({
      %run_scoped3A = tpu.sem_alloc : memref<!tpu.dma_semaphore, #tpu.memory_space<semaphore_mem>>
      %dma_start3A_75 = arith.constant 0 : i32
      %dma_start3A_76 = tpu.memref_slice %arg6[%arg0, %mul3A_74, %dma_start3A_75] : memref<2x10112x128xf32, #tpu.memory_space<hbm>> -> memref<1x632x128xf32, #tpu.memory_space<hbm>>
      %dma_start3A_77 = tpu.memref_squeeze %dma_start3A_76 : memref<1x632x128xf32, #tpu.memory_space<hbm>> -> memref<632x128xf32, #tpu.memory_space<hbm>>
      %dma_start3A_78 = arith.constant 0 : i32
      %dma_start3A_79 = tpu.memref_slice %arg11[%mul3A_72, %dma_start3A_78] : memref<10112x128xf32, #tpu.memory_space<vmem_shared>> -> memref<632x128xf32, #tpu.memory_space<vmem_shared>>
      tpu.enqueue_dma source(%dma_start3A_79 : memref<632x128xf32, #tpu.memory_space<vmem_shared>>) target(%dma_start3A_77 : memref<632x128xf32, #tpu.memory_space<hbm>>) target_semaphore(%run_scoped3A : memref<!tpu.dma_semaphore, #tpu.memory_space<semaphore_mem>>)
      %dma_wait3A_80 = arith.constant 0 : i32
      %dma_wait3A_81 = tpu.memref_slice %arg6[%arg0, %mul3A_74, %dma_wait3A_80] : memref<2x10112x128xf32, #tpu.memory_space<hbm>> -> memref<1x632x128xf32, #tpu.memory_space<hbm>>
      %dma_wait3A_82 = tpu.memref_squeeze %dma_wait3A_81 : memref<1x632x128xf32, #tpu.memory_space<hbm>> -> memref<632x128xf32, #tpu.memory_space<hbm>>
      %dma_wait3A_83 = arith.constant 0 : i32
      %dma_wait3A_84 = tpu.memref_slice %arg11[%mul3A_72, %dma_wait3A_83] : memref<10112x128xf32, #tpu.memory_space<vmem_shared>> -> memref<632x128xf32, #tpu.memory_space<vmem_shared>>
      tpu.wait_dma2 semaphore(%run_scoped3A : memref<!tpu.dma_semaphore, #tpu.memory_space<semaphore_mem>>) src(%dma_wait3A_84 : memref<632x128xf32, #tpu.memory_space<vmem_shared>>) dst(%dma_wait3A_82 : memref<632x128xf32, #tpu.memory_space<hbm>>)
      tpu.yield
    }) : () -> ()
    return
  }
}

#map = affine_map<(d0, d1) -> (0, 0)>
#map1 = affine_map<(d0, d1) -> (0, 0, 0)>
module attributes {stable_mosaic.version = 14 : i64} {
  func.func @_sc_agg_body(%arg0: i32, %arg1: i32, %arg2: memref<10000x128xf32, #tpu.memory_space<hbm>>, %arg3: memref<32x80x128xi32, #tpu.memory_space<hbm>>, %arg4: memref<32x80x128xi32, #tpu.memory_space<hbm>>, %arg5: memref<10112x128xf32, #tpu.memory_space<hbm>>, %arg6: memref<2x10112x128xf32, #tpu.memory_space<hbm>>, %arg7: memref<40x128xi32, #tpu.memory_space<vmem>>, %arg8: memref<40x128xi32, #tpu.memory_space<vmem>>, %arg9: memref<128x128xf32, #tpu.memory_space<vmem>>, %arg10: memref<128x128xf32, #tpu.memory_space<vmem>>, %arg11: memref<10112x128xf32, #tpu.memory_space<vmem_shared>>, %arg12: memref<!tpu.dma_semaphore, #tpu.memory_space<semaphore_mem>>, %arg13: memref<!tpu.dma_semaphore, #tpu.memory_space<semaphore_mem>>) attributes {dimension_semantics = [#tpu.dimension_semantics<core_parallel>, #tpu.dimension_semantics<subcore_parallel>], iteration_bounds = array<i64: 2, 16>, scalar_prefetch = 0 : i64, scratch_operands = 7 : i64, tpu.core_type = #tpu.core_type<sc_vector_subcore>, window_params = [{transform_indices = #map}, {transform_indices = #map1}, {transform_indices = #map1}, {transform_indices = #map}, {transform_indices = #map1}]} {
    %mul3A = arith.constant 16 : i32
    %mul3A_0 = arith.muli %arg0, %mul3A : i32
    %add3A = arith.addi %mul3A_0, %arg1 : i32
    "tpu.region"() ({
      %run_scoped3A = tpu.sem_alloc : memref<!tpu.dma_semaphore, #tpu.memory_space<semaphore_mem>>
      %dma_start3A_75 = arith.constant 0 : i32
      %dma_start3A_76 = arith.constant 0 : i32
      %dma_start3A_77 = tpu.memref_slice %arg3[%add3A, %dma_start3A_75, %dma_start3A_76] : memref<32x80x128xi32, #tpu.memory_space<hbm>> -> memref<1x40x128xi32, #tpu.memory_space<hbm>>
      %dma_start3A_78 = tpu.memref_squeeze %dma_start3A_77 : memref<1x40x128xi32, #tpu.memory_space<hbm>> -> memref<40x128xi32, #tpu.memory_space<hbm>>
      %dma_start3A_79 = arith.constant 0 : i32
      %dma_start3A_80 = arith.constant 0 : i32
      %dma_start3A_81 = tpu.memref_slice %arg3[%add3A, %dma_start3A_79, %dma_start3A_80] : memref<32x80x128xi32, #tpu.memory_space<hbm>> -> memref<1x40x128xi32, #tpu.memory_space<hbm>>
      %dma_start3A_82 = tpu.memref_squeeze %dma_start3A_81 : memref<1x40x128xi32, #tpu.memory_space<hbm>> -> memref<40x128xi32, #tpu.memory_space<hbm>>
      tpu.enqueue_dma source(%dma_start3A_82 : memref<40x128xi32, #tpu.memory_space<hbm>>) target(%arg7 : memref<40x128xi32, #tpu.memory_space<vmem>>) target_semaphore(%run_scoped3A : memref<!tpu.dma_semaphore, #tpu.memory_space<semaphore_mem>>)
      %dma_wait3A_83 = arith.constant 0 : i32
      %dma_wait3A_84 = arith.constant 0 : i32
      %dma_wait3A_85 = tpu.memref_slice %arg3[%add3A, %dma_wait3A_83, %dma_wait3A_84] : memref<32x80x128xi32, #tpu.memory_space<hbm>> -> memref<1x40x128xi32, #tpu.memory_space<hbm>>
      %dma_wait3A_86 = tpu.memref_squeeze %dma_wait3A_85 : memref<1x40x128xi32, #tpu.memory_space<hbm>> -> memref<40x128xi32, #tpu.memory_space<hbm>>
      %dma_wait3A_87 = arith.constant 0 : i32
      %dma_wait3A_88 = arith.constant 0 : i32
      %dma_wait3A_89 = tpu.memref_slice %arg3[%add3A, %dma_wait3A_87, %dma_wait3A_88] : memref<32x80x128xi32, #tpu.memory_space<hbm>> -> memref<1x40x128xi32, #tpu.memory_space<hbm>>
      %dma_wait3A_90 = tpu.memref_squeeze %dma_wait3A_89 : memref<1x40x128xi32, #tpu.memory_space<hbm>> -> memref<40x128xi32, #tpu.memory_space<hbm>>
      tpu.wait_dma2 semaphore(%run_scoped3A : memref<!tpu.dma_semaphore, #tpu.memory_space<semaphore_mem>>) src(%dma_wait3A_90 : memref<40x128xi32, #tpu.memory_space<hbm>>) dst(%arg7 : memref<40x128xi32, #tpu.memory_space<vmem>>)
      tpu.yield
    }) : () -> ()
    "tpu.region"() ({
      %run_scoped3A = tpu.sem_alloc : memref<!tpu.dma_semaphore, #tpu.memory_space<semaphore_mem>>
      %dma_start3A_75 = arith.constant 0 : i32
      %dma_start3A_76 = arith.constant 0 : i32
      %dma_start3A_77 = tpu.memref_slice %arg4[%add3A, %dma_start3A_75, %dma_start3A_76] : memref<32x80x128xi32, #tpu.memory_space<hbm>> -> memref<1x40x128xi32, #tpu.memory_space<hbm>>
      %dma_start3A_78 = tpu.memref_squeeze %dma_start3A_77 : memref<1x40x128xi32, #tpu.memory_space<hbm>> -> memref<40x128xi32, #tpu.memory_space<hbm>>
      %dma_start3A_79 = arith.constant 0 : i32
      %dma_start3A_80 = arith.constant 0 : i32
      %dma_start3A_81 = tpu.memref_slice %arg4[%add3A, %dma_start3A_79, %dma_start3A_80] : memref<32x80x128xi32, #tpu.memory_space<hbm>> -> memref<1x40x128xi32, #tpu.memory_space<hbm>>
      %dma_start3A_82 = tpu.memref_squeeze %dma_start3A_81 : memref<1x40x128xi32, #tpu.memory_space<hbm>> -> memref<40x128xi32, #tpu.memory_space<hbm>>
      tpu.enqueue_dma source(%dma_start3A_82 : memref<40x128xi32, #tpu.memory_space<hbm>>) target(%arg8 : memref<40x128xi32, #tpu.memory_space<vmem>>) target_semaphore(%run_scoped3A : memref<!tpu.dma_semaphore, #tpu.memory_space<semaphore_mem>>)
      %dma_wait3A_83 = arith.constant 0 : i32
      %dma_wait3A_84 = arith.constant 0 : i32
      %dma_wait3A_85 = tpu.memref_slice %arg4[%add3A, %dma_wait3A_83, %dma_wait3A_84] : memref<32x80x128xi32, #tpu.memory_space<hbm>> -> memref<1x40x128xi32, #tpu.memory_space<hbm>>
      %dma_wait3A_86 = tpu.memref_squeeze %dma_wait3A_85 : memref<1x40x128xi32, #tpu.memory_space<hbm>> -> memref<40x128xi32, #tpu.memory_space<hbm>>
      %dma_wait3A_87 = arith.constant 0 : i32
      %dma_wait3A_88 = arith.constant 0 : i32
      %dma_wait3A_89 = tpu.memref_slice %arg4[%add3A, %dma_wait3A_87, %dma_wait3A_88] : memref<32x80x128xi32, #tpu.memory_space<hbm>> -> memref<1x40x128xi32, #tpu.memory_space<hbm>>
      %dma_wait3A_90 = tpu.memref_squeeze %dma_wait3A_89 : memref<1x40x128xi32, #tpu.memory_space<hbm>> -> memref<40x128xi32, #tpu.memory_space<hbm>>
      tpu.wait_dma2 semaphore(%run_scoped3A : memref<!tpu.dma_semaphore, #tpu.memory_space<semaphore_mem>>) src(%dma_wait3A_90 : memref<40x128xi32, #tpu.memory_space<hbm>>) dst(%arg8 : memref<40x128xi32, #tpu.memory_space<vmem>>)
      tpu.yield
    }) : () -> ()
    %dma_start3A = arith.constant 0 : i32
    %dma_start3A_1 = arith.constant 0 : i32
    %dma_start3A_2 = tpu.memref_slice %arg7[%dma_start3A, %dma_start3A_1] : memref<40x128xi32, #tpu.memory_space<vmem>> -> memref<1x128xi32, #tpu.memory_space<vmem>>
    %dma_start3A_3 = tpu.memref_squeeze %dma_start3A_2 : memref<1x128xi32, #tpu.memory_space<vmem>> -> memref<128xi32, #tpu.memory_space<vmem>>
    %dma_start3A_4 = arith.constant 0 : i32
    %dma_start3A_5 = arith.constant 0 : i32
    %dma_start3A_6 = tpu.memref_slice %arg2[%dma_start3A_4, %dma_start3A_5] : memref<10000x128xf32, #tpu.memory_space<hbm>> -> memref<10000x128xf32, #tpu.memory_space<hbm>>
    tpu.enqueue_indirect_dma source(%dma_start3A_6 : memref<10000x128xf32, #tpu.memory_space<hbm>>) target(%arg9 : memref<128x128xf32, #tpu.memory_space<vmem>>) offsets(%dma_start3A_3 : memref<128xi32, #tpu.memory_space<vmem>>) semaphore(%arg12 : memref<!tpu.dma_semaphore, #tpu.memory_space<semaphore_mem>>)
    %dma_start3A_7 = arith.constant 1 : i32
    %dma_start3A_8 = arith.constant 0 : i32
    %dma_start3A_9 = tpu.memref_slice %arg7[%dma_start3A_7, %dma_start3A_8] : memref<40x128xi32, #tpu.memory_space<vmem>> -> memref<1x128xi32, #tpu.memory_space<vmem>>
    %dma_start3A_10 = tpu.memref_squeeze %dma_start3A_9 : memref<1x128xi32, #tpu.memory_space<vmem>> -> memref<128xi32, #tpu.memory_space<vmem>>
    %dma_start3A_11 = arith.constant 0 : i32
    %dma_start3A_12 = arith.constant 0 : i32
    %dma_start3A_13 = tpu.memref_slice %arg2[%dma_start3A_11, %dma_start3A_12] : memref<10000x128xf32, #tpu.memory_space<hbm>> -> memref<10000x128xf32, #tpu.memory_space<hbm>>
    tpu.enqueue_indirect_dma source(%dma_start3A_13 : memref<10000x128xf32, #tpu.memory_space<hbm>>) target(%arg10 : memref<128x128xf32, #tpu.memory_space<vmem>>) offsets(%dma_start3A_10 : memref<128xi32, #tpu.memory_space<vmem>>) semaphore(%arg13 : memref<!tpu.dma_semaphore, #tpu.memory_space<semaphore_mem>>)
    %mul3A_14 = arith.constant 632 : i32
    %mul3A_15 = arith.muli %arg1, %mul3A_14 : i32
    %mul3A_16 = arith.constant 632 : i32
    %mul3A_17 = arith.muli %arg1, %mul3A_16 : i32
    "tpu.region"() ({
      %run_scoped3A = tpu.sem_alloc : memref<!tpu.dma_semaphore, #tpu.memory_space<semaphore_mem>>
      %dma_start3A_75 = arith.constant 0 : i32
      %dma_start3A_76 = tpu.memref_slice %arg11[%mul3A_17, %dma_start3A_75] : memref<10112x128xf32, #tpu.memory_space<vmem_shared>> -> memref<632x128xf32, #tpu.memory_space<vmem_shared>>
      %dma_start3A_77 = arith.constant 0 : i32
      %dma_start3A_78 = tpu.memref_slice %arg5[%mul3A_15, %dma_start3A_77] : memref<10112x128xf32, #tpu.memory_space<hbm>> -> memref<632x128xf32, #tpu.memory_space<hbm>>
      tpu.enqueue_dma source(%dma_start3A_78 : memref<632x128xf32, #tpu.memory_space<hbm>>) target(%dma_start3A_76 : memref<632x128xf32, #tpu.memory_space<vmem_shared>>) target_semaphore(%run_scoped3A : memref<!tpu.dma_semaphore, #tpu.memory_space<semaphore_mem>>)
      %dma_wait3A_79 = arith.constant 0 : i32
      %dma_wait3A_80 = tpu.memref_slice %arg11[%mul3A_17, %dma_wait3A_79] : memref<10112x128xf32, #tpu.memory_space<vmem_shared>> -> memref<632x128xf32, #tpu.memory_space<vmem_shared>>
      %dma_wait3A_81 = arith.constant 0 : i32
      %dma_wait3A_82 = tpu.memref_slice %arg5[%mul3A_15, %dma_wait3A_81] : memref<10112x128xf32, #tpu.memory_space<hbm>> -> memref<632x128xf32, #tpu.memory_space<hbm>>
      tpu.wait_dma2 semaphore(%run_scoped3A : memref<!tpu.dma_semaphore, #tpu.memory_space<semaphore_mem>>) src(%dma_wait3A_82 : memref<632x128xf32, #tpu.memory_space<hbm>>) dst(%dma_wait3A_80 : memref<632x128xf32, #tpu.memory_space<vmem_shared>>)
      tpu.yield
    }) : () -> ()
    %barrier3A = arith.constant 0 : index
    tpu.barrier barrier_id(%barrier3A)
    %scan3A = arith.constant 0 : i32
    %scan3A_18 = arith.constant 0 : i32
    %scan3A_19 = arith.constant 20 : i32
    %scan3A_20 = arith.addi %scan3A_18, %scan3A_19 : i32
    %scan3A_21 = arith.constant 1 : i32
    scf.for %scan3A_75 = %scan3A_18 to %scan3A_20 step %scan3A_21  : i32 {
      %mul3A_76 = arith.constant 2 : i32
      %mul3A_77 = arith.muli %mul3A_76, %scan3A_75 : i32
      %add3A_78 = arith.constant 1 : i32
      %add3A_79 = arith.addi %mul3A_77, %add3A_78 : i32
      %add3A_80 = arith.constant 2 : i32
      %add3A_81 = arith.addi %mul3A_77, %add3A_80 : i32
      %min3A = arith.constant 39 : i32
      %min3A_82 = arith.minsi %add3A_81, %min3A : i32
      %add3A_83 = arith.constant 2 : i32
      %add3A_84 = arith.addi %add3A_79, %add3A_83 : i32
      %min3A_85 = arith.constant 39 : i32
      %min3A_86 = arith.minsi %add3A_84, %min3A_85 : i32
      %dma_wait3A_87 = arith.constant 0 : i32
      %dma_wait3A_88 = tpu.memref_slice %arg7[%mul3A_77, %dma_wait3A_87] : memref<40x128xi32, #tpu.memory_space<vmem>> -> memref<1x128xi32, #tpu.memory_space<vmem>>
      %dma_wait3A_89 = tpu.memref_squeeze %dma_wait3A_88 : memref<1x128xi32, #tpu.memory_space<vmem>> -> memref<128xi32, #tpu.memory_space<vmem>>
      %dma_wait3A_90 = arith.constant 0 : i32
      %dma_wait3A_91 = arith.constant 0 : i32
      %dma_wait3A_92 = tpu.memref_slice %arg2[%dma_wait3A_90, %dma_wait3A_91] : memref<10000x128xf32, #tpu.memory_space<hbm>> -> memref<10000x128xf32, #tpu.memory_space<hbm>>
      tpu.wait_indirect_dma semaphore(%arg12 : memref<!tpu.dma_semaphore, #tpu.memory_space<semaphore_mem>>) src(%dma_wait3A_92 : memref<10000x128xf32, #tpu.memory_space<hbm>>) dst(%arg9 : memref<128x128xf32, #tpu.memory_space<vmem>>)
      "tpu.region"() ({
        %run_scoped3A = tpu.sem_alloc : memref<!tpu.dma_semaphore, #tpu.memory_space<semaphore_mem>>
        %dma_start3A_111 = arith.constant 0 : i32
        %dma_start3A_112 = tpu.memref_slice %arg8[%mul3A_77, %dma_start3A_111] : memref<40x128xi32, #tpu.memory_space<vmem>> -> memref<1x128xi32, #tpu.memory_space<vmem>>
        %dma_start3A_113 = tpu.memref_squeeze %dma_start3A_112 : memref<1x128xi32, #tpu.memory_space<vmem>> -> memref<128xi32, #tpu.memory_space<vmem>>
        %dma_start3A_114 = arith.constant 0 : i32
        %dma_start3A_115 = arith.constant 0 : i32
        %dma_start3A_116 = tpu.memref_slice %arg11[%dma_start3A_114, %dma_start3A_115] : memref<10112x128xf32, #tpu.memory_space<vmem_shared>> -> memref<10112x128xf32, #tpu.memory_space<vmem_shared>>
        tpu.enqueue_indirect_dma source(%arg9 : memref<128x128xf32, #tpu.memory_space<vmem>>) target(%dma_start3A_116 : memref<10112x128xf32, #tpu.memory_space<vmem_shared>>) offsets(%dma_start3A_113 : memref<128xi32, #tpu.memory_space<vmem>>) semaphore(%run_scoped3A : memref<!tpu.dma_semaphore, #tpu.memory_space<semaphore_mem>>) {add = true}
        %dma_wait3A_117 = arith.constant 0 : i32
        %dma_wait3A_118 = tpu.memref_slice %arg8[%mul3A_77, %dma_wait3A_117] : memref<40x128xi32, #tpu.memory_space<vmem>> -> memref<1x128xi32, #tpu.memory_space<vmem>>
        %dma_wait3A_119 = tpu.memref_squeeze %dma_wait3A_118 : memref<1x128xi32, #tpu.memory_space<vmem>> -> memref<128xi32, #tpu.memory_space<vmem>>
        %dma_wait3A_120 = arith.constant 0 : i32
        %dma_wait3A_121 = arith.constant 0 : i32
        %dma_wait3A_122 = tpu.memref_slice %arg11[%dma_wait3A_120, %dma_wait3A_121] : memref<10112x128xf32, #tpu.memory_space<vmem_shared>> -> memref<10112x128xf32, #tpu.memory_space<vmem_shared>>
        tpu.wait_indirect_dma semaphore(%run_scoped3A : memref<!tpu.dma_semaphore, #tpu.memory_space<semaphore_mem>>) src(%arg9 : memref<128x128xf32, #tpu.memory_space<vmem>>) dst(%dma_wait3A_122 : memref<10112x128xf32, #tpu.memory_space<vmem_shared>>)
        tpu.yield
      }) : () -> ()
      %dma_start3A_93 = arith.constant 0 : i32
      %dma_start3A_94 = tpu.memref_slice %arg7[%min3A_82, %dma_start3A_93] : memref<40x128xi32, #tpu.memory_space<vmem>> -> memref<1x128xi32, #tpu.memory_space<vmem>>
      %dma_start3A_95 = tpu.memref_squeeze %dma_start3A_94 : memref<1x128xi32, #tpu.memory_space<vmem>> -> memref<128xi32, #tpu.memory_space<vmem>>
      %dma_start3A_96 = arith.constant 0 : i32
      %dma_start3A_97 = arith.constant 0 : i32
      %dma_start3A_98 = tpu.memref_slice %arg2[%dma_start3A_96, %dma_start3A_97] : memref<10000x128xf32, #tpu.memory_space<hbm>> -> memref<10000x128xf32, #tpu.memory_space<hbm>>
      tpu.enqueue_indirect_dma source(%dma_start3A_98 : memref<10000x128xf32, #tpu.memory_space<hbm>>) target(%arg9 : memref<128x128xf32, #tpu.memory_space<vmem>>) offsets(%dma_start3A_95 : memref<128xi32, #tpu.memory_space<vmem>>) semaphore(%arg12 : memref<!tpu.dma_semaphore, #tpu.memory_space<semaphore_mem>>)
      %dma_wait3A_99 = arith.constant 0 : i32
      %dma_wait3A_100 = tpu.memref_slice %arg7[%add3A_79, %dma_wait3A_99] : memref<40x128xi32, #tpu.memory_space<vmem>> -> memref<1x128xi32, #tpu.memory_space<vmem>>
      %dma_wait3A_101 = tpu.memref_squeeze %dma_wait3A_100 : memref<1x128xi32, #tpu.memory_space<vmem>> -> memref<128xi32, #tpu.memory_space<vmem>>
      %dma_wait3A_102 = arith.constant 0 : i32
      %dma_wait3A_103 = arith.constant 0 : i32
      %dma_wait3A_104 = tpu.memref_slice %arg2[%dma_wait3A_102, %dma_wait3A_103] : memref<10000x128xf32, #tpu.memory_space<hbm>> -> memref<10000x128xf32, #tpu.memory_space<hbm>>
      tpu.wait_indirect_dma semaphore(%arg13 : memref<!tpu.dma_semaphore, #tpu.memory_space<semaphore_mem>>) src(%dma_wait3A_104 : memref<10000x128xf32, #tpu.memory_space<hbm>>) dst(%arg10 : memref<128x128xf32, #tpu.memory_space<vmem>>)
      "tpu.region"() ({
        %run_scoped3A = tpu.sem_alloc : memref<!tpu.dma_semaphore, #tpu.memory_space<semaphore_mem>>
        %dma_start3A_111 = arith.constant 0 : i32
        %dma_start3A_112 = tpu.memref_slice %arg8[%add3A_79, %dma_start3A_111] : memref<40x128xi32, #tpu.memory_space<vmem>> -> memref<1x128xi32, #tpu.memory_space<vmem>>
        %dma_start3A_113 = tpu.memref_squeeze %dma_start3A_112 : memref<1x128xi32, #tpu.memory_space<vmem>> -> memref<128xi32, #tpu.memory_space<vmem>>
        %dma_start3A_114 = arith.constant 0 : i32
        %dma_start3A_115 = arith.constant 0 : i32
        %dma_start3A_116 = tpu.memref_slice %arg11[%dma_start3A_114, %dma_start3A_115] : memref<10112x128xf32, #tpu.memory_space<vmem_shared>> -> memref<10112x128xf32, #tpu.memory_space<vmem_shared>>
        tpu.enqueue_indirect_dma source(%arg10 : memref<128x128xf32, #tpu.memory_space<vmem>>) target(%dma_start3A_116 : memref<10112x128xf32, #tpu.memory_space<vmem_shared>>) offsets(%dma_start3A_113 : memref<128xi32, #tpu.memory_space<vmem>>) semaphore(%run_scoped3A : memref<!tpu.dma_semaphore, #tpu.memory_space<semaphore_mem>>) {add = true}
        %dma_wait3A_117 = arith.constant 0 : i32
        %dma_wait3A_118 = tpu.memref_slice %arg8[%add3A_79, %dma_wait3A_117] : memref<40x128xi32, #tpu.memory_space<vmem>> -> memref<1x128xi32, #tpu.memory_space<vmem>>
        %dma_wait3A_119 = tpu.memref_squeeze %dma_wait3A_118 : memref<1x128xi32, #tpu.memory_space<vmem>> -> memref<128xi32, #tpu.memory_space<vmem>>
        %dma_wait3A_120 = arith.constant 0 : i32
        %dma_wait3A_121 = arith.constant 0 : i32
        %dma_wait3A_122 = tpu.memref_slice %arg11[%dma_wait3A_120, %dma_wait3A_121] : memref<10112x128xf32, #tpu.memory_space<vmem_shared>> -> memref<10112x128xf32, #tpu.memory_space<vmem_shared>>
        tpu.wait_indirect_dma semaphore(%run_scoped3A : memref<!tpu.dma_semaphore, #tpu.memory_space<semaphore_mem>>) src(%arg10 : memref<128x128xf32, #tpu.memory_space<vmem>>) dst(%dma_wait3A_122 : memref<10112x128xf32, #tpu.memory_space<vmem_shared>>)
        tpu.yield
      }) : () -> ()
      %dma_start3A_105 = arith.constant 0 : i32
      %dma_start3A_106 = tpu.memref_slice %arg7[%min3A_86, %dma_start3A_105] : memref<40x128xi32, #tpu.memory_space<vmem>> -> memref<1x128xi32, #tpu.memory_space<vmem>>
      %dma_start3A_107 = tpu.memref_squeeze %dma_start3A_106 : memref<1x128xi32, #tpu.memory_space<vmem>> -> memref<128xi32, #tpu.memory_space<vmem>>
      %dma_start3A_108 = arith.constant 0 : i32
      %dma_start3A_109 = arith.constant 0 : i32
      %dma_start3A_110 = tpu.memref_slice %arg2[%dma_start3A_108, %dma_start3A_109] : memref<10000x128xf32, #tpu.memory_space<hbm>> -> memref<10000x128xf32, #tpu.memory_space<hbm>>
      tpu.enqueue_indirect_dma source(%dma_start3A_110 : memref<10000x128xf32, #tpu.memory_space<hbm>>) target(%arg10 : memref<128x128xf32, #tpu.memory_space<vmem>>) offsets(%dma_start3A_107 : memref<128xi32, #tpu.memory_space<vmem>>) semaphore(%arg13 : memref<!tpu.dma_semaphore, #tpu.memory_space<semaphore_mem>>)
    }
    %scan3A_22 = arith.constant 20 : i32
    %dma_wait3A = arith.constant 39 : i32
    %dma_wait3A_23 = arith.constant 0 : i32
    %dma_wait3A_24 = tpu.memref_slice %arg7[%dma_wait3A, %dma_wait3A_23] : memref<40x128xi32, #tpu.memory_space<vmem>> -> memref<1x128xi32, #tpu.memory_space<vmem>>
    %dma_wait3A_25 = tpu.memref_squeeze %dma_wait3A_24 : memref<1x128xi32, #tpu.memory_space<vmem>> -> memref<128xi32, #tpu.memory_space<vmem>>
    %dma_wait3A_26 = arith.constant 0 : i32
    %dma_wait3A_27 = arith.constant 0 : i32
    %dma_wait3A_28 = tpu.memref_slice %arg2[%dma_wait3A_26, %dma_wait3A_27] : memref<10000x128xf32, #tpu.memory_space<hbm>> -> memref<10000x128xf32, #tpu.memory_space<hbm>>
    tpu.wait_indirect_dma semaphore(%arg12 : memref<!tpu.dma_semaphore, #tpu.memory_space<semaphore_mem>>) src(%dma_wait3A_28 : memref<10000x128xf32, #tpu.memory_space<hbm>>) dst(%arg9 : memref<128x128xf32, #tpu.memory_space<vmem>>)
    %dma_wait3A_29 = arith.constant 39 : i32
    %dma_wait3A_30 = arith.constant 0 : i32
    %dma_wait3A_31 = tpu.memref_slice %arg7[%dma_wait3A_29, %dma_wait3A_30] : memref<40x128xi32, #tpu.memory_space<vmem>> -> memref<1x128xi32, #tpu.memory_space<vmem>>
    %dma_wait3A_32 = tpu.memref_squeeze %dma_wait3A_31 : memref<1x128xi32, #tpu.memory_space<vmem>> -> memref<128xi32, #tpu.memory_space<vmem>>
    %dma_wait3A_33 = arith.constant 0 : i32
    %dma_wait3A_34 = arith.constant 0 : i32
    %dma_wait3A_35 = tpu.memref_slice %arg2[%dma_wait3A_33, %dma_wait3A_34] : memref<10000x128xf32, #tpu.memory_space<hbm>> -> memref<10000x128xf32, #tpu.memory_space<hbm>>
    tpu.wait_indirect_dma semaphore(%arg13 : memref<!tpu.dma_semaphore, #tpu.memory_space<semaphore_mem>>) src(%dma_wait3A_35 : memref<10000x128xf32, #tpu.memory_space<hbm>>) dst(%arg10 : memref<128x128xf32, #tpu.memory_space<vmem>>)
    "tpu.region"() ({
      %run_scoped3A = tpu.sem_alloc : memref<!tpu.dma_semaphore, #tpu.memory_space<semaphore_mem>>
      %dma_start3A_75 = arith.constant 40 : i32
      %dma_start3A_76 = arith.constant 0 : i32
      %dma_start3A_77 = tpu.memref_slice %arg3[%add3A, %dma_start3A_75, %dma_start3A_76] : memref<32x80x128xi32, #tpu.memory_space<hbm>> -> memref<1x40x128xi32, #tpu.memory_space<hbm>>
      %dma_start3A_78 = tpu.memref_squeeze %dma_start3A_77 : memref<1x40x128xi32, #tpu.memory_space<hbm>> -> memref<40x128xi32, #tpu.memory_space<hbm>>
      %dma_start3A_79 = arith.constant 40 : i32
      %dma_start3A_80 = arith.constant 0 : i32
      %dma_start3A_81 = tpu.memref_slice %arg3[%add3A, %dma_start3A_79, %dma_start3A_80] : memref<32x80x128xi32, #tpu.memory_space<hbm>> -> memref<1x40x128xi32, #tpu.memory_space<hbm>>
      %dma_start3A_82 = tpu.memref_squeeze %dma_start3A_81 : memref<1x40x128xi32, #tpu.memory_space<hbm>> -> memref<40x128xi32, #tpu.memory_space<hbm>>
      tpu.enqueue_dma source(%dma_start3A_82 : memref<40x128xi32, #tpu.memory_space<hbm>>) target(%arg7 : memref<40x128xi32, #tpu.memory_space<vmem>>) target_semaphore(%run_scoped3A : memref<!tpu.dma_semaphore, #tpu.memory_space<semaphore_mem>>)
      %dma_wait3A_83 = arith.constant 40 : i32
      %dma_wait3A_84 = arith.constant 0 : i32
      %dma_wait3A_85 = tpu.memref_slice %arg3[%add3A, %dma_wait3A_83, %dma_wait3A_84] : memref<32x80x128xi32, #tpu.memory_space<hbm>> -> memref<1x40x128xi32, #tpu.memory_space<hbm>>
      %dma_wait3A_86 = tpu.memref_squeeze %dma_wait3A_85 : memref<1x40x128xi32, #tpu.memory_space<hbm>> -> memref<40x128xi32, #tpu.memory_space<hbm>>
      %dma_wait3A_87 = arith.constant 40 : i32
      %dma_wait3A_88 = arith.constant 0 : i32
      %dma_wait3A_89 = tpu.memref_slice %arg3[%add3A, %dma_wait3A_87, %dma_wait3A_88] : memref<32x80x128xi32, #tpu.memory_space<hbm>> -> memref<1x40x128xi32, #tpu.memory_space<hbm>>
      %dma_wait3A_90 = tpu.memref_squeeze %dma_wait3A_89 : memref<1x40x128xi32, #tpu.memory_space<hbm>> -> memref<40x128xi32, #tpu.memory_space<hbm>>
      tpu.wait_dma2 semaphore(%run_scoped3A : memref<!tpu.dma_semaphore, #tpu.memory_space<semaphore_mem>>) src(%dma_wait3A_90 : memref<40x128xi32, #tpu.memory_space<hbm>>) dst(%arg7 : memref<40x128xi32, #tpu.memory_space<vmem>>)
      tpu.yield
    }) : () -> ()
    "tpu.region"() ({
      %run_scoped3A = tpu.sem_alloc : memref<!tpu.dma_semaphore, #tpu.memory_space<semaphore_mem>>
      %dma_start3A_75 = arith.constant 40 : i32
      %dma_start3A_76 = arith.constant 0 : i32
      %dma_start3A_77 = tpu.memref_slice %arg4[%add3A, %dma_start3A_75, %dma_start3A_76] : memref<32x80x128xi32, #tpu.memory_space<hbm>> -> memref<1x40x128xi32, #tpu.memory_space<hbm>>
      %dma_start3A_78 = tpu.memref_squeeze %dma_start3A_77 : memref<1x40x128xi32, #tpu.memory_space<hbm>> -> memref<40x128xi32, #tpu.memory_space<hbm>>
      %dma_start3A_79 = arith.constant 40 : i32
      %dma_start3A_80 = arith.constant 0 : i32
      %dma_start3A_81 = tpu.memref_slice %arg4[%add3A, %dma_start3A_79, %dma_start3A_80] : memref<32x80x128xi32, #tpu.memory_space<hbm>> -> memref<1x40x128xi32, #tpu.memory_space<hbm>>
      %dma_start3A_82 = tpu.memref_squeeze %dma_start3A_81 : memref<1x40x128xi32, #tpu.memory_space<hbm>> -> memref<40x128xi32, #tpu.memory_space<hbm>>
      tpu.enqueue_dma source(%dma_start3A_82 : memref<40x128xi32, #tpu.memory_space<hbm>>) target(%arg8 : memref<40x128xi32, #tpu.memory_space<vmem>>) target_semaphore(%run_scoped3A : memref<!tpu.dma_semaphore, #tpu.memory_space<semaphore_mem>>)
      %dma_wait3A_83 = arith.constant 40 : i32
      %dma_wait3A_84 = arith.constant 0 : i32
      %dma_wait3A_85 = tpu.memref_slice %arg4[%add3A, %dma_wait3A_83, %dma_wait3A_84] : memref<32x80x128xi32, #tpu.memory_space<hbm>> -> memref<1x40x128xi32, #tpu.memory_space<hbm>>
      %dma_wait3A_86 = tpu.memref_squeeze %dma_wait3A_85 : memref<1x40x128xi32, #tpu.memory_space<hbm>> -> memref<40x128xi32, #tpu.memory_space<hbm>>
      %dma_wait3A_87 = arith.constant 40 : i32
      %dma_wait3A_88 = arith.constant 0 : i32
      %dma_wait3A_89 = tpu.memref_slice %arg4[%add3A, %dma_wait3A_87, %dma_wait3A_88] : memref<32x80x128xi32, #tpu.memory_space<hbm>> -> memref<1x40x128xi32, #tpu.memory_space<hbm>>
      %dma_wait3A_90 = tpu.memref_squeeze %dma_wait3A_89 : memref<1x40x128xi32, #tpu.memory_space<hbm>> -> memref<40x128xi32, #tpu.memory_space<hbm>>
      tpu.wait_dma2 semaphore(%run_scoped3A : memref<!tpu.dma_semaphore, #tpu.memory_space<semaphore_mem>>) src(%dma_wait3A_90 : memref<40x128xi32, #tpu.memory_space<hbm>>) dst(%arg8 : memref<40x128xi32, #tpu.memory_space<vmem>>)
      tpu.yield
    }) : () -> ()
    %dma_start3A_36 = arith.constant 0 : i32
    %dma_start3A_37 = arith.constant 0 : i32
    %dma_start3A_38 = tpu.memref_slice %arg7[%dma_start3A_36, %dma_start3A_37] : memref<40x128xi32, #tpu.memory_space<vmem>> -> memref<1x128xi32, #tpu.memory_space<vmem>>
    %dma_start3A_39 = tpu.memref_squeeze %dma_start3A_38 : memref<1x128xi32, #tpu.memory_space<vmem>> -> memref<128xi32, #tpu.memory_space<vmem>>
    %dma_start3A_40 = arith.constant 0 : i32
    %dma_start3A_41 = arith.constant 0 : i32
    %dma_start3A_42 = tpu.memref_slice %arg2[%dma_start3A_40, %dma_start3A_41] : memref<10000x128xf32, #tpu.memory_space<hbm>> -> memref<10000x128xf32, #tpu.memory_space<hbm>>
    tpu.enqueue_indirect_dma source(%dma_start3A_42 : memref<10000x128xf32, #tpu.memory_space<hbm>>) target(%arg9 : memref<128x128xf32, #tpu.memory_space<vmem>>) offsets(%dma_start3A_39 : memref<128xi32, #tpu.memory_space<vmem>>) semaphore(%arg12 : memref<!tpu.dma_semaphore, #tpu.memory_space<semaphore_mem>>)
    %dma_start3A_43 = arith.constant 1 : i32
    %dma_start3A_44 = arith.constant 0 : i32
    %dma_start3A_45 = tpu.memref_slice %arg7[%dma_start3A_43, %dma_start3A_44] : memref<40x128xi32, #tpu.memory_space<vmem>> -> memref<1x128xi32, #tpu.memory_space<vmem>>
    %dma_start3A_46 = tpu.memref_squeeze %dma_start3A_45 : memref<1x128xi32, #tpu.memory_space<vmem>> -> memref<128xi32, #tpu.memory_space<vmem>>
    %dma_start3A_47 = arith.constant 0 : i32
    %dma_start3A_48 = arith.constant 0 : i32
    %dma_start3A_49 = tpu.memref_slice %arg2[%dma_start3A_47, %dma_start3A_48] : memref<10000x128xf32, #tpu.memory_space<hbm>> -> memref<10000x128xf32, #tpu.memory_space<hbm>>
    tpu.enqueue_indirect_dma source(%dma_start3A_49 : memref<10000x128xf32, #tpu.memory_space<hbm>>) target(%arg10 : memref<128x128xf32, #tpu.memory_space<vmem>>) offsets(%dma_start3A_46 : memref<128xi32, #tpu.memory_space<vmem>>) semaphore(%arg13 : memref<!tpu.dma_semaphore, #tpu.memory_space<semaphore_mem>>)
    %scan3A_50 = arith.constant 0 : i32
    %scan3A_51 = arith.constant 0 : i32
    %scan3A_52 = arith.constant 20 : i32
    %scan3A_53 = arith.addi %scan3A_51, %scan3A_52 : i32
    %scan3A_54 = arith.constant 1 : i32
    scf.for %scan3A_75 = %scan3A_51 to %scan3A_53 step %scan3A_54  : i32 {
      %mul3A_76 = arith.constant 2 : i32
      %mul3A_77 = arith.muli %mul3A_76, %scan3A_75 : i32
      %add3A_78 = arith.constant 1 : i32
      %add3A_79 = arith.addi %mul3A_77, %add3A_78 : i32
      %add3A_80 = arith.constant 2 : i32
      %add3A_81 = arith.addi %mul3A_77, %add3A_80 : i32
      %min3A = arith.constant 39 : i32
      %min3A_82 = arith.minsi %add3A_81, %min3A : i32
      %add3A_83 = arith.constant 2 : i32
      %add3A_84 = arith.addi %add3A_79, %add3A_83 : i32
      %min3A_85 = arith.constant 39 : i32
      %min3A_86 = arith.minsi %add3A_84, %min3A_85 : i32
      %dma_wait3A_87 = arith.constant 0 : i32
      %dma_wait3A_88 = tpu.memref_slice %arg7[%mul3A_77, %dma_wait3A_87] : memref<40x128xi32, #tpu.memory_space<vmem>> -> memref<1x128xi32, #tpu.memory_space<vmem>>
      %dma_wait3A_89 = tpu.memref_squeeze %dma_wait3A_88 : memref<1x128xi32, #tpu.memory_space<vmem>> -> memref<128xi32, #tpu.memory_space<vmem>>
      %dma_wait3A_90 = arith.constant 0 : i32
      %dma_wait3A_91 = arith.constant 0 : i32
      %dma_wait3A_92 = tpu.memref_slice %arg2[%dma_wait3A_90, %dma_wait3A_91] : memref<10000x128xf32, #tpu.memory_space<hbm>> -> memref<10000x128xf32, #tpu.memory_space<hbm>>
      tpu.wait_indirect_dma semaphore(%arg12 : memref<!tpu.dma_semaphore, #tpu.memory_space<semaphore_mem>>) src(%dma_wait3A_92 : memref<10000x128xf32, #tpu.memory_space<hbm>>) dst(%arg9 : memref<128x128xf32, #tpu.memory_space<vmem>>)
      "tpu.region"() ({
        %run_scoped3A = tpu.sem_alloc : memref<!tpu.dma_semaphore, #tpu.memory_space<semaphore_mem>>
        %dma_start3A_111 = arith.constant 0 : i32
        %dma_start3A_112 = tpu.memref_slice %arg8[%mul3A_77, %dma_start3A_111] : memref<40x128xi32, #tpu.memory_space<vmem>> -> memref<1x128xi32, #tpu.memory_space<vmem>>
        %dma_start3A_113 = tpu.memref_squeeze %dma_start3A_112 : memref<1x128xi32, #tpu.memory_space<vmem>> -> memref<128xi32, #tpu.memory_space<vmem>>
        %dma_start3A_114 = arith.constant 0 : i32
        %dma_start3A_115 = arith.constant 0 : i32
        %dma_start3A_116 = tpu.memref_slice %arg11[%dma_start3A_114, %dma_start3A_115] : memref<10112x128xf32, #tpu.memory_space<vmem_shared>> -> memref<10112x128xf32, #tpu.memory_space<vmem_shared>>
        tpu.enqueue_indirect_dma source(%arg9 : memref<128x128xf32, #tpu.memory_space<vmem>>) target(%dma_start3A_116 : memref<10112x128xf32, #tpu.memory_space<vmem_shared>>) offsets(%dma_start3A_113 : memref<128xi32, #tpu.memory_space<vmem>>) semaphore(%run_scoped3A : memref<!tpu.dma_semaphore, #tpu.memory_space<semaphore_mem>>) {add = true}
        %dma_wait3A_117 = arith.constant 0 : i32
        %dma_wait3A_118 = tpu.memref_slice %arg8[%mul3A_77, %dma_wait3A_117] : memref<40x128xi32, #tpu.memory_space<vmem>> -> memref<1x128xi32, #tpu.memory_space<vmem>>
        %dma_wait3A_119 = tpu.memref_squeeze %dma_wait3A_118 : memref<1x128xi32, #tpu.memory_space<vmem>> -> memref<128xi32, #tpu.memory_space<vmem>>
        %dma_wait3A_120 = arith.constant 0 : i32
        %dma_wait3A_121 = arith.constant 0 : i32
        %dma_wait3A_122 = tpu.memref_slice %arg11[%dma_wait3A_120, %dma_wait3A_121] : memref<10112x128xf32, #tpu.memory_space<vmem_shared>> -> memref<10112x128xf32, #tpu.memory_space<vmem_shared>>
        tpu.wait_indirect_dma semaphore(%run_scoped3A : memref<!tpu.dma_semaphore, #tpu.memory_space<semaphore_mem>>) src(%arg9 : memref<128x128xf32, #tpu.memory_space<vmem>>) dst(%dma_wait3A_122 : memref<10112x128xf32, #tpu.memory_space<vmem_shared>>)
        tpu.yield
      }) : () -> ()
      %dma_start3A_93 = arith.constant 0 : i32
      %dma_start3A_94 = tpu.memref_slice %arg7[%min3A_82, %dma_start3A_93] : memref<40x128xi32, #tpu.memory_space<vmem>> -> memref<1x128xi32, #tpu.memory_space<vmem>>
      %dma_start3A_95 = tpu.memref_squeeze %dma_start3A_94 : memref<1x128xi32, #tpu.memory_space<vmem>> -> memref<128xi32, #tpu.memory_space<vmem>>
      %dma_start3A_96 = arith.constant 0 : i32
      %dma_start3A_97 = arith.constant 0 : i32
      %dma_start3A_98 = tpu.memref_slice %arg2[%dma_start3A_96, %dma_start3A_97] : memref<10000x128xf32, #tpu.memory_space<hbm>> -> memref<10000x128xf32, #tpu.memory_space<hbm>>
      tpu.enqueue_indirect_dma source(%dma_start3A_98 : memref<10000x128xf32, #tpu.memory_space<hbm>>) target(%arg9 : memref<128x128xf32, #tpu.memory_space<vmem>>) offsets(%dma_start3A_95 : memref<128xi32, #tpu.memory_space<vmem>>) semaphore(%arg12 : memref<!tpu.dma_semaphore, #tpu.memory_space<semaphore_mem>>)
      %dma_wait3A_99 = arith.constant 0 : i32
      %dma_wait3A_100 = tpu.memref_slice %arg7[%add3A_79, %dma_wait3A_99] : memref<40x128xi32, #tpu.memory_space<vmem>> -> memref<1x128xi32, #tpu.memory_space<vmem>>
      %dma_wait3A_101 = tpu.memref_squeeze %dma_wait3A_100 : memref<1x128xi32, #tpu.memory_space<vmem>> -> memref<128xi32, #tpu.memory_space<vmem>>
      %dma_wait3A_102 = arith.constant 0 : i32
      %dma_wait3A_103 = arith.constant 0 : i32
      %dma_wait3A_104 = tpu.memref_slice %arg2[%dma_wait3A_102, %dma_wait3A_103] : memref<10000x128xf32, #tpu.memory_space<hbm>> -> memref<10000x128xf32, #tpu.memory_space<hbm>>
      tpu.wait_indirect_dma semaphore(%arg13 : memref<!tpu.dma_semaphore, #tpu.memory_space<semaphore_mem>>) src(%dma_wait3A_104 : memref<10000x128xf32, #tpu.memory_space<hbm>>) dst(%arg10 : memref<128x128xf32, #tpu.memory_space<vmem>>)
      "tpu.region"() ({
        %run_scoped3A = tpu.sem_alloc : memref<!tpu.dma_semaphore, #tpu.memory_space<semaphore_mem>>
        %dma_start3A_111 = arith.constant 0 : i32
        %dma_start3A_112 = tpu.memref_slice %arg8[%add3A_79, %dma_start3A_111] : memref<40x128xi32, #tpu.memory_space<vmem>> -> memref<1x128xi32, #tpu.memory_space<vmem>>
        %dma_start3A_113 = tpu.memref_squeeze %dma_start3A_112 : memref<1x128xi32, #tpu.memory_space<vmem>> -> memref<128xi32, #tpu.memory_space<vmem>>
        %dma_start3A_114 = arith.constant 0 : i32
        %dma_start3A_115 = arith.constant 0 : i32
        %dma_start3A_116 = tpu.memref_slice %arg11[%dma_start3A_114, %dma_start3A_115] : memref<10112x128xf32, #tpu.memory_space<vmem_shared>> -> memref<10112x128xf32, #tpu.memory_space<vmem_shared>>
        tpu.enqueue_indirect_dma source(%arg10 : memref<128x128xf32, #tpu.memory_space<vmem>>) target(%dma_start3A_116 : memref<10112x128xf32, #tpu.memory_space<vmem_shared>>) offsets(%dma_start3A_113 : memref<128xi32, #tpu.memory_space<vmem>>) semaphore(%run_scoped3A : memref<!tpu.dma_semaphore, #tpu.memory_space<semaphore_mem>>) {add = true}
        %dma_wait3A_117 = arith.constant 0 : i32
        %dma_wait3A_118 = tpu.memref_slice %arg8[%add3A_79, %dma_wait3A_117] : memref<40x128xi32, #tpu.memory_space<vmem>> -> memref<1x128xi32, #tpu.memory_space<vmem>>
        %dma_wait3A_119 = tpu.memref_squeeze %dma_wait3A_118 : memref<1x128xi32, #tpu.memory_space<vmem>> -> memref<128xi32, #tpu.memory_space<vmem>>
        %dma_wait3A_120 = arith.constant 0 : i32
        %dma_wait3A_121 = arith.constant 0 : i32
        %dma_wait3A_122 = tpu.memref_slice %arg11[%dma_wait3A_120, %dma_wait3A_121] : memref<10112x128xf32, #tpu.memory_space<vmem_shared>> -> memref<10112x128xf32, #tpu.memory_space<vmem_shared>>
        tpu.wait_indirect_dma semaphore(%run_scoped3A : memref<!tpu.dma_semaphore, #tpu.memory_space<semaphore_mem>>) src(%arg10 : memref<128x128xf32, #tpu.memory_space<vmem>>) dst(%dma_wait3A_122 : memref<10112x128xf32, #tpu.memory_space<vmem_shared>>)
        tpu.yield
      }) : () -> ()
      %dma_start3A_105 = arith.constant 0 : i32
      %dma_start3A_106 = tpu.memref_slice %arg7[%min3A_86, %dma_start3A_105] : memref<40x128xi32, #tpu.memory_space<vmem>> -> memref<1x128xi32, #tpu.memory_space<vmem>>
      %dma_start3A_107 = tpu.memref_squeeze %dma_start3A_106 : memref<1x128xi32, #tpu.memory_space<vmem>> -> memref<128xi32, #tpu.memory_space<vmem>>
      %dma_start3A_108 = arith.constant 0 : i32
      %dma_start3A_109 = arith.constant 0 : i32
      %dma_start3A_110 = tpu.memref_slice %arg2[%dma_start3A_108, %dma_start3A_109] : memref<10000x128xf32, #tpu.memory_space<hbm>> -> memref<10000x128xf32, #tpu.memory_space<hbm>>
      tpu.enqueue_indirect_dma source(%dma_start3A_110 : memref<10000x128xf32, #tpu.memory_space<hbm>>) target(%arg10 : memref<128x128xf32, #tpu.memory_space<vmem>>) offsets(%dma_start3A_107 : memref<128xi32, #tpu.memory_space<vmem>>) semaphore(%arg13 : memref<!tpu.dma_semaphore, #tpu.memory_space<semaphore_mem>>)
    }
    %scan3A_55 = arith.constant 20 : i32
    %dma_wait3A_56 = arith.constant 39 : i32
    %dma_wait3A_57 = arith.constant 0 : i32
    %dma_wait3A_58 = tpu.memref_slice %arg7[%dma_wait3A_56, %dma_wait3A_57] : memref<40x128xi32, #tpu.memory_space<vmem>> -> memref<1x128xi32, #tpu.memory_space<vmem>>
    %dma_wait3A_59 = tpu.memref_squeeze %dma_wait3A_58 : memref<1x128xi32, #tpu.memory_space<vmem>> -> memref<128xi32, #tpu.memory_space<vmem>>
    %dma_wait3A_60 = arith.constant 0 : i32
    %dma_wait3A_61 = arith.constant 0 : i32
    %dma_wait3A_62 = tpu.memref_slice %arg2[%dma_wait3A_60, %dma_wait3A_61] : memref<10000x128xf32, #tpu.memory_space<hbm>> -> memref<10000x128xf32, #tpu.memory_space<hbm>>
    tpu.wait_indirect_dma semaphore(%arg12 : memref<!tpu.dma_semaphore, #tpu.memory_space<semaphore_mem>>) src(%dma_wait3A_62 : memref<10000x128xf32, #tpu.memory_space<hbm>>) dst(%arg9 : memref<128x128xf32, #tpu.memory_space<vmem>>)
    %dma_wait3A_63 = arith.constant 39 : i32
    %dma_wait3A_64 = arith.constant 0 : i32
    %dma_wait3A_65 = tpu.memref_slice %arg7[%dma_wait3A_63, %dma_wait3A_64] : memref<40x128xi32, #tpu.memory_space<vmem>> -> memref<1x128xi32, #tpu.memory_space<vmem>>
    %dma_wait3A_66 = tpu.memref_squeeze %dma_wait3A_65 : memref<1x128xi32, #tpu.memory_space<vmem>> -> memref<128xi32, #tpu.memory_space<vmem>>
    %dma_wait3A_67 = arith.constant 0 : i32
    %dma_wait3A_68 = arith.constant 0 : i32
    %dma_wait3A_69 = tpu.memref_slice %arg2[%dma_wait3A_67, %dma_wait3A_68] : memref<10000x128xf32, #tpu.memory_space<hbm>> -> memref<10000x128xf32, #tpu.memory_space<hbm>>
    tpu.wait_indirect_dma semaphore(%arg13 : memref<!tpu.dma_semaphore, #tpu.memory_space<semaphore_mem>>) src(%dma_wait3A_69 : memref<10000x128xf32, #tpu.memory_space<hbm>>) dst(%arg10 : memref<128x128xf32, #tpu.memory_space<vmem>>)
    %barrier3A_70 = arith.constant 0 : index
    tpu.barrier barrier_id(%barrier3A_70)
    %mul3A_71 = arith.constant 632 : i32
    %mul3A_72 = arith.muli %arg1, %mul3A_71 : i32
    %mul3A_73 = arith.constant 632 : i32
    %mul3A_74 = arith.muli %arg1, %mul3A_73 : i32
    "tpu.region"() ({
      %run_scoped3A = tpu.sem_alloc : memref<!tpu.dma_semaphore, #tpu.memory_space<semaphore_mem>>
      %dma_start3A_75 = arith.constant 0 : i32
      %dma_start3A_76 = tpu.memref_slice %arg6[%arg0, %mul3A_74, %dma_start3A_75] : memref<2x10112x128xf32, #tpu.memory_space<hbm>> -> memref<1x632x128xf32, #tpu.memory_space<hbm>>
      %dma_start3A_77 = tpu.memref_squeeze %dma_start3A_76 : memref<1x632x128xf32, #tpu.memory_space<hbm>> -> memref<632x128xf32, #tpu.memory_space<hbm>>
      %dma_start3A_78 = arith.constant 0 : i32
      %dma_start3A_79 = tpu.memref_slice %arg11[%mul3A_72, %dma_start3A_78] : memref<10112x128xf32, #tpu.memory_space<vmem_shared>> -> memref<632x128xf32, #tpu.memory_space<vmem_shared>>
      tpu.enqueue_dma source(%dma_start3A_79 : memref<632x128xf32, #tpu.memory_space<vmem_shared>>) target(%dma_start3A_77 : memref<632x128xf32, #tpu.memory_space<hbm>>) target_semaphore(%run_scoped3A : memref<!tpu.dma_semaphore, #tpu.memory_space<semaphore_mem>>)
      %dma_wait3A_80 = arith.constant 0 : i32
      %dma_wait3A_81 = tpu.memref_slice %arg6[%arg0, %mul3A_74, %dma_wait3A_80] : memref<2x10112x128xf32, #tpu.memory_space<hbm>> -> memref<1x632x128xf32, #tpu.memory_space<hbm>>
      %dma_wait3A_82 = tpu.memref_squeeze %dma_wait3A_81 : memref<1x632x128xf32, #tpu.memory_space<hbm>> -> memref<632x128xf32, #tpu.memory_space<hbm>>
      %dma_wait3A_83 = arith.constant 0 : i32
      %dma_wait3A_84 = tpu.memref_slice %arg11[%mul3A_72, %dma_wait3A_83] : memref<10112x128xf32, #tpu.memory_space<vmem_shared>> -> memref<632x128xf32, #tpu.memory_space<vmem_shared>>
      tpu.wait_dma2 semaphore(%run_scoped3A : memref<!tpu.dma_semaphore, #tpu.memory_space<semaphore_mem>>) src(%dma_wait3A_84 : memref<632x128xf32, #tpu.memory_space<vmem_shared>>) dst(%dma_wait3A_82 : memref<632x128xf32, #tpu.memory_space<hbm>>)
      tpu.yield
    }) : () -> ()
    return
  }
}

module attributes {stable_mosaic.version = 14 : i64} {
  func.func @_tc_rsqrt_body(%arg0: memref<2x80x128xf32, #tpu.memory_space<vmem>>, %arg1: memref<80x128xf32, #tpu.memory_space<vmem>>) attributes {dimension_semantics = [], scalar_prefetch = 0 : i64, scratch_operands = 0 : i64, tpu.core_type = #tpu.core_type<tc>} {
    %get3A = arith.constant 0 : index
    %get3A_0 = arith.constant 0 : index
    %get3A_1 = arith.constant 0 : index
    %get3A_2 = vector.load %arg0[%get3A, %get3A_0, %get3A_1] : memref<2x80x128xf32, #tpu.memory_space<vmem>>, vector<1x80x128xf32>
    %get3A_3 = vector.shape_cast %get3A_2 : vector<1x80x128xf32> to vector<80x128xf32>
    %get3A_4 = arith.constant 1 : index
    %get3A_5 = arith.constant 0 : index
    %get3A_6 = arith.constant 0 : index
    %get3A_7 = vector.load %arg0[%get3A_4, %get3A_5, %get3A_6] : memref<2x80x128xf32, #tpu.memory_space<vmem>>, vector<1x80x128xf32>
    %get3A_8 = vector.shape_cast %get3A_7 : vector<1x80x128xf32> to vector<80x128xf32>
    %add3A = arith.addf %get3A_3, %get3A_8 : vector<80x128xf32>
    %add3A_9 = arith.constant 1.000000e+00 : f32
    %add3A_10 = vector.broadcast %add3A_9 : f32 to vector<80x128xf32>
    %add3A_11 = arith.addf %add3A, %add3A_10 : vector<80x128xf32>
    %rsqrt3A = math.rsqrt %add3A_11 : vector<80x128xf32>
    %swap3A = arith.constant 0 : index
    %swap3A_12 = arith.constant 0 : index
    %swap3A_13 = vector.load %arg1[%swap3A, %swap3A_12] : memref<80x128xf32, #tpu.memory_space<vmem>>, vector<80x128xf32>
    tpu.vector_store %arg1[%swap3A, %swap3A_12], %rsqrt3A {strides = array<i32>} : memref<80x128xf32, #tpu.memory_space<vmem>>, vector<80x128xf32>,
    return
  }
}

module attributes {stable_mosaic.version = 14 : i64} {
  func.func @_tc_pre_body(%arg0: memref<10000x128xf32, #tpu.memory_space<vmem>>, %arg1: memref<128x128xf32, #tpu.memory_space<vmem>>, %arg2: memref<10000x1xf32, #tpu.memory_space<vmem>>, %arg3: memref<10000x128xf32, #tpu.memory_space<vmem>>) attributes {dimension_semantics = [], scalar_prefetch = 0 : i64, scratch_operands = 0 : i64, tpu.core_type = #tpu.core_type<tc>} {
    %get3A = arith.constant 0 : index
    %get3A_0 = arith.constant 0 : index
    %get3A_1 = vector.load %arg0[%get3A, %get3A_0] : memref<10000x128xf32, #tpu.memory_space<vmem>>, vector<10000x128xf32>
    %get3A_2 = arith.constant 0 : index
    %get3A_3 = arith.constant 0 : index
    %get3A_4 = vector.load %arg1[%get3A_2, %get3A_3] : memref<128x128xf32, #tpu.memory_space<vmem>>, vector<128x128xf32>
    %dot_general3A = arith.constant dense<0.000000e+00> : vector<10000x128xf32>
    %dot_general3A_5 = tpu.matmul %get3A_1, %get3A_4, %dot_general3A {dimension_numbers = #tpu.dot_dimension_numbers<[1], [1], [0], [0], [0, 0, 1, 0], [], []>, transpose_lhs_hint = false} : vector<10000x128xf32>, vector<128x128xf32>, vector<10000x128xf32> -> vector<10000x128xf32>
    %get3A_6 = arith.constant 0 : index
    %get3A_7 = arith.constant 0 : index
    %get3A_8 = vector.load %arg2[%get3A_6, %get3A_7] : memref<10000x1xf32, #tpu.memory_space<vmem>>, vector<10000x1xf32>
    %mul3A = vector.broadcast %get3A_8 : vector<10000x1xf32> to vector<10000x128xf32>
    %mul3A_9 = arith.mulf %dot_general3A_5, %mul3A : vector<10000x128xf32>
    %swap3A = arith.constant 0 : index
    %swap3A_10 = arith.constant 0 : index
    %swap3A_11 = vector.load %arg3[%swap3A, %swap3A_10] : memref<10000x128xf32, #tpu.memory_space<vmem>>, vector<10000x128xf32>
    tpu.vector_store %arg3[%swap3A, %swap3A_10], %mul3A_9 {strides = array<i32>} : memref<10000x128xf32, #tpu.memory_space<vmem>>, vector<10000x128xf32>,
    return
  }
}

module attributes {stable_mosaic.version = 14 : i64} {
  func.func @_tc_mid_body(%arg0: memref<2x10112x128xf32, #tpu.memory_space<vmem>>, %arg1: memref<10000x128xf32, #tpu.memory_space<vmem>>, %arg2: memref<10000x1xf32, #tpu.memory_space<vmem>>, %arg3: memref<1x128xf32, #tpu.memory_space<vmem>>, %arg4: memref<1x128xf32, #tpu.memory_space<vmem>>, %arg5: memref<1x128xf32, #tpu.memory_space<vmem>>, %arg6: memref<128x128xf32, #tpu.memory_space<vmem>>, %arg7: memref<10000x128xf32, #tpu.memory_space<vmem>>) attributes {dimension_semantics = [], scalar_prefetch = 0 : i64, scratch_operands = 0 : i64, tpu.core_type = #tpu.core_type<tc>} {
    %get3A = arith.constant 0 : index
    %get3A_0 = arith.constant 0 : index
    %get3A_1 = vector.load %arg2[%get3A, %get3A_0] : memref<10000x1xf32, #tpu.memory_space<vmem>>, vector<10000x1xf32>
    %get3A_2 = arith.constant 0 : index
    %get3A_3 = arith.constant 0 : index
    %get3A_4 = arith.constant 0 : index
    %get3A_5 = vector.load %arg0[%get3A_2, %get3A_3, %get3A_4] : memref<2x10112x128xf32, #tpu.memory_space<vmem>>, vector<1x10000x128xf32>
    %get3A_6 = vector.shape_cast %get3A_5 : vector<1x10000x128xf32> to vector<10000x128xf32>
    %get3A_7 = arith.constant 1 : index
    %get3A_8 = arith.constant 0 : index
    %get3A_9 = arith.constant 0 : index
    %get3A_10 = vector.load %arg0[%get3A_7, %get3A_8, %get3A_9] : memref<2x10112x128xf32, #tpu.memory_space<vmem>>, vector<1x10000x128xf32>
    %get3A_11 = vector.shape_cast %get3A_10 : vector<1x10000x128xf32> to vector<10000x128xf32>
    %add3A = arith.addf %get3A_6, %get3A_11 : vector<10000x128xf32>
    %get3A_12 = arith.constant 0 : index
    %get3A_13 = arith.constant 0 : index
    %get3A_14 = vector.load %arg1[%get3A_12, %get3A_13] : memref<10000x128xf32, #tpu.memory_space<vmem>>, vector<10000x128xf32>
    %add3A_15 = arith.addf %add3A, %get3A_14 : vector<10000x128xf32>
    %mul3A = vector.broadcast %get3A_1 : vector<10000x1xf32> to vector<10000x128xf32>
    %mul3A_16 = arith.mulf %add3A_15, %mul3A : vector<10000x128xf32>
    %get3A_17 = arith.constant 0 : index
    %get3A_18 = arith.constant 0 : index
    %get3A_19 = vector.load %arg3[%get3A_17, %get3A_18] : memref<1x128xf32, #tpu.memory_space<vmem>>, vector<1x128xf32>
    %add3A_20 = vector.broadcast %get3A_19 : vector<1x128xf32> to vector<10000x128xf32>
    %add3A_21 = arith.addf %mul3A_16, %add3A_20 : vector<10000x128xf32>
    %reduce_sum3A = arith.constant dense<0.000000e+00> : vector<128xf32>
    %reduce_sum3A_22 = vector.multi_reduction <add>, %add3A_21, %reduce_sum3A [0] : vector<10000x128xf32> to vector<128xf32>
    %broadcast_in_dim3A = vector.shape_cast %reduce_sum3A_22 : vector<128xf32> to vector<1x128xf32>
    %div3A = arith.constant 1.000000e+04 : f32
    %div3A_23 = vector.broadcast %div3A : f32 to vector<1x128xf32>
    %div3A_24 = arith.divf %broadcast_in_dim3A, %div3A_23 : vector<1x128xf32>
    %sub3A = vector.broadcast %div3A_24 : vector<1x128xf32> to vector<10000x128xf32>
    %sub3A_25 = arith.subf %add3A_21, %sub3A : vector<10000x128xf32>
    %sub3A_26 = vector.broadcast %div3A_24 : vector<1x128xf32> to vector<10000x128xf32>
    %sub3A_27 = arith.subf %add3A_21, %sub3A_26 : vector<10000x128xf32>
    %mul3A_28 = arith.mulf %sub3A_25, %sub3A_27 : vector<10000x128xf32>
    %reduce_sum3A_29 = arith.constant dense<0.000000e+00> : vector<128xf32>
    %reduce_sum3A_30 = vector.multi_reduction <add>, %mul3A_28, %reduce_sum3A_29 [0] : vector<10000x128xf32> to vector<128xf32>
    %broadcast_in_dim3A_31 = vector.shape_cast %reduce_sum3A_30 : vector<128xf32> to vector<1x128xf32>
    %div3A_32 = arith.constant 1.000000e+04 : f32
    %div3A_33 = vector.broadcast %div3A_32 : f32 to vector<1x128xf32>
    %div3A_34 = arith.divf %broadcast_in_dim3A_31, %div3A_33 : vector<1x128xf32>
    %sub3A_35 = vector.broadcast %div3A_24 : vector<1x128xf32> to vector<10000x128xf32>
    %sub3A_36 = arith.subf %add3A_21, %sub3A_35 : vector<10000x128xf32>
    %add3A_37 = arith.constant 9.99999974E-6 : f32
    %add3A_38 = vector.broadcast %add3A_37 : f32 to vector<1x128xf32>
    %add3A_39 = arith.addf %div3A_34, %add3A_38 : vector<1x128xf32>
    %rsqrt3A = math.rsqrt %add3A_39 : vector<1x128xf32>
    %mul3A_40 = vector.broadcast %rsqrt3A : vector<1x128xf32> to vector<10000x128xf32>
    %mul3A_41 = arith.mulf %sub3A_36, %mul3A_40 : vector<10000x128xf32>
    %get3A_42 = arith.constant 0 : index
    %get3A_43 = arith.constant 0 : index
    %get3A_44 = vector.load %arg4[%get3A_42, %get3A_43] : memref<1x128xf32, #tpu.memory_space<vmem>>, vector<1x128xf32>
    %mul3A_45 = vector.broadcast %get3A_44 : vector<1x128xf32> to vector<10000x128xf32>
    %mul3A_46 = arith.mulf %mul3A_41, %mul3A_45 : vector<10000x128xf32>
    %get3A_47 = arith.constant 0 : index
    %get3A_48 = arith.constant 0 : index
    %get3A_49 = vector.load %arg5[%get3A_47, %get3A_48] : memref<1x128xf32, #tpu.memory_space<vmem>>, vector<1x128xf32>
    %add3A_50 = vector.broadcast %get3A_49 : vector<1x128xf32> to vector<10000x128xf32>
    %add3A_51 = arith.addf %mul3A_46, %add3A_50 : vector<10000x128xf32>
    %max3A = arith.constant 0.000000e+00 : f32
    %max3A_52 = vector.broadcast %max3A : f32 to vector<10000x128xf32>
    %max3A_53 = arith.maximumf %add3A_51, %max3A_52 : vector<10000x128xf32>
    %get3A_54 = arith.constant 0 : index
    %get3A_55 = arith.constant 0 : index
    %get3A_56 = vector.load %arg6[%get3A_54, %get3A_55] : memref<128x128xf32, #tpu.memory_space<vmem>>, vector<128x128xf32>
    %dot_general3A = arith.constant dense<0.000000e+00> : vector<10000x128xf32>
    %dot_general3A_57 = tpu.matmul %max3A_53, %get3A_56, %dot_general3A {dimension_numbers = #tpu.dot_dimension_numbers<[1], [1], [0], [0], [0, 0, 1, 0], [], []>, transpose_lhs_hint = false} : vector<10000x128xf32>, vector<128x128xf32>, vector<10000x128xf32> -> vector<10000x128xf32>
    %mul3A_58 = vector.broadcast %get3A_1 : vector<10000x1xf32> to vector<10000x128xf32>
    %mul3A_59 = arith.mulf %dot_general3A_57, %mul3A_58 : vector<10000x128xf32>
    %swap3A = arith.constant 0 : index
    %swap3A_60 = arith.constant 0 : index
    %swap3A_61 = vector.load %arg7[%swap3A, %swap3A_60] : memref<10000x128xf32, #tpu.memory_space<vmem>>, vector<10000x128xf32>
    tpu.vector_store %arg7[%swap3A, %swap3A_60], %mul3A_59 {strides = array<i32>} : memref<10000x128xf32, #tpu.memory_space<vmem>>, vector<10000x128xf32>,
    return
  }
}

module attributes {stable_mosaic.version = 14 : i64} {
  func.func @_tc_final_body(%arg0: memref<2x10112x128xf32, #tpu.memory_space<vmem>>, %arg1: memref<10000x128xf32, #tpu.memory_space<vmem>>, %arg2: memref<10000x1xf32, #tpu.memory_space<vmem>>, %arg3: memref<1x128xf32, #tpu.memory_space<vmem>>, %arg4: memref<10000x128xf32, #tpu.memory_space<vmem>>) attributes {dimension_semantics = [], scalar_prefetch = 0 : i64, scratch_operands = 0 : i64, tpu.core_type = #tpu.core_type<tc>} {
    %get3A = arith.constant 0 : index
    %get3A_0 = arith.constant 0 : index
    %get3A_1 = arith.constant 0 : index
    %get3A_2 = vector.load %arg0[%get3A, %get3A_0, %get3A_1] : memref<2x10112x128xf32, #tpu.memory_space<vmem>>, vector<1x10000x128xf32>
    %get3A_3 = vector.shape_cast %get3A_2 : vector<1x10000x128xf32> to vector<10000x128xf32>
    %get3A_4 = arith.constant 1 : index
    %get3A_5 = arith.constant 0 : index
    %get3A_6 = arith.constant 0 : index
    %get3A_7 = vector.load %arg0[%get3A_4, %get3A_5, %get3A_6] : memref<2x10112x128xf32, #tpu.memory_space<vmem>>, vector<1x10000x128xf32>
    %get3A_8 = vector.shape_cast %get3A_7 : vector<1x10000x128xf32> to vector<10000x128xf32>
    %add3A = arith.addf %get3A_3, %get3A_8 : vector<10000x128xf32>
    %get3A_9 = arith.constant 0 : index
    %get3A_10 = arith.constant 0 : index
    %get3A_11 = vector.load %arg1[%get3A_9, %get3A_10] : memref<10000x128xf32, #tpu.memory_space<vmem>>, vector<10000x128xf32>
    %add3A_12 = arith.addf %add3A, %get3A_11 : vector<10000x128xf32>
    %get3A_13 = arith.constant 0 : index
    %get3A_14 = arith.constant 0 : index
    %get3A_15 = vector.load %arg2[%get3A_13, %get3A_14] : memref<10000x1xf32, #tpu.memory_space<vmem>>, vector<10000x1xf32>
    %mul3A = vector.broadcast %get3A_15 : vector<10000x1xf32> to vector<10000x128xf32>
    %mul3A_16 = arith.mulf %add3A_12, %mul3A : vector<10000x128xf32>
    %get3A_17 = arith.constant 0 : index
    %get3A_18 = arith.constant 0 : index
    %get3A_19 = vector.load %arg3[%get3A_17, %get3A_18] : memref<1x128xf32, #tpu.memory_space<vmem>>, vector<1x128xf32>
    %add3A_20 = vector.broadcast %get3A_19 : vector<1x128xf32> to vector<10000x128xf32>
    %add3A_21 = arith.addf %mul3A_16, %add3A_20 : vector<10000x128xf32>
    %swap3A = arith.constant 0 : index
    %swap3A_22 = arith.constant 0 : index
    %swap3A_23 = vector.load %arg4[%swap3A, %swap3A_22] : memref<10000x128xf32, #tpu.memory_space<vmem>>, vector<10000x128xf32>
    tpu.vector_store %arg4[%swap3A, %swap3A_22], %add3A_21 {strides = array<i32>} : memref<10000x128xf32, #tpu.memory_space<vmem>>, vector<10000x128xf32>,
    return
  }
}

</mosaic_0001>

<sc_bundles>
// kernel: kernel.11.cloned.1.call-start
scs
__scs_entry_jumppad:
0x0: {  	(pc) =	sbr.rel $0x88, $3  }
0x1: {  	(tag) =	ssettag $0x0;
	lr =	simm.s32 $0x1  }
0x2: {  	[smem:$0x3F95] =	sst lr;
	_ =	strace $0xD0000000  }
0x3: {  	_ = 	snop  }
0x4: {  	_ = 	snop  }
0x5: {  	_ = 	snop  }
0x6: {  	_ = 	snop  }
0x7: {  	_ = 	snop  }
__scs_overlays_trampoline_lowered:
0x8: {  	[smem:$0x3FA4] =	sst s0  }
0x9: {  	[smem:$0x3FA5] =	sst s1  }
0xa: {  	[smem:$0x3FA6] =	sst s2  }
0xb: {  	[smem:$0x3FA7] =	sst s3  }
0xc: {  	[smem:$0x3FA8] =	sst s4  }
0xd: {  	[smem:$0x3FA9] =	sst s5  }
0xe: {  	[smem:$0x3FAA] =	sst s6  }
0xf: {  	[smem:$0x3FAB] =	sst s7  }
0x10: {  	[smem:$0x3FAC] =	sst s8  }
0x11: {  	[smem:$0x3FAD] =	sst s9;
	s0 =	simm.s32 @!p0 $0x0  }
0x12: {  	s1 =	sld [smem:$0x3F93];
	s0 =	simm.s32 @p0 $0x1  }
0x13: {  	[smem:$0x3FAE] =	sst s0;
	s0 =	simm.s32 @!p1 $0x0  }
0x14: {  	s2 =	sld [smem:$0x3F92];
	s0 =	simm.s32 @p1 $0x1  }
0x15: {  	[smem:$0x3FAF] =	sst s0;
	s0 =	simm.s32 @!p2 $0x0  }
0x16: {  	s3 =	sld [smem:$0x3FDB];
	s0 =	simm.s32 @p2 $0x1  }
0x17: {  	s4 =	simm.s32 $0x1BF5;
	[smem:$0x3FB1] =	sst s0  }
0x18: {  	s0 =	sld [smem:$0x3F94];
	_ =	swait.ge [sflag:s4], $0x0  }
0x19: {  	s7 =	sld [smem:$0x3F95]  }
0x1a: {  	s8 =	sadd.s32 $0xFFFFE003, lr  }
0x1b: {  	s9 =	sadd.s32 $0xFFFFFEF7, lr;
	s5 =	simm.s32 $0xFFFFFFFF;
	p2 =	slt.u32 s8, $0xFFFFF086  }
0x1c: {  	p1 =	slt.u32 s9, $0xF7A;
	s5 =	simm.s32 @!p2 $0x0  }
0x1d: {  	s5 =	simm.s32 @p1 $0x1;
	p0 =	seq.s32 s7, s2  }
0x1e: {  	s7 =	smul.u32 @!p0 $0xF7A, s2;
	p2 =	seq.s32 @!p0 s5, $0x0  }
0x1f: {  	s9 =	smul.u32 $0xF7A, s1;
	s8 =	simm.s32 @!p0 $0x1BF5;
	p2 =	por !p2, p0  }
0x20: {  	[sflag:s8] =	ssyncset.s32 @!p0 $0xFFFFF086;
	s6 =	sadd.s32 @!p0 s3, s7;
	s7 =	simm.s32 @!p0 $0x108  }
0x21: {  	s3 =	sadd.s32 s3, s9;
	s6 =	sadd.s32 @!p0 $0x88, s6;
	s7 =	simm.s32 @p2 $0x1082  }
0x22: {  	[simem:s7], [sflag:s8] =	dma.local @!p0 [hbm:s6], $0xF7A  }
0x23: {  	s9 =	sor.u32 $0xD0000000, s2;
	s6 =	simm.s32 $0x108;
	_ =	swait.ge @!p0 [sflag:s8], $0x0  }
0x24: {  	s3 =	sadd.s32 $0x88, s3;
	s6 =	simm.s32 @!p1 $0x1082;
	[sflag:s4] =	ssyncset.s32 $0xFFFFF086  }
0x25: {  	[simem:s6], [sflag:s4] =	dma.local [hbm:s3], $0xF7A  }
0x26: {  	[smem:$0x3F95] =	sst s1;
	(tag) =	ssettag s2;
	_ =	strace s9  }
0x27: {  	s1 =	sld [smem:$0x3FA5]  }
0x28: {  	s2 =	sld [smem:$0x3FA6]  }
0x29: {  	s4 =	sld [smem:$0x3FA8]  }
0x2a: {  	p0 =	seq.s32 s5, $0x0;
	s5 =	sld [smem:$0x3FA9]  }
0x2b: {  	s6 =	sld [smem:$0x3FAA]  }
0x2c: {  	s7 =	sld [smem:$0x3FAB]  }
0x2d: {  	s3 =	simm.s32 $0x108;
	s8 =	sld [smem:$0x3FAC]  }
0x2e: {  	s3 =	simm.s32 @!p0 $0x1082;
	s9 =	sld [smem:$0x3FAD]  }
0x2f: {  	lr =	sadd.s32 s0, s3;
	s0 =	sld [smem:$0x3FA4]  }
0x30: {  	s3 =	sld [smem:$0x3FA7]  }
0x31: {  	[smem:$0x3FB0] =	sst s10  }
0x32: {  	s10 =	sld [smem:$0x3FAE];
	_ =	sdelay $0x3  }
0x33: {  	p0 =	seq.s32 s10, $0x1;
	s10 =	sld [smem:$0x3FB0];
	_ =	sdelay $0x3  }
0x34: {  	[smem:$0x3FB0] =	sst s10  }
0x35: {  	s10 =	sld [smem:$0x3FAF];
	_ =	sdelay $0x3  }
0x36: {  	p1 =	seq.s32 s10, $0x1;
	s10 =	sld [smem:$0x3FB0];
	_ =	sdelay $0x3  }
0x37: {  	[smem:$0x3FB0] =	sst s10  }
0x38: {  	s10 =	sld [smem:$0x3FB1]  }
0x39: {  	_ = 	snop;
	(pc) =	sbr.ind lr, $3  }
0x3a: {  	_ = 	snop  }
0x3b: {  	_ = 	snop  }
0x3c: {  	p2 =	seq.s32 s10, $0x1;
	s10 =	sld [smem:$0x3FB0]  }
0x3d: {  	_ =	shalt  }
0x3e: {  	_ =	shalt  }
0x3f: {  	_ =	shalt  }
0x40: {  	_ =	shalt  }
0x41: {  	_ =	shalt  }
0x42: {  	_ =	shalt  }
0x43: {  	_ =	shalt  }
0x44: {  	_ =	shalt  }
0x45: {  	_ =	shalt  }
0x46: {  	_ =	shalt  }
0x47: {  	_ =	shalt  }
0x48: {  	_ =	shalt  }
0x49: {  	_ =	shalt  }
0x4a: {  	_ =	shalt  }
0x4b: {  	_ =	shalt  }
0x4c: {  	_ =	shalt  }
0x4d: {  	_ =	shalt  }
0x4e: {  	_ =	shalt  }
0x4f: {  	_ =	shalt  }
0x50: {  	_ =	shalt  }
0x51: {  	_ =	shalt  }
0x52: {  	_ =	shalt  }
0x53: {  	_ =	shalt  }
0x54: {  	_ =	shalt  }
0x55: {  	_ =	shalt  }
0x56: {  	_ =	shalt  }
0x57: {  	_ =	shalt  }
0x58: {  	_ =	shalt  }
0x59: {  	_ =	shalt  }
0x5a: {  	_ =	shalt  }
0x5b: {  	_ =	shalt  }
0x5c: {  	_ =	shalt  }
0x5d: {  	_ =	shalt  }
0x5e: {  	_ =	shalt  }
0x5f: {  	_ =	shalt  }
0x60: {  	_ =	shalt  }
0x61: {  	_ =	shalt  }
0x62: {  	_ =	shalt  }
0x63: {  	_ =	shalt  }
0x64: {  	_ =	shalt  }
0x65: {  	_ =	shalt  }
0x66: {  	_ =	shalt  }
0x67: {  	_ =	shalt  }
0x68: {  	_ =	shalt  }
0x69: {  	_ =	shalt  }
0x6a: {  	_ =	shalt  }
0x6b: {  	_ =	shalt  }
0x6c: {  	_ =	shalt  }
0x6d: {  	_ =	shalt  }
0x6e: {  	_ =	shalt  }
0x6f: {  	_ =	shalt  }
0x70: {  	_ =	shalt  }
0x71: {  	_ =	shalt  }
0x72: {  	_ =	shalt  }
0x73: {  	_ =	shalt  }
0x74: {  	_ =	shalt  }
0x75: {  	_ =	shalt  }
0x76: {  	_ =	shalt  }
0x77: {  	_ =	shalt  }
0x78: {  	_ =	shalt  }
0x79: {  	_ =	shalt  }
0x7a: {  	_ =	shalt  }
0x7b: {  	_ =	shalt  }
0x7c: {  	_ =	shalt  }
0x7d: {  	_ =	shalt  }
0x7e: {  	_ =	shalt  }
0x7f: {  	_ =	shalt  }
0x80: {  	_ =	shalt  }
0x81: {  	_ =	shalt  }
0x82: {  	_ =	shalt  }
0x83: {  	_ =	shalt  }
0x84: {  	_ =	shalt  }
0x85: {  	_ =	shalt  }
0x86: {  	_ =	shalt  }
0x87: {  	_ =	shalt  }
.Lfunc_end0:
.L_simem_size_0:
called_computation_lowered:
.L_overlay_start_0:
0x88: {  	s2 =	sld [smem:$0x3FD9]  }
0x89: {  	s3 =	sld [smem:$0x3FFE];
	_ =	sdelay $0x1  }
0x8a: {  	s1 =	srdreg.scid  }
0x8b: {  	s0 =	sand.u32 $0x1, s1  }
0x8c: {  	s17 =	sshll.u32 s0, $0xA;
	s2 =	sadd.s32 s3, s2  }
0x8d: {  	s2 =	sadd.s32 s2, s17  }
0x8e: {  	[smem:$0x3FBC] =	sst s2  }
0x8f: {  	_ = 	snop  }
0x90: {  	s2 =	sld [smem:$0x3FD0];
	(tm) =	ssettm $0x1  }
0x91: {  	s18 =	sld [smem:$0x3FFB];
	_ =	sdelay $0x3  }
0x92: {  	_ =	strace s18  }
0x93: {  	s3 =	sld [smem:$0x3FFC];
	_ =	sdelay $0x3  }
0x94: {  	_ =	strace s3  }
0x95: {  	s3 =	sld [smem:$0x3FFD];
	_ =	sdelay $0x3  }
0x96: {  	_ =	strace s3  }
0x97: {  	_ =	strace $0x8FFFFFFF  }
0x98: {  	s19 =	sld [smem:$0x3FDB];
	_ =	sdelay $0x1  }
0x99: {  	s4 =	simm.s32 $_scs_section_size  }
0x9a: {  	s5 =	simm.s32 $_size__tile_overlayer_lowered;
	s6 =	simm.s32 $_tile_overlayer_lowered  }
0x9b: {  	s22 =	simm.s32 $0x1BFF;
	s21 =	sshll.u32 s6, $0x1;
	s3 =	sadd.s32 s4, s19  }
0x9c: {  	s7 =	simm.s32 $0x0;
	s20 =	sshll.u32 s5, $0x1;
	s5 =	sadd.s32 s21, s3  }
0x9d: {  	[timem:s7], [sflag:s22] =	dma.local [hbm:s5], s20  }
0x9e: {  	_ =	swait.ge [sflag:s22], s20  }
0x9f: {  	s4 =	ssub.s32 $0x0, s20;
	[sflag:s22] =	ssyncset.done $0x0  }
0xa0: {  	[sflag:s22] =	ssyncadd.s32 s4;
	_ =	sdelay $0x1  }
0xa1: {  	s23 =	simm.s32 $0x1B8B  }
0xa2: {  	_ =	swait.ge [sflag:s23], $0x1  }
0xa3: {  	[sflag:s23] =	ssyncset.done $0x0  }
0xa4: {  	s25 =	simm.s32 $0x1B8E;
	s24 =	sld [smem:$0x3FFE];
	[sflag:s23] =	ssyncadd.s32 $0xFFFFFFFF  }
0xa5: {  	s26 =	simm.s32 $execute0_lowered;
	[smem:$0x3FD2] =	sst s25  }
0xa6: {  	s5 =	sshll.u32 s26, $0x1;
	_ =	strace $0x80000046;
	[dreg:$0x1] =	wrdreg $0xFFFFFFFF  }
0xa7: {  	s28 =	simm.s32 $_size_execute0_lowered;
	s3 =	sadd.s32 s3, s5;
	[dreg:$0x0] =	wrdreg $0x0  }
0xa8: {  	s5 =	sshll.u32 s28, $0x1;
	[dreg:$0x2] =	wrdreg s3  }
0xa9: {  	[dreg:$0x3] =	wrdreg s5  }
0xaa: {  	[dreg:$0x4] =	wrdreg $0xC0  }
0xab: {  	_ =	task [dreg:s7], $0x5FFFF  }
0xac: {  	[dreg:$0x1] =	wrdreg $0xFFFFFFFF  }
0xad: {  	[dreg:$0x0] =	wrdreg $0x60  }
0xae: {  	[dreg:$0x2] =	wrdreg s24  }
0xaf: {  	[dreg:$0x3] =	wrdreg s2  }
0xb0: {  	[dreg:$0x4] =	wrdreg $0x28800  }
0xb1: {  	[dreg:$0x5] =	wrdreg $0x9  }
0xb2: {  	_ =	task.clear_ibuf [dreg:s7], $0x6FFFF;
	_ =	strace $0x90000046  }
0xb3: {  	s29 =	simm.s32 $0x9;
	_ =	strace $0x80000048  }
0xb4: {  	_ =	swait.ge [sflag:s29], $0x1  }
0xb5: {  	[sflag:s29] =	ssyncadd.s32 $0xFFFFFFFF  }
0xb6: {  	_ =	strace $0x90000048  }
0xb7: {  	_ =	sfence  }
0xb8: {  	s30 =	sld [smem:$0x0];
	_ =	sdelay $0x2  }
0xb9: {  	s31 =	sshll.u32 s1, $0xD;
	s1 =	sshrl.u32 s1, $0x2  }
0xba: {  	s3 =	sand.u32 $0x4000, s31;
	s1 =	sadd.s32 s1, s30  }
0xbb: {  	s0 =	sor.u32 s3, s0;
	s1 =	sshll.u32 s1, $0x11  }
0xbc: {  	s0 =	sor.u32 s1, s0  }
0xbd: {  	s0 =	sadd.s32 $0x8F2B, s0  }
0xbe: {  	[sflag:s0] =	ssyncadd.remote.s32 $0x1  }
0xbf: {  	_ =	sfence.sel $0xFFFF  }
0xc0: {  	[dreg:$0x0] =	wrdreg $0xFFFFFFFF;
	(pc) =	sbr.abs _section_cstart, $3  }
0xc1: {  	[dreg:$0x1] =	wrdreg $0xFFFFFFFF  }
0xc2: {  	_ =	task.clear_ibuf [dreg:s7], $0x2FFFF;
	_ =	strace $0x9FFFFFFF  }
0xc3: {  	(tm) =	ssettm $0x7FFFFFFF  }
tec
execute0_lowered:
.L_overlay_start_1:
0x0: {  	(tag) =	ssettag $0x1  }
0x1: {  	s4 =	rddreg [dreg:$0x0]  }
0x2: {  	s0 =	srdreg.scid;
	s6 =	rddreg [dreg:$0x1]  }
0x3: {  	s2 =	rddreg [dreg:$0x2];
	s1 =	stileid.u32  }
0x4: {  	s3 =	simm.s32 $0x0;
	s13 =	simm.s32 $0x20;
	s14 =	simm.s32 $0x10  }
0x5: {  	s5 =	sand.u32 $0x1, s0;
	s0 =	rddreg [dreg:$0x3];
	s8 =	smul.u32 $0x280, s1  }
0x6: {  	s15 =	simm.s32 $0x0;
	[smem:$0x7FF] =	sst s3;
	s10 =	smul.u32 $0x500, s1  }
0x7: {  	s31 =	sshll.u32 s1, $0x6;
	s7 =	sshll.u32 s5, $0x4;
	_ =	strace $0x80000047  }
0x8: {  	s9 =	ssub.s32 $0x2, s5;
	s5 =	sshll.u32 s5, $0x7;
	s7 =	sor.u32 s1, s7  }
0x9: {  	s11 =	sshrl.u32 s8, $0x3;
	s12 =	sshrl.u32 s9, $0x1;
	s5 =	sor.u32 s5, s10  }
0xa: {  	s29 =	sadd.s32 s8, s2;
	s8 =	simm.s32 $0x1;
	s7 =	smul.u32 $0x500, s7  }
0xb: {  	s11 =	sadd.s32 s11, s4;
	s9 =	ssub.s32 s9, s12;
	s30 =	sshrl.u32 s5, $0x3  }
0xc: {  	s10 =	sshrl.u32 s29, $0x3;
	s12 =	simm.s32 $0x2800;
	s5 =	sadd.s32 $0x17400, s11  }
0xd: {  	s6 =	sadd.s32 s6, s30;
	s11 =	simm.s32 $0x80;
	s7 =	sadd.s32 s7, s4  }
0xe: {  	v0 =	vimm.f32 $1.000000000e+00;
	s4 =	sadd.s32 $0x3400, s7;
	s7 =	smax.u32 s9, $0x1;
	s9 =	sor.u32 $0x1C01, s31  }
.LBB2_1:
0xf: {  	[tilespmem:s3], [sflag:$0x1] =	stream.linear.gather [hbm4b:s4+s3], $0x2800, $0x38;
	[tilespmem:$0x2B00] =	vst v63  }
0x10: {  	_ =	swait.ge [sflag:s8], $0x2800  }
0x11: {  	[sflag:s8] =	ssyncset.done $0x0  }
0x12: {  	[sflag:s8] =	ssyncadd.s32 $0xFFFFD800  }
0x13: {  	[tilespmem:$0x2800] =	vst v0  }
0x14: {  	[tilespmem:$0x2810] =	vst v0  }
0x15: {  	[tilespmem:$0x2820] =	vst v0  }
0x16: {  	[tilespmem:$0x2830] =	vst v0  }
0x17: {  	[tilespmem:$0x2840] =	vst v0  }
0x18: {  	[tilespmem:$0x2850] =	vst v0  }
0x19: {  	[tilespmem:$0x2860] =	vst v0  }
0x1a: {  	[tilespmem:$0x2870] =	vst v0  }
0x1b: {  	[spmem:s10], [sflag:s9] =	dma.local [hbm:s5], $0x50  }
0x1c: {  	_ =	swait.ge [sflag:s8], $0x50  }
0x1d: {  	[sflag:s8] =	ssyncset.done $0x0  }
0x1e: {  	[sflag:s8] =	ssyncadd.s32 $0xFFFFFFB0  }
0x1f: {  	s16 =	simm.s32 $0x0;
	[bflag:$0x0] =	sbarrier.arrive $0xFFFF  }
0x20: {  	[spmem:s2] =	stream.indirect.scatter.add.f32 [tilespmem:s12], [sflag:$0x1], $0x1, s16, s11, $0xb8;
	[tilespmem:$0x2B00] =	vst v63  }
0x21: {  	_ =	swait.ge [sflag:s8], $0x80  }
0x22: {  	s16 =	simm.s32 $0x200;
	[sflag:s8] =	ssyncset.done $0x0  }
.LBB2_2:
0x23: {  	s17 =	sshra.s32 s16, $0x2;
	[sflag:s8] =	ssyncadd.s32 $0xFFFFFF80;
	p0 =	sne.s32 s16, $0x9E00  }
0x24: {  	[spmem:s2] =	stream.indirect.scatter.add.f32 [tilespmem:s12], [sflag:$0x1], $0x1, s17, s11, $0xb8;
	[tilespmem:$0x2B00] =	vst v63  }
.Ltmp0:
0x25: {  	_ = 	snop;
	(pc) =	sbr.rel @p0 .LBB2_2-.Ltmp0, $4  }
0x26: {  	_ = 	snop  }
0x27: {  	s16 =	sadd.s32 $0x200, s16  }
0x28: {  	_ =	swait.ge [sflag:s8], $0x80  }
0x29: {  	[sflag:s8] =	ssyncset.done $0x0  }
0x2a: {  	s15 =	sadd.s32 $0x1, s15  }
0x2b: {  	[sflag:s8] =	ssyncadd.s32 $0xFFFFFF80;
	p0 =	sne.s32 s15, s7  }
.Ltmp1:
0x2c: {  	[bflag:$0x0] =	sbarrier.arrive $0xFFFF;
	(pc) =	sbr.rel @p0 .LBB2_1-.Ltmp1, $4  }
0x2d: {  	[hbm:s6@s13], [sflag:s9] =	dma.strided [spmem:s10@s14], $0x50, s8, $0x10   }
0x2e: {  	_ =	swait.ge [sflag:s8], $0x50  }
0x2f: {  	[sflag:s8] =	ssyncset.done $0x0  }
0x30: {  	[sflag:s8] =	ssyncadd.s32 $0xFFFFFFB0  }
0x31: {  	_ =	sfence.sel $0x180000  }
0x32: {  	[bflag:$0x0] =	sbarrier.arrive $0xFFFF  }
0x33: {  	p0 =	sne.s32 s1, $0x0;
	_ =	strace $0x90000047  }
0x34: {  	s0 =	sadd.s32 @!p0 $0x100000, s0;
	[bflag:$0x2] =	sbarrier.arrive $0xFFFF  }
0x35: {  	[sflag:s0] =	ssyncadd.tile.s32 @!p0 $0x1;
	_ =	shalt  }
.Lfunc_end2:
_tile_overlayer_lowered:
.L_overlay_start_2:
0x36: {  	(tag) =	ssettag $0x2  }
0x37: {  	s0 =	rddreg [dreg:$0x0];
	s2 =	stileid.u32  }
0x38: {  	s1 =	rddreg [dreg:$0x1];
	p0 =	sne.s32 s2, $0x0  }
0x39: {  	s3 =	rddreg [dreg:$0x2];
	[bflag:$0x3] =	sbarrier.arrive $0xFFFF;
	s2 =	simm.s32 @!p0 $0x1C01  }
0x3a: {  	[timem:s3], [sflag:s2] =	dma.local @!p0 [hbm:s0], s1  }
0x3b: {  	s0 =	simm.s32 @!p0 $0x1  }
0x3c: {  	_ =	swait.ge @!p0 [sflag:s0], s1  }
0x3d: {  	s1 =	ssub.s32 @!p0 $0x0, s1;
	[sflag:s0] =	ssyncset.done @!p0 $0x0  }
0x3e: {  	[sflag:s0] =	ssyncadd.s32 @!p0 s1  }
0x3f: {  	[bflag:$0x3] =	sbarrier.arrive $0xFFFF  }
0x40: {  	_ =	shalt  }

// kernel: kernel.14.cloned.1.call-start
scs
__scs_entry_jumppad:
0x0: {  	(pc) =	sbr.rel $0x88, $3  }
0x1: {  	(tag) =	ssettag $0x0;
	lr =	simm.s32 $0x1  }
0x2: {  	[smem:$0x3F95] =	sst lr;
	_ =	strace $0xD0000000  }
0x3: {  	_ = 	snop  }
0x4: {  	_ = 	snop  }
0x5: {  	_ = 	snop  }
0x6: {  	_ = 	snop  }
0x7: {  	_ = 	snop  }
__scs_overlays_trampoline_lowered:
0x8: {  	[smem:$0x3FA4] =	sst s0  }
0x9: {  	[smem:$0x3FA5] =	sst s1  }
0xa: {  	[smem:$0x3FA6] =	sst s2  }
0xb: {  	[smem:$0x3FA7] =	sst s3  }
0xc: {  	[smem:$0x3FA8] =	sst s4  }
0xd: {  	[smem:$0x3FA9] =	sst s5  }
0xe: {  	[smem:$0x3FAA] =	sst s6  }
0xf: {  	[smem:$0x3FAB] =	sst s7  }
0x10: {  	[smem:$0x3FAC] =	sst s8  }
0x11: {  	[smem:$0x3FAD] =	sst s9;
	s0 =	simm.s32 @!p0 $0x0  }
0x12: {  	s1 =	sld [smem:$0x3F93];
	s0 =	simm.s32 @p0 $0x1  }
0x13: {  	[smem:$0x3FAE] =	sst s0;
	s0 =	simm.s32 @!p1 $0x0  }
0x14: {  	s2 =	sld [smem:$0x3F92];
	s0 =	simm.s32 @p1 $0x1  }
0x15: {  	[smem:$0x3FAF] =	sst s0;
	s0 =	simm.s32 @!p2 $0x0  }
0x16: {  	s3 =	sld [smem:$0x3FDB];
	s0 =	simm.s32 @p2 $0x1  }
0x17: {  	s4 =	simm.s32 $0x1BF5;
	[smem:$0x3FB1] =	sst s0  }
0x18: {  	s0 =	sld [smem:$0x3F94];
	_ =	swait.ge [sflag:s4], $0x0  }
0x19: {  	s7 =	sld [smem:$0x3F95]  }
0x1a: {  	s8 =	sadd.s32 $0xFFFFE003, lr  }
0x1b: {  	s9 =	sadd.s32 $0xFFFFFEF7, lr;
	s5 =	simm.s32 $0xFFFFFFFF;
	p2 =	slt.u32 s8, $0xFFFFF086  }
0x1c: {  	p1 =	slt.u32 s9, $0xF7A;
	s5 =	simm.s32 @!p2 $0x0  }
0x1d: {  	s5 =	simm.s32 @p1 $0x1;
	p0 =	seq.s32 s7, s2  }
0x1e: {  	s7 =	smul.u32 @!p0 $0xF7A, s2;
	p2 =	seq.s32 @!p0 s5, $0x0  }
0x1f: {  	s9 =	smul.u32 $0xF7A, s1;
	s8 =	simm.s32 @!p0 $0x1BF5;
	p2 =	por !p2, p0  }
0x20: {  	[sflag:s8] =	ssyncset.s32 @!p0 $0xFFFFF086;
	s6 =	sadd.s32 @!p0 s3, s7;
	s7 =	simm.s32 @!p0 $0x108  }
0x21: {  	s3 =	sadd.s32 s3, s9;
	s6 =	sadd.s32 @!p0 $0x88, s6;
	s7 =	simm.s32 @p2 $0x1082  }
0x22: {  	[simem:s7], [sflag:s8] =	dma.local @!p0 [hbm:s6], $0xF7A  }
0x23: {  	s9 =	sor.u32 $0xD0000000, s2;
	s6 =	simm.s32 $0x108;
	_ =	swait.ge @!p0 [sflag:s8], $0x0  }
0x24: {  	s3 =	sadd.s32 $0x88, s3;
	s6 =	simm.s32 @!p1 $0x1082;
	[sflag:s4] =	ssyncset.s32 $0xFFFFF086  }
0x25: {  	[simem:s6], [sflag:s4] =	dma.local [hbm:s3], $0xF7A  }
0x26: {  	[smem:$0x3F95] =	sst s1;
	(tag) =	ssettag s2;
	_ =	strace s9  }
0x27: {  	s1 =	sld [smem:$0x3FA5]  }
0x28: {  	s2 =	sld [smem:$0x3FA6]  }
0x29: {  	s4 =	sld [smem:$0x3FA8]  }
0x2a: {  	p0 =	seq.s32 s5, $0x0;
	s5 =	sld [smem:$0x3FA9]  }
0x2b: {  	s6 =	sld [smem:$0x3FAA]  }
0x2c: {  	s7 =	sld [smem:$0x3FAB]  }
0x2d: {  	s3 =	simm.s32 $0x108;
	s8 =	sld [smem:$0x3FAC]  }
0x2e: {  	s3 =	simm.s32 @!p0 $0x1082;
	s9 =	sld [smem:$0x3FAD]  }
0x2f: {  	lr =	sadd.s32 s0, s3;
	s0 =	sld [smem:$0x3FA4]  }
0x30: {  	s3 =	sld [smem:$0x3FA7]  }
0x31: {  	[smem:$0x3FB0] =	sst s10  }
0x32: {  	s10 =	sld [smem:$0x3FAE];
	_ =	sdelay $0x3  }
0x33: {  	p0 =	seq.s32 s10, $0x1;
	s10 =	sld [smem:$0x3FB0];
	_ =	sdelay $0x3  }
0x34: {  	[smem:$0x3FB0] =	sst s10  }
0x35: {  	s10 =	sld [smem:$0x3FAF];
	_ =	sdelay $0x3  }
0x36: {  	p1 =	seq.s32 s10, $0x1;
	s10 =	sld [smem:$0x3FB0];
	_ =	sdelay $0x3  }
0x37: {  	[smem:$0x3FB0] =	sst s10  }
0x38: {  	s10 =	sld [smem:$0x3FB1]  }
0x39: {  	_ = 	snop;
	(pc) =	sbr.ind lr, $3  }
0x3a: {  	_ = 	snop  }
0x3b: {  	_ = 	snop  }
0x3c: {  	p2 =	seq.s32 s10, $0x1;
	s10 =	sld [smem:$0x3FB0]  }
0x3d: {  	_ =	shalt  }
0x3e: {  	_ =	shalt  }
0x3f: {  	_ =	shalt  }
0x40: {  	_ =	shalt  }
0x41: {  	_ =	shalt  }
0x42: {  	_ =	shalt  }
0x43: {  	_ =	shalt  }
0x44: {  	_ =	shalt  }
0x45: {  	_ =	shalt  }
0x46: {  	_ =	shalt  }
0x47: {  	_ =	shalt  }
0x48: {  	_ =	shalt  }
0x49: {  	_ =	shalt  }
0x4a: {  	_ =	shalt  }
0x4b: {  	_ =	shalt  }
0x4c: {  	_ =	shalt  }
0x4d: {  	_ =	shalt  }
0x4e: {  	_ =	shalt  }
0x4f: {  	_ =	shalt  }
0x50: {  	_ =	shalt  }
0x51: {  	_ =	shalt  }
0x52: {  	_ =	shalt  }
0x53: {  	_ =	shalt  }
0x54: {  	_ =	shalt  }
0x55: {  	_ =	shalt  }
0x56: {  	_ =	shalt  }
0x57: {  	_ =	shalt  }
0x58: {  	_ =	shalt  }
0x59: {  	_ =	shalt  }
0x5a: {  	_ =	shalt  }
0x5b: {  	_ =	shalt  }
0x5c: {  	_ =	shalt  }
0x5d: {  	_ =	shalt  }
0x5e: {  	_ =	shalt  }
0x5f: {  	_ =	shalt  }
0x60: {  	_ =	shalt  }
0x61: {  	_ =	shalt  }
0x62: {  	_ =	shalt  }
0x63: {  	_ =	shalt  }
0x64: {  	_ =	shalt  }
0x65: {  	_ =	shalt  }
0x66: {  	_ =	shalt  }
0x67: {  	_ =	shalt  }
0x68: {  	_ =	shalt  }
0x69: {  	_ =	shalt  }
0x6a: {  	_ =	shalt  }
0x6b: {  	_ =	shalt  }
0x6c: {  	_ =	shalt  }
0x6d: {  	_ =	shalt  }
0x6e: {  	_ =	shalt  }
0x6f: {  	_ =	shalt  }
0x70: {  	_ =	shalt  }
0x71: {  	_ =	shalt  }
0x72: {  	_ =	shalt  }
0x73: {  	_ =	shalt  }
0x74: {  	_ =	shalt  }
0x75: {  	_ =	shalt  }
0x76: {  	_ =	shalt  }
0x77: {  	_ =	shalt  }
0x78: {  	_ =	shalt  }
0x79: {  	_ =	shalt  }
0x7a: {  	_ =	shalt  }
0x7b: {  	_ =	shalt  }
0x7c: {  	_ =	shalt  }
0x7d: {  	_ =	shalt  }
0x7e: {  	_ =	shalt  }
0x7f: {  	_ =	shalt  }
0x80: {  	_ =	shalt  }
0x81: {  	_ =	shalt  }
0x82: {  	_ =	shalt  }
0x83: {  	_ =	shalt  }
0x84: {  	_ =	shalt  }
0x85: {  	_ =	shalt  }
0x86: {  	_ =	shalt  }
0x87: {  	_ =	shalt  }
.Lfunc_end0:
.L_simem_size_0:
called_computation.1_lowered:
.L_overlay_start_0:
0x88: {  	s2 =	sld [smem:$0x3FD9]  }
0x89: {  	s3 =	sld [smem:$0x3FFE];
	_ =	sdelay $0x1  }
0x8a: {  	s1 =	srdreg.scid  }
0x8b: {  	s0 =	sand.u32 $0x1, s1  }
0x8c: {  	s17 =	sshll.u32 s0, $0xA;
	s2 =	sadd.s32 s3, s2  }
0x8d: {  	s2 =	sadd.s32 s2, s17  }
0x8e: {  	[smem:$0x3FBC] =	sst s2  }
0x8f: {  	_ = 	snop  }
0x90: {  	s2 =	sld [smem:$0x3FD0];
	(tm) =	ssettm $0x1  }
0x91: {  	s18 =	sld [smem:$0x3FFB];
	_ =	sdelay $0x3  }
0x92: {  	_ =	strace s18  }
0x93: {  	s3 =	sld [smem:$0x3FFC];
	_ =	sdelay $0x3  }
0x94: {  	_ =	strace s3  }
0x95: {  	s3 =	sld [smem:$0x3FFD];
	_ =	sdelay $0x3  }
0x96: {  	_ =	strace s3  }
0x97: {  	_ =	strace $0x8FFFFFFF  }
0x98: {  	s19 =	sld [smem:$0x3FDB];
	_ =	sdelay $0x1  }
0x99: {  	s4 =	simm.s32 $_scs_section_size  }
0x9a: {  	s5 =	simm.s32 $_size__tile_overlayer_lowered;
	s6 =	simm.s32 $_tile_overlayer_lowered  }
0x9b: {  	s22 =	simm.s32 $0x1BFF;
	s21 =	sshll.u32 s6, $0x1;
	s3 =	sadd.s32 s4, s19  }
0x9c: {  	s7 =	simm.s32 $0x0;
	s20 =	sshll.u32 s5, $0x1;
	s5 =	sadd.s32 s21, s3  }
0x9d: {  	[timem:s7], [sflag:s22] =	dma.local [hbm:s5], s20  }
0x9e: {  	_ =	swait.ge [sflag:s22], s20  }
0x9f: {  	s4 =	ssub.s32 $0x0, s20;
	[sflag:s22] =	ssyncset.done $0x0  }
0xa0: {  	[sflag:s22] =	ssyncadd.s32 s4;
	_ =	sdelay $0x1  }
0xa1: {  	s23 =	simm.s32 $0x1B8B  }
0xa2: {  	_ =	swait.ge [sflag:s23], $0x1  }
0xa3: {  	[sflag:s23] =	ssyncset.done $0x0  }
0xa4: {  	s25 =	simm.s32 $0x1B8E;
	s24 =	sld [smem:$0x3FFE];
	[sflag:s23] =	ssyncadd.s32 $0xFFFFFFFF  }
0xa5: {  	s26 =	simm.s32 $execute0_lowered;
	[smem:$0x3FD2] =	sst s25  }
0xa6: {  	s5 =	sshll.u32 s26, $0x1;
	_ =	strace $0x80000049;
	[dreg:$0x1] =	wrdreg $0xFFFFFFFF  }
0xa7: {  	s28 =	simm.s32 $_size_execute0_lowered;
	s3 =	sadd.s32 s3, s5;
	[dreg:$0x0] =	wrdreg $0x0  }
0xa8: {  	s5 =	sshll.u32 s28, $0x1;
	[dreg:$0x2] =	wrdreg s3  }
0xa9: {  	[dreg:$0x3] =	wrdreg s5  }
0xaa: {  	[dreg:$0x4] =	wrdreg $0xC0  }
0xab: {  	_ =	task [dreg:s7], $0x5FFFF  }
0xac: {  	[dreg:$0x1] =	wrdreg $0xFFFFFFFF  }
0xad: {  	[dreg:$0x0] =	wrdreg $0x60  }
0xae: {  	[dreg:$0x2] =	wrdreg s2  }
0xaf: {  	[dreg:$0x3] =	wrdreg s24  }
0xb0: {  	[dreg:$0x4] =	wrdreg $0xA8000  }
0xb1: {  	[dreg:$0x5] =	wrdreg $0x9  }
0xb2: {  	_ =	task.clear_ibuf [dreg:s7], $0x6FFFF;
	_ =	strace $0x90000049  }
0xb3: {  	s29 =	simm.s32 $0x9;
	_ =	strace $0x8000004B  }
0xb4: {  	_ =	swait.ge [sflag:s29], $0x1  }
0xb5: {  	[sflag:s29] =	ssyncadd.s32 $0xFFFFFFFF  }
0xb6: {  	_ =	strace $0x9000004B  }
0xb7: {  	_ =	sfence  }
0xb8: {  	s30 =	sld [smem:$0x0];
	_ =	sdelay $0x2  }
0xb9: {  	s31 =	sshll.u32 s1, $0xD;
	s1 =	sshrl.u32 s1, $0x2  }
0xba: {  	s3 =	sand.u32 $0x4000, s31;
	s1 =	sadd.s32 s1, s30  }
0xbb: {  	s0 =	sor.u32 s3, s0;
	s1 =	sshll.u32 s1, $0x11  }
0xbc: {  	s0 =	sor.u32 s1, s0  }
0xbd: {  	s0 =	sadd.s32 $0x8F2B, s0  }
0xbe: {  	[sflag:s0] =	ssyncadd.remote.s32 $0x1  }
0xbf: {  	_ =	sfence.sel $0xFFFF  }
0xc0: {  	[dreg:$0x0] =	wrdreg $0xFFFFFFFF;
	(pc) =	sbr.abs _section_cstart, $3  }
0xc1: {  	[dreg:$0x1] =	wrdreg $0xFFFFFFFF  }
0xc2: {  	_ =	task.clear_ibuf [dreg:s7], $0x2FFFF;
	_ =	strace $0x9FFFFFFF  }
0xc3: {  	(tm) =	ssettm $0x7FFFFFFF  }
tec
execute0_lowered:
.L_overlay_start_1:
0x0: {  	(tag) =	ssettag $0x1  }
0x1: {  	s1 =	rddreg [dreg:$0x0]  }
0x2: {  	s5 =	rddreg [dreg:$0x1]  }
0x3: {  	s3 =	rddreg [dreg:$0x2]  }
0x4: {  	s0 =	rddreg [dreg:$0x3];
	s4 =	simm.s32 $0x0;
	s2 =	stileid.u32  }
0x5: {  	s7 =	srdreg.scid;
	s15 =	simm.s32 $0x2800;
	s16 =	simm.s32 $0x6800  }
0x6: {  	s19 =	simm.s32 $0x1;
	s20 =	simm.s32 $0x2;
	s21 =	simm.s32 $0x2600  }
0x7: {  	s22 =	simm.s32 $0x1300;
	s23 =	simm.s32 $0x2680;
	s24 =	simm.s32 $0x1380  }
0x8: {  	s25 =	simm.s32 $0x2700;
	s28 =	simm.s32 $0x0;
	[smem:$0x7FF] =	sst s4  }
0x9: {  	s6 =	smul.u32 $0x13C00, s2;
	s8 =	sadd.s32 $0xD400, s5;
	s7 =	sand.u32 $0x1, s7  }
0xa: {  	s12 =	sadd.s32 $0x3400, s5;
	s13 =	smul.u32 $0x4F000, s2;
	s17 =	sshll.u32 s2, $0x6  }
0xb: {  	_ =	strace $0x8000004A;
	s10 =	smul.u32 $0x13C000, s7;
	s11 =	sshll.u32 s7, $0x4  }
0xc: {  	s7 =	ssub.s32 $0x2, s7;
	s17 =	sor.u32 $0x1C03, s17;
	s9 =	sshrl.u32 s6, $0x3  }
0xd: {  	s11 =	sor.u32 s2, s11;
	s29 =	sshrl.u32 s7, $0x1;
	s30 =	sshrl.u32 s13, $0x2  }
0xe: {  	s13 =	simm.s32 $0x1400;
	s9 =	sadd.s32 s9, s5;
	s6 =	sadd.s32 s6, s10  }
0xf: {  	s26 =	smul.u32 $0x2800, s11;
	s11 =	ssub.s32 s7, s29;
	s18 =	sadd.s32 s30, s3  }
0x10: {  	s6 =	sshrl.u32 s6, $0x3;
	s7 =	sadd.s32 $0x17400, s9;
	s11 =	smax.u32 s11, $0x1  }
0x11: {  	s18 =	sshrl.u32 s18, $0x3;
	s14 =	sadd.s32 s6, s5;
	s10 =	sshrl.u32 s26, $0x3  }
0x12: {  	s26 =	simm.s32 $0x2780;
	s5 =	sadd.s32 s8, s10;
	s6 =	sadd.s32 s12, s10  }
0x13: {  	s31 =	sadd.s32 $0x280, s10;
	s10 =	sadd.s32 $0x3EC00, s14;
	s14 =	simm.s32 $0x80  }
0x14: {  	s8 =	sadd.s32 s8, s31;
	s9 =	sadd.s32 s12, s31;
	s12 =	simm.s32 $0x3  }
.LBB2_1:
0x15: {  	[tilespmem:s4], [sflag:$0x3] =	stream.linear.gather [hbm4b:s5+s4], $0x1400, $0x38;
	[tilespmem:$0x1E400] =	vst v63  }
0x16: {  	_ =	swait.ge [sflag:s12], $0x1400  }
0x17: {  	[sflag:s12] =	ssyncset.done $0x0  }
0x18: {  	[sflag:s12] =	ssyncadd.s32 $0xFFFFEC00  }
0x19: {  	[tilespmem:s13], [sflag:$0x3] =	stream.linear.gather [hbm4b:s6+s4], $0x1400, $0x38;
	[tilespmem:$0x1E400] =	vst v63  }
0x1a: {  	_ =	swait.ge [sflag:s12], $0x1400  }
0x1b: {  	[sflag:s12] =	ssyncset.done $0x0  }
0x1c: {  	[sflag:s12] =	ssyncadd.s32 $0xFFFFEC00  }
0x1d: {  	[tilespmem:s15], [sflag:$0x1] =	stream.indirect.gather [hbm4b:s1+s14], $0x80, s4, s14, $0xb8;
	[tilespmem:$0x1E400] =	vst v63  }
0x1e: {  	_ = 	snop  }
0x1f: {  	[tilespmem:s16], [sflag:$0x2] =	stream.indirect.gather [hbm4b:s1+s14], $0x80, s14, s14, $0xb8;
	[tilespmem:$0x1E400] =	vst v63  }
0x20: {  	[spmem:s18], [sflag:s17] =	dma.local [hbm:s7], $0x2780  }
0x21: {  	_ =	swait.ge [sflag:s12], $0x2780  }
0x22: {  	[sflag:s12] =	ssyncset.done $0x0  }
0x23: {  	[sflag:s12] =	ssyncadd.s32 $0xFFFFD880  }
0x24: {  	[bflag:$0x0] =	sbarrier.arrive $0xFFFF  }
0x25: {  	_ =	swait.ge [sflag:s19], $0x4000  }
0x26: {  	[sflag:s19] =	ssyncset.done $0x0  }
0x27: {  	s29 =	simm.s32 $0x1400;
	[sflag:s19] =	ssyncadd.s32 $0xFFFFC000  }
0x28: {  	[spmem:s3] =	stream.indirect.scatter.add.f32 [tilespmem:s15], [sflag:$0x3], $0x80, s29, s14, $0xb8;
	[tilespmem:$0x1E400] =	vst v63  }
0x29: {  	_ =	swait.ge [sflag:s12], $0x4000  }
0x2a: {  	[sflag:s12] =	ssyncset.done $0x0  }
0x2b: {  	s29 =	simm.s32 $0x100;
	[sflag:s12] =	ssyncadd.s32 $0xFFFFC000  }
0x2c: {  	[tilespmem:s15], [sflag:$0x1] =	stream.indirect.gather [hbm4b:s1+s14], $0x80, s29, s14, $0xb8;
	[tilespmem:$0x1E400] =	vst v63  }
0x2d: {  	_ =	swait.ge [sflag:s20], $0x4000  }
0x2e: {  	[sflag:s20] =	ssyncset.done $0x0  }
0x2f: {  	s29 =	simm.s32 $0x1480;
	[sflag:s20] =	ssyncadd.s32 $0xFFFFC000  }
0x30: {  	[spmem:s3] =	stream.indirect.scatter.add.f32 [tilespmem:s16], [sflag:$0x3], $0x80, s29, s14, $0xb8;
	[tilespmem:$0x1E400] =	vst v63  }
0x31: {  	_ =	swait.ge [sflag:s12], $0x4000  }
0x32: {  	[sflag:s12] =	ssyncset.done $0x0  }
0x33: {  	s30 =	simm.s32 $0x180;
	s29 =	simm.s32 $0x400;
	[sflag:s12] =	ssyncadd.s32 $0xFFFFC000  }
.LBB2_2:
0x34: {  	[tilespmem:s16], [sflag:$0x2] =	stream.indirect.gather [hbm4b:s1+s14], $0x80, s30, s14, $0xb8;
	[tilespmem:$0x1E400] =	vst v63  }
0x35: {  	s30 =	smov.u32 s29  }
0x36: {  	p0 =	sne.s32 s29, $0x4400;
	s29 =	sadd.s32 $0x400, s29;
	_ =	swait.ge [sflag:s19], $0x4000  }
0x37: {  	s30 =	sshra.s32 s30, $0x2;
	[sflag:s19] =	ssyncset.done $0x0  }
0x38: {  	s31 =	sadd.s32 $0x1400, s30;
	[sflag:s19] =	ssyncadd.s32 $0xFFFFC000  }
0x39: {  	[spmem:s3] =	stream.indirect.scatter.add.f32 [tilespmem:s15], [sflag:$0x3], $0x80, s31, s14, $0xb8;
	[tilespmem:$0x1E400] =	vst v63  }
0x3a: {  	_ =	swait.ge [sflag:s12], $0x4000  }
0x3b: {  	[sflag:s12] =	ssyncset.done $0x0  }
0x3c: {  	s31 =	sadd.s32 $0x100, s30;
	[sflag:s12] =	ssyncadd.s32 $0xFFFFC000  }
0x3d: {  	[tilespmem:s15], [sflag:$0x1] =	stream.indirect.gather [hbm4b:s1+s14], $0x80, s31, s14, $0xb8;
	[tilespmem:$0x1E400] =	vst v63  }
0x3e: {  	_ =	swait.ge [sflag:s20], $0x4000  }
0x3f: {  	[sflag:s20] =	ssyncset.done $0x0  }
.Ltmp0:
0x40: {  	s31 =	sadd.s32 $0x1480, s30;
	[sflag:s20] =	ssyncadd.s32 $0xFFFFC000;
	(pc) =	sbr.rel @p0 .LBB2_2-.Ltmp0, $4  }
0x41: {  	[spmem:s3] =	stream.indirect.scatter.add.f32 [tilespmem:s16], [sflag:$0x3], $0x80, s31, s14, $0xb8;
	[tilespmem:$0x1E400] =	vst v63  }
0x42: {  	_ =	swait.ge [sflag:s12], $0x4000  }
0x43: {  	[sflag:s12] =	ssyncset.done $0x0  }
0x44: {  	s30 =	sadd.s32 $0x180, s30;
	[sflag:s12] =	ssyncadd.s32 $0xFFFFC000  }
0x45: {  	[tilespmem:s16], [sflag:$0x2] =	stream.indirect.gather [hbm4b:s1+s14], $0x80, s30, s14, $0xb8;
	[tilespmem:$0x1E400] =	vst v63  }
0x46: {  	_ =	swait.ge [sflag:s19], $0x4000  }
0x47: {  	[sflag:s19] =	ssyncset.done $0x0  }
0x48: {  	[sflag:s19] =	ssyncadd.s32 $0xFFFFC000  }
0x49: {  	[spmem:s3] =	stream.indirect.scatter.add.f32 [tilespmem:s15], [sflag:$0x3], $0x80, s21, s14, $0xb8;
	[tilespmem:$0x1E400] =	vst v63  }
0x4a: {  	_ =	swait.ge [sflag:s12], $0x4000  }
0x4b: {  	[sflag:s12] =	ssyncset.done $0x0  }
0x4c: {  	[sflag:s12] =	ssyncadd.s32 $0xFFFFC000  }
0x4d: {  	[tilespmem:s15], [sflag:$0x1] =	stream.indirect.gather [hbm4b:s1+s14], $0x80, s22, s14, $0xb8;
	[tilespmem:$0x1E400] =	vst v63  }
0x4e: {  	_ =	swait.ge [sflag:s20], $0x4000  }
0x4f: {  	[sflag:s20] =	ssyncset.done $0x0  }
0x50: {  	[sflag:s20] =	ssyncadd.s32 $0xFFFFC000  }
0x51: {  	[spmem:s3] =	stream.indirect.scatter.add.f32 [tilespmem:s16], [sflag:$0x3], $0x80, s23, s14, $0xb8;
	[tilespmem:$0x1E400] =	vst v63  }
0x52: {  	_ =	swait.ge [sflag:s12], $0x4000  }
0x53: {  	[sflag:s12] =	ssyncset.done $0x0  }
0x54: {  	[sflag:s12] =	ssyncadd.s32 $0xFFFFC000  }
0x55: {  	[tilespmem:s16], [sflag:$0x2] =	stream.indirect.gather [hbm4b:s1+s14], $0x80, s24, s14, $0xb8;
	[tilespmem:$0x1E400] =	vst v63  }
0x56: {  	_ =	swait.ge [sflag:s19], $0x4000  }
0x57: {  	[sflag:s19] =	ssyncset.done $0x0  }
0x58: {  	[sflag:s19] =	ssyncadd.s32 $0xFFFFC000  }
0x59: {  	[spmem:s3] =	stream.indirect.scatter.add.f32 [tilespmem:s15], [sflag:$0x3], $0x80, s25, s14, $0xb8;
	[tilespmem:$0x1E400] =	vst v63  }
0x5a: {  	_ =	swait.ge [sflag:s12], $0x4000  }
0x5b: {  	[sflag:s12] =	ssyncset.done $0x0  }
0x5c: {  	[sflag:s12] =	ssyncadd.s32 $0xFFFFC000  }
0x5d: {  	[tilespmem:s15], [sflag:$0x1] =	stream.indirect.gather [hbm4b:s1+s14], $0x80, s24, s14, $0xb8;
	[tilespmem:$0x1E400] =	vst v63  }
0x5e: {  	_ =	swait.ge [sflag:s20], $0x4000  }
0x5f: {  	[sflag:s20] =	ssyncset.done $0x0  }
0x60: {  	[sflag:s20] =	ssyncadd.s32 $0xFFFFC000  }
0x61: {  	[spmem:s3] =	stream.indirect.scatter.add.f32 [tilespmem:s16], [sflag:$0x3], $0x80, s26, s14, $0xb8;
	[tilespmem:$0x1E400] =	vst v63  }
0x62: {  	_ =	swait.ge [sflag:s12], $0x4000  }
0x63: {  	[sflag:s12] =	ssyncset.done $0x0  }
0x64: {  	[sflag:s12] =	ssyncadd.s32 $0xFFFFC000  }
0x65: {  	[tilespmem:s16], [sflag:$0x2] =	stream.indirect.gather [hbm4b:s1+s14], $0x80, s24, s14, $0xb8;
	[tilespmem:$0x1E400] =	vst v63  }
0x66: {  	_ =	swait.ge [sflag:s19], $0x4000  }
0x67: {  	[sflag:s19] =	ssyncset.done $0x0  }
0x68: {  	[sflag:s19] =	ssyncadd.s32 $0xFFFFC000  }
0x69: {  	_ =	swait.ge [sflag:s20], $0x4000  }
0x6a: {  	[sflag:s20] =	ssyncset.done $0x0  }
0x6b: {  	s29 =	simm.s32 $0x0;
	[sflag:s20] =	ssyncadd.s32 $0xFFFFC000  }
0x6c: {  	[tilespmem:s29], [sflag:$0x3] =	stream.linear.gather [hbm4b:s8+s29], $0x1400, $0x38;
	[tilespmem:$0x1E400] =	vst v63  }
0x6d: {  	_ =	swait.ge [sflag:s12], $0x1400  }
0x6e: {  	[sflag:s12] =	ssyncset.done $0x0  }
0x6f: {  	[sflag:s12] =	ssyncadd.s32 $0xFFFFEC00  }
0x70: {  	[tilespmem:s13], [sflag:$0x3] =	stream.linear.gather [hbm4b:s9+s29], $0x1400, $0x38;
	[tilespmem:$0x1E400] =	vst v63  }
0x71: {  	_ =	swait.ge [sflag:s12], $0x1400  }
0x72: {  	[sflag:s12] =	ssyncset.done $0x0  }
0x73: {  	[sflag:s12] =	ssyncadd.s32 $0xFFFFEC00  }
0x74: {  	[tilespmem:s15], [sflag:$0x1] =	stream.indirect.gather [hbm4b:s1+s14], $0x80, s29, s14, $0xb8;
	[tilespmem:$0x1E400] =	vst v63  }
0x75: {  	_ = 	snop  }
0x76: {  	[tilespmem:s16], [sflag:$0x2] =	stream.indirect.gather [hbm4b:s1+s14], $0x80, s14, s14, $0xb8;
	[tilespmem:$0x1E400] =	vst v63  }
0x77: {  	_ =	swait.ge [sflag:s19], $0x4000  }
0x78: {  	[sflag:s19] =	ssyncset.done $0x0  }
0x79: {  	s29 =	simm.s32 $0x1400;
	[sflag:s19] =	ssyncadd.s32 $0xFFFFC000  }
0x7a: {  	[spmem:s3] =	stream.indirect.scatter.add.f32 [tilespmem:s15], [sflag:$0x3], $0x80, s29, s14, $0xb8;
	[tilespmem:$0x1E400] =	vst v63  }
0x7b: {  	_ =	swait.ge [sflag:s12], $0x4000  }
0x7c: {  	[sflag:s12] =	ssyncset.done $0x0  }
0x7d: {  	s29 =	simm.s32 $0x100;
	[sflag:s12] =	ssyncadd.s32 $0xFFFFC000  }
0x7e: {  	[tilespmem:s15], [sflag:$0x1] =	stream.indirect.gather [hbm4b:s1+s14], $0x80, s29, s14, $0xb8;
	[tilespmem:$0x1E400] =	vst v63  }
0x7f: {  	_ =	swait.ge [sflag:s20], $0x4000  }
0x80: {  	[sflag:s20] =	ssyncset.done $0x0  }
0x81: {  	s29 =	simm.s32 $0x1480;
	[sflag:s20] =	ssyncadd.s32 $0xFFFFC000  }
0x82: {  	[spmem:s3] =	stream.indirect.scatter.add.f32 [tilespmem:s16], [sflag:$0x3], $0x80, s29, s14, $0xb8;
	[tilespmem:$0x1E400] =	vst v63  }
0x83: {  	_ =	swait.ge [sflag:s12], $0x4000  }
0x84: {  	[sflag:s12] =	ssyncset.done $0x0  }
0x85: {  	s30 =	simm.s32 $0x180;
	s29 =	simm.s32 $0x400;
	[sflag:s12] =	ssyncadd.s32 $0xFFFFC000  }
.LBB2_4:
0x86: {  	[tilespmem:s16], [sflag:$0x2] =	stream.indirect.gather [hbm4b:s1+s14], $0x80, s30, s14, $0xb8;
	[tilespmem:$0x1E400] =	vst v63  }
0x87: {  	s30 =	smov.u32 s29  }
0x88: {  	p0 =	sne.s32 s29, $0x4400;
	s29 =	sadd.s32 $0x400, s29;
	_ =	swait.ge [sflag:s19], $0x4000  }
0x89: {  	s30 =	sshra.s32 s30, $0x2;
	[sflag:s19] =	ssyncset.done $0x0  }
0x8a: {  	s31 =	sadd.s32 $0x1400, s30;
	[sflag:s19] =	ssyncadd.s32 $0xFFFFC000  }
0x8b: {  	[spmem:s3] =	stream.indirect.scatter.add.f32 [tilespmem:s15], [sflag:$0x3], $0x80, s31, s14, $0xb8;
	[tilespmem:$0x1E400] =	vst v63  }
0x8c: {  	_ =	swait.ge [sflag:s12], $0x4000  }
0x8d: {  	[sflag:s12] =	ssyncset.done $0x0  }
0x8e: {  	s31 =	sadd.s32 $0x100, s30;
	[sflag:s12] =	ssyncadd.s32 $0xFFFFC000  }
0x8f: {  	[tilespmem:s15], [sflag:$0x1] =	stream.indirect.gather [hbm4b:s1+s14], $0x80, s31, s14, $0xb8;
	[tilespmem:$0x1E400] =	vst v63  }
0x90: {  	_ =	swait.ge [sflag:s20], $0x4000  }
0x91: {  	[sflag:s20] =	ssyncset.done $0x0  }
.Ltmp1:
0x92: {  	s31 =	sadd.s32 $0x1480, s30;
	[sflag:s20] =	ssyncadd.s32 $0xFFFFC000;
	(pc) =	sbr.rel @p0 .LBB2_4-.Ltmp1, $4  }
0x93: {  	[spmem:s3] =	stream.indirect.scatter.add.f32 [tilespmem:s16], [sflag:$0x3], $0x80, s31, s14, $0xb8;
	[tilespmem:$0x1E400] =	vst v63  }
0x94: {  	_ =	swait.ge [sflag:s12], $0x4000  }
0x95: {  	[sflag:s12] =	ssyncset.done $0x0  }
0x96: {  	s30 =	sadd.s32 $0x180, s30;
	[sflag:s12] =	ssyncadd.s32 $0xFFFFC000  }
0x97: {  	[tilespmem:s16], [sflag:$0x2] =	stream.indirect.gather [hbm4b:s1+s14], $0x80, s30, s14, $0xb8;
	[tilespmem:$0x1E400] =	vst v63  }
0x98: {  	_ =	swait.ge [sflag:s19], $0x4000  }
0x99: {  	[sflag:s19] =	ssyncset.done $0x0  }
0x9a: {  	[sflag:s19] =	ssyncadd.s32 $0xFFFFC000  }
0x9b: {  	[spmem:s3] =	stream.indirect.scatter.add.f32 [tilespmem:s15], [sflag:$0x3], $0x80, s21, s14, $0xb8;
	[tilespmem:$0x1E400] =	vst v63  }
0x9c: {  	_ =	swait.ge [sflag:s12], $0x4000  }
0x9d: {  	[sflag:s12] =	ssyncset.done $0x0  }
0x9e: {  	[sflag:s12] =	ssyncadd.s32 $0xFFFFC000  }
0x9f: {  	[tilespmem:s15], [sflag:$0x1] =	stream.indirect.gather [hbm4b:s1+s14], $0x80, s22, s14, $0xb8;
	[tilespmem:$0x1E400] =	vst v63  }
0xa0: {  	_ =	swait.ge [sflag:s20], $0x4000  }
0xa1: {  	[sflag:s20] =	ssyncset.done $0x0  }
0xa2: {  	[sflag:s20] =	ssyncadd.s32 $0xFFFFC000  }
0xa3: {  	[spmem:s3] =	stream.indirect.scatter.add.f32 [tilespmem:s16], [sflag:$0x3], $0x80, s23, s14, $0xb8;
	[tilespmem:$0x1E400] =	vst v63  }
0xa4: {  	_ =	swait.ge [sflag:s12], $0x4000  }
0xa5: {  	[sflag:s12] =	ssyncset.done $0x0  }
0xa6: {  	[sflag:s12] =	ssyncadd.s32 $0xFFFFC000  }
0xa7: {  	[tilespmem:s16], [sflag:$0x2] =	stream.indirect.gather [hbm4b:s1+s14], $0x80, s24, s14, $0xb8;
	[tilespmem:$0x1E400] =	vst v63  }
0xa8: {  	_ =	swait.ge [sflag:s19], $0x4000  }
0xa9: {  	[sflag:s19] =	ssyncset.done $0x0  }
0xaa: {  	[sflag:s19] =	ssyncadd.s32 $0xFFFFC000  }
0xab: {  	[spmem:s3] =	stream.indirect.scatter.add.f32 [tilespmem:s15], [sflag:$0x3], $0x80, s25, s14, $0xb8;
	[tilespmem:$0x1E400] =	vst v63  }
0xac: {  	_ =	swait.ge [sflag:s12], $0x4000  }
0xad: {  	[sflag:s12] =	ssyncset.done $0x0  }
0xae: {  	[sflag:s12] =	ssyncadd.s32 $0xFFFFC000  }
0xaf: {  	[tilespmem:s15], [sflag:$0x1] =	stream.indirect.gather [hbm4b:s1+s14], $0x80, s24, s14, $0xb8;
	[tilespmem:$0x1E400] =	vst v63  }
0xb0: {  	_ =	swait.ge [sflag:s20], $0x4000  }
0xb1: {  	[sflag:s20] =	ssyncset.done $0x0  }
0xb2: {  	[sflag:s20] =	ssyncadd.s32 $0xFFFFC000  }
0xb3: {  	[spmem:s3] =	stream.indirect.scatter.add.f32 [tilespmem:s16], [sflag:$0x3], $0x80, s26, s14, $0xb8;
	[tilespmem:$0x1E400] =	vst v63  }
0xb4: {  	_ =	swait.ge [sflag:s12], $0x4000  }
0xb5: {  	[sflag:s12] =	ssyncset.done $0x0  }
0xb6: {  	[sflag:s12] =	ssyncadd.s32 $0xFFFFC000  }
0xb7: {  	[tilespmem:s16], [sflag:$0x2] =	stream.indirect.gather [hbm4b:s1+s14], $0x80, s24, s14, $0xb8;
	[tilespmem:$0x1E400] =	vst v63  }
0xb8: {  	_ =	swait.ge [sflag:s19], $0x4000  }
0xb9: {  	[sflag:s19] =	ssyncset.done $0x0  }
0xba: {  	[sflag:s19] =	ssyncadd.s32 $0xFFFFC000  }
0xbb: {  	_ =	swait.ge [sflag:s20], $0x4000  }
0xbc: {  	s28 =	sadd.s32 $0x1, s28;
	[sflag:s20] =	ssyncset.done $0x0  }
0xbd: {  	p0 =	sne.s32 s28, s11;
	[sflag:s20] =	ssyncadd.s32 $0xFFFFC000  }
.Ltmp2:
0xbe: {  	[bflag:$0x0] =	sbarrier.arrive $0xFFFF;
	(pc) =	sbr.rel @p0 .LBB2_1-.Ltmp2, $4  }
0xbf: {  	[hbm:s10], [sflag:s17] =	dma.local [spmem:s18], $0x2780  }
0xc0: {  	_ =	swait.ge [sflag:s12], $0x2780  }
0xc1: {  	[sflag:s12] =	ssyncset.done $0x0  }
0xc2: {  	[sflag:s12] =	ssyncadd.s32 $0xFFFFD880  }
0xc3: {  	_ =	sfence.sel $0x180000  }
0xc4: {  	[bflag:$0x0] =	sbarrier.arrive $0xFFFF  }
0xc5: {  	p0 =	sne.s32 s2, $0x0;
	_ =	strace $0x9000004A  }
0xc6: {  	s0 =	sadd.s32 @!p0 $0x100000, s0;
	[bflag:$0x2] =	sbarrier.arrive $0xFFFF  }
0xc7: {  	[sflag:s0] =	ssyncadd.tile.s32 @!p0 $0x1;
	_ =	shalt  }
.Lfunc_end2:
_tile_overlayer_lowered:
.L_overlay_start_2:
0xc8: {  	(tag) =	ssettag $0x2  }
0xc9: {  	s0 =	rddreg [dreg:$0x0];
	s2 =	stileid.u32  }
0xca: {  	s1 =	rddreg [dreg:$0x1];
	p0 =	sne.s32 s2, $0x0  }
0xcb: {  	s3 =	rddreg [dreg:$0x2];
	[bflag:$0x3] =	sbarrier.arrive $0xFFFF;
	s2 =	simm.s32 @!p0 $0x1C03  }
0xcc: {  	[timem:s3], [sflag:s2] =	dma.local @!p0 [hbm:s0], s1  }
0xcd: {  	s0 =	simm.s32 @!p0 $0x3  }
0xce: {  	_ =	swait.ge @!p0 [sflag:s0], s1  }
0xcf: {  	s1 =	ssub.s32 @!p0 $0x0, s1;
	[sflag:s0] =	ssyncset.done @!p0 $0x0  }
0xd0: {  	[sflag:s0] =	ssyncadd.s32 @!p0 s1  }
0xd1: {  	[bflag:$0x3] =	sbarrier.arrive $0xFFFF  }
0xd2: {  	_ =	shalt  }

// kernel: kernel.17.cloned.1.call-start
scs
__scs_entry_jumppad:
0x0: {  	(pc) =	sbr.rel $0x88, $3  }
0x1: {  	(tag) =	ssettag $0x0;
	lr =	simm.s32 $0x1  }
0x2: {  	[smem:$0x3F95] =	sst lr;
	_ =	strace $0xD0000000  }
0x3: {  	_ = 	snop  }
0x4: {  	_ = 	snop  }
0x5: {  	_ = 	snop  }
0x6: {  	_ = 	snop  }
0x7: {  	_ = 	snop  }
__scs_overlays_trampoline_lowered:
0x8: {  	[smem:$0x3FA4] =	sst s0  }
0x9: {  	[smem:$0x3FA5] =	sst s1  }
0xa: {  	[smem:$0x3FA6] =	sst s2  }
0xb: {  	[smem:$0x3FA7] =	sst s3  }
0xc: {  	[smem:$0x3FA8] =	sst s4  }
0xd: {  	[smem:$0x3FA9] =	sst s5  }
0xe: {  	[smem:$0x3FAA] =	sst s6  }
0xf: {  	[smem:$0x3FAB] =	sst s7  }
0x10: {  	[smem:$0x3FAC] =	sst s8  }
0x11: {  	[smem:$0x3FAD] =	sst s9;
	s0 =	simm.s32 @!p0 $0x0  }
0x12: {  	s1 =	sld [smem:$0x3F93];
	s0 =	simm.s32 @p0 $0x1  }
0x13: {  	[smem:$0x3FAE] =	sst s0;
	s0 =	simm.s32 @!p1 $0x0  }
0x14: {  	s2 =	sld [smem:$0x3F92];
	s0 =	simm.s32 @p1 $0x1  }
0x15: {  	[smem:$0x3FAF] =	sst s0;
	s0 =	simm.s32 @!p2 $0x0  }
0x16: {  	s3 =	sld [smem:$0x3FDB];
	s0 =	simm.s32 @p2 $0x1  }
0x17: {  	s4 =	simm.s32 $0x1BF5;
	[smem:$0x3FB1] =	sst s0  }
0x18: {  	s0 =	sld [smem:$0x3F94];
	_ =	swait.ge [sflag:s4], $0x0  }
0x19: {  	s7 =	sld [smem:$0x3F95]  }
0x1a: {  	s8 =	sadd.s32 $0xFFFFE003, lr  }
0x1b: {  	s9 =	sadd.s32 $0xFFFFFEF7, lr;
	s5 =	simm.s32 $0xFFFFFFFF;
	p2 =	slt.u32 s8, $0xFFFFF086  }
0x1c: {  	p1 =	slt.u32 s9, $0xF7A;
	s5 =	simm.s32 @!p2 $0x0  }
0x1d: {  	s5 =	simm.s32 @p1 $0x1;
	p0 =	seq.s32 s7, s2  }
0x1e: {  	s7 =	smul.u32 @!p0 $0xF7A, s2;
	p2 =	seq.s32 @!p0 s5, $0x0  }
0x1f: {  	s9 =	smul.u32 $0xF7A, s1;
	s8 =	simm.s32 @!p0 $0x1BF5;
	p2 =	por !p2, p0  }
0x20: {  	[sflag:s8] =	ssyncset.s32 @!p0 $0xFFFFF086;
	s6 =	sadd.s32 @!p0 s3, s7;
	s7 =	simm.s32 @!p0 $0x108  }
0x21: {  	s3 =	sadd.s32 s3, s9;
	s6 =	sadd.s32 @!p0 $0x88, s6;
	s7 =	simm.s32 @p2 $0x1082  }
0x22: {  	[simem:s7], [sflag:s8] =	dma.local @!p0 [hbm:s6], $0xF7A  }
0x23: {  	s9 =	sor.u32 $0xD0000000, s2;
	s6 =	simm.s32 $0x108;
	_ =	swait.ge @!p0 [sflag:s8], $0x0  }
0x24: {  	s3 =	sadd.s32 $0x88, s3;
	s6 =	simm.s32 @!p1 $0x1082;
	[sflag:s4] =	ssyncset.s32 $0xFFFFF086  }
0x25: {  	[simem:s6], [sflag:s4] =	dma.local [hbm:s3], $0xF7A  }
0x26: {  	[smem:$0x3F95] =	sst s1;
	(tag) =	ssettag s2;
	_ =	strace s9  }
0x27: {  	s1 =	sld [smem:$0x3FA5]  }
0x28: {  	s2 =	sld [smem:$0x3FA6]  }
0x29: {  	s4 =	sld [smem:$0x3FA8]  }
0x2a: {  	p0 =	seq.s32 s5, $0x0;
	s5 =	sld [smem:$0x3FA9]  }
0x2b: {  	s6 =	sld [smem:$0x3FAA]  }
0x2c: {  	s7 =	sld [smem:$0x3FAB]  }
0x2d: {  	s3 =	simm.s32 $0x108;
	s8 =	sld [smem:$0x3FAC]  }
0x2e: {  	s3 =	simm.s32 @!p0 $0x1082;
	s9 =	sld [smem:$0x3FAD]  }
0x2f: {  	lr =	sadd.s32 s0, s3;
	s0 =	sld [smem:$0x3FA4]  }
0x30: {  	s3 =	sld [smem:$0x3FA7]  }
0x31: {  	[smem:$0x3FB0] =	sst s10  }
0x32: {  	s10 =	sld [smem:$0x3FAE];
	_ =	sdelay $0x3  }
0x33: {  	p0 =	seq.s32 s10, $0x1;
	s10 =	sld [smem:$0x3FB0];
	_ =	sdelay $0x3  }
0x34: {  	[smem:$0x3FB0] =	sst s10  }
0x35: {  	s10 =	sld [smem:$0x3FAF];
	_ =	sdelay $0x3  }
0x36: {  	p1 =	seq.s32 s10, $0x1;
	s10 =	sld [smem:$0x3FB0];
	_ =	sdelay $0x3  }
0x37: {  	[smem:$0x3FB0] =	sst s10  }
0x38: {  	s10 =	sld [smem:$0x3FB1]  }
0x39: {  	_ = 	snop;
	(pc) =	sbr.ind lr, $3  }
0x3a: {  	_ = 	snop  }
0x3b: {  	_ = 	snop  }
0x3c: {  	p2 =	seq.s32 s10, $0x1;
	s10 =	sld [smem:$0x3FB0]  }
0x3d: {  	_ =	shalt  }
0x3e: {  	_ =	shalt  }
0x3f: {  	_ =	shalt  }
0x40: {  	_ =	shalt  }
0x41: {  	_ =	shalt  }
0x42: {  	_ =	shalt  }
0x43: {  	_ =	shalt  }
0x44: {  	_ =	shalt  }
0x45: {  	_ =	shalt  }
0x46: {  	_ =	shalt  }
0x47: {  	_ =	shalt  }
0x48: {  	_ =	shalt  }
0x49: {  	_ =	shalt  }
0x4a: {  	_ =	shalt  }
0x4b: {  	_ =	shalt  }
0x4c: {  	_ =	shalt  }
0x4d: {  	_ =	shalt  }
0x4e: {  	_ =	shalt  }
0x4f: {  	_ =	shalt  }
0x50: {  	_ =	shalt  }
0x51: {  	_ =	shalt  }
0x52: {  	_ =	shalt  }
0x53: {  	_ =	shalt  }
0x54: {  	_ =	shalt  }
0x55: {  	_ =	shalt  }
0x56: {  	_ =	shalt  }
0x57: {  	_ =	shalt  }
0x58: {  	_ =	shalt  }
0x59: {  	_ =	shalt  }
0x5a: {  	_ =	shalt  }
0x5b: {  	_ =	shalt  }
0x5c: {  	_ =	shalt  }
0x5d: {  	_ =	shalt  }
0x5e: {  	_ =	shalt  }
0x5f: {  	_ =	shalt  }
0x60: {  	_ =	shalt  }
0x61: {  	_ =	shalt  }
0x62: {  	_ =	shalt  }
0x63: {  	_ =	shalt  }
0x64: {  	_ =	shalt  }
0x65: {  	_ =	shalt  }
0x66: {  	_ =	shalt  }
0x67: {  	_ =	shalt  }
0x68: {  	_ =	shalt  }
0x69: {  	_ =	shalt  }
0x6a: {  	_ =	shalt  }
0x6b: {  	_ =	shalt  }
0x6c: {  	_ =	shalt  }
0x6d: {  	_ =	shalt  }
0x6e: {  	_ =	shalt  }
0x6f: {  	_ =	shalt  }
0x70: {  	_ =	shalt  }
0x71: {  	_ =	shalt  }
0x72: {  	_ =	shalt  }
0x73: {  	_ =	shalt  }
0x74: {  	_ =	shalt  }
0x75: {  	_ =	shalt  }
0x76: {  	_ =	shalt  }
0x77: {  	_ =	shalt  }
0x78: {  	_ =	shalt  }
0x79: {  	_ =	shalt  }
0x7a: {  	_ =	shalt  }
0x7b: {  	_ =	shalt  }
0x7c: {  	_ =	shalt  }
0x7d: {  	_ =	shalt  }
0x7e: {  	_ =	shalt  }
0x7f: {  	_ =	shalt  }
0x80: {  	_ =	shalt  }
0x81: {  	_ =	shalt  }
0x82: {  	_ =	shalt  }
0x83: {  	_ =	shalt  }
0x84: {  	_ =	shalt  }
0x85: {  	_ =	shalt  }
0x86: {  	_ =	shalt  }
0x87: {  	_ =	shalt  }
.Lfunc_end0:
.L_simem_size_0:
called_computation.2_lowered:
.L_overlay_start_0:
0x88: {  	s2 =	sld [smem:$0x3FD9]  }
0x89: {  	s3 =	sld [smem:$0x3FFE];
	_ =	sdelay $0x1  }
0x8a: {  	s1 =	srdreg.scid  }
0x8b: {  	s0 =	sand.u32 $0x1, s1  }
0x8c: {  	s17 =	sshll.u32 s0, $0xA;
	s2 =	sadd.s32 s3, s2  }
0x8d: {  	s2 =	sadd.s32 s2, s17  }
0x8e: {  	[smem:$0x3FBC] =	sst s2  }
0x8f: {  	_ = 	snop  }
0x90: {  	s2 =	sld [smem:$0x3FD0];
	(tm) =	ssettm $0x1  }
0x91: {  	s18 =	sld [smem:$0x3FFB];
	_ =	sdelay $0x3  }
0x92: {  	_ =	strace s18  }
0x93: {  	s3 =	sld [smem:$0x3FFC];
	_ =	sdelay $0x3  }
0x94: {  	_ =	strace s3  }
0x95: {  	s3 =	sld [smem:$0x3FFD];
	_ =	sdelay $0x3  }
0x96: {  	_ =	strace s3  }
0x97: {  	_ =	strace $0x8FFFFFFF  }
0x98: {  	s19 =	sld [smem:$0x3FDB];
	_ =	sdelay $0x1  }
0x99: {  	s4 =	simm.s32 $_scs_section_size  }
0x9a: {  	s5 =	simm.s32 $_size__tile_overlayer_lowered;
	s6 =	simm.s32 $_tile_overlayer_lowered  }
0x9b: {  	s22 =	simm.s32 $0x1BFF;
	s21 =	sshll.u32 s6, $0x1;
	s3 =	sadd.s32 s4, s19  }
0x9c: {  	s7 =	simm.s32 $0x0;
	s20 =	sshll.u32 s5, $0x1;
	s5 =	sadd.s32 s21, s3  }
0x9d: {  	[timem:s7], [sflag:s22] =	dma.local [hbm:s5], s20  }
0x9e: {  	_ =	swait.ge [sflag:s22], s20  }
0x9f: {  	s4 =	ssub.s32 $0x0, s20;
	[sflag:s22] =	ssyncset.done $0x0  }
0xa0: {  	[sflag:s22] =	ssyncadd.s32 s4;
	_ =	sdelay $0x1  }
0xa1: {  	s23 =	simm.s32 $0x1B8B  }
0xa2: {  	_ =	swait.ge [sflag:s23], $0x1  }
0xa3: {  	[sflag:s23] =	ssyncset.done $0x0  }
0xa4: {  	s25 =	simm.s32 $0x1B8E;
	s24 =	sld [smem:$0x3FFE];
	[sflag:s23] =	ssyncadd.s32 $0xFFFFFFFF  }
0xa5: {  	s26 =	simm.s32 $execute0_lowered;
	[smem:$0x3FD2] =	sst s25  }
0xa6: {  	s5 =	sshll.u32 s26, $0x1;
	_ =	strace $0x8000004C;
	[dreg:$0x1] =	wrdreg $0xFFFFFFFF  }
0xa7: {  	s28 =	simm.s32 $_size_execute0_lowered;
	s3 =	sadd.s32 s3, s5;
	[dreg:$0x0] =	wrdreg $0x0  }
0xa8: {  	s5 =	sshll.u32 s28, $0x1;
	[dreg:$0x2] =	wrdreg s3  }
0xa9: {  	[dreg:$0x3] =	wrdreg s5  }
0xaa: {  	[dreg:$0x4] =	wrdreg $0xC0  }
0xab: {  	_ =	task [dreg:s7], $0x5FFFF  }
0xac: {  	[dreg:$0x1] =	wrdreg $0xFFFFFFFF  }
0xad: {  	[dreg:$0x0] =	wrdreg $0x60  }
0xae: {  	[dreg:$0x2] =	wrdreg s2  }
0xaf: {  	[dreg:$0x3] =	wrdreg s24  }
0xb0: {  	[dreg:$0x4] =	wrdreg $0xA8000  }
0xb1: {  	[dreg:$0x5] =	wrdreg $0x9  }
0xb2: {  	_ =	task.clear_ibuf [dreg:s7], $0x6FFFF;
	_ =	strace $0x9000004C  }
0xb3: {  	s29 =	simm.s32 $0x9;
	_ =	strace $0x8000004E  }
0xb4: {  	_ =	swait.ge [sflag:s29], $0x1  }
0xb5: {  	[sflag:s29] =	ssyncadd.s32 $0xFFFFFFFF  }
0xb6: {  	_ =	strace $0x9000004E  }
0xb7: {  	_ =	sfence  }
0xb8: {  	s30 =	sld [smem:$0x0];
	_ =	sdelay $0x2  }
0xb9: {  	s31 =	sshll.u32 s1, $0xD;
	s1 =	sshrl.u32 s1, $0x2  }
0xba: {  	s3 =	sand.u32 $0x4000, s31;
	s1 =	sadd.s32 s1, s30  }
0xbb: {  	s0 =	sor.u32 s3, s0;
	s1 =	sshll.u32 s1, $0x11  }
0xbc: {  	s0 =	sor.u32 s1, s0  }
0xbd: {  	s0 =	sadd.s32 $0x8F2B, s0  }
0xbe: {  	[sflag:s0] =	ssyncadd.remote.s32 $0x1  }
0xbf: {  	_ =	sfence.sel $0xFFFF  }
0xc0: {  	[dreg:$0x0] =	wrdreg $0xFFFFFFFF;
	(pc) =	sbr.abs _section_cstart, $3  }
0xc1: {  	[dreg:$0x1] =	wrdreg $0xFFFFFFFF  }
0xc2: {  	_ =	task.clear_ibuf [dreg:s7], $0x2FFFF;
	_ =	strace $0x9FFFFFFF  }
0xc3: {  	(tm) =	ssettm $0x7FFFFFFF  }
tec
execute0_lowered:
.L_overlay_start_1:
0x0: {  	(tag) =	ssettag $0x1  }
0x1: {  	s1 =	rddreg [dreg:$0x0]  }
0x2: {  	s5 =	rddreg [dreg:$0x1]  }
0x3: {  	s3 =	rddreg [dreg:$0x2]  }
0x4: {  	s0 =	rddreg [dreg:$0x3];
	s4 =	simm.s32 $0x0;
	s2 =	stileid.u32  }
0x5: {  	s7 =	srdreg.scid;
	s15 =	simm.s32 $0x2800;
	s16 =	simm.s32 $0x6800  }
0x6: {  	s19 =	simm.s32 $0x1;
	s20 =	simm.s32 $0x2;
	s21 =	simm.s32 $0x2600  }
0x7: {  	s22 =	simm.s32 $0x1300;
	s23 =	simm.s32 $0x2680;
	s24 =	simm.s32 $0x1380  }
0x8: {  	s25 =	simm.s32 $0x2700;
	s28 =	simm.s32 $0x0;
	[smem:$0x7FF] =	sst s4  }
0x9: {  	s6 =	smul.u32 $0x13C00, s2;
	s8 =	sadd.s32 $0xD400, s5;
	s7 =	sand.u32 $0x1, s7  }
0xa: {  	s12 =	sadd.s32 $0x3400, s5;
	s13 =	smul.u32 $0x4F000, s2;
	s17 =	sshll.u32 s2, $0x6  }
0xb: {  	_ =	strace $0x8000004D;
	s10 =	smul.u32 $0x13C000, s7;
	s11 =	sshll.u32 s7, $0x4  }
0xc: {  	s7 =	ssub.s32 $0x2, s7;
	s17 =	sor.u32 $0x1C03, s17;
	s9 =	sshrl.u32 s6, $0x3  }
0xd: {  	s11 =	sor.u32 s2, s11;
	s29 =	sshrl.u32 s7, $0x1;
	s30 =	sshrl.u32 s13, $0x2  }
0xe: {  	s13 =	simm.s32 $0x1400;
	s9 =	sadd.s32 s9, s5;
	s6 =	sadd.s32 s6, s10  }
0xf: {  	s26 =	smul.u32 $0x2800, s11;
	s11 =	ssub.s32 s7, s29;
	s18 =	sadd.s32 s30, s3  }
0x10: {  	s6 =	sshrl.u32 s6, $0x3;
	s7 =	sadd.s32 $0x17400, s9;
	s11 =	smax.u32 s11, $0x1  }
0x11: {  	s18 =	sshrl.u32 s18, $0x3;
	s14 =	sadd.s32 s6, s5;
	s10 =	sshrl.u32 s26, $0x3  }
0x12: {  	s26 =	simm.s32 $0x2780;
	s5 =	sadd.s32 s8, s10;
	s6 =	sadd.s32 s12, s10  }
0x13: {  	s31 =	sadd.s32 $0x280, s10;
	s10 =	sadd.s32 $0x3EC00, s14;
	s14 =	simm.s32 $0x80  }
0x14: {  	s8 =	sadd.s32 s8, s31;
	s9 =	sadd.s32 s12, s31;
	s12 =	simm.s32 $0x3  }
.LBB2_1:
0x15: {  	[tilespmem:s4], [sflag:$0x3] =	stream.linear.gather [hbm4b:s5+s4], $0x1400, $0x38;
	[tilespmem:$0x1E400] =	vst v63  }
0x16: {  	_ =	swait.ge [sflag:s12], $0x1400  }
0x17: {  	[sflag:s12] =	ssyncset.done $0x0  }
0x18: {  	[sflag:s12] =	ssyncadd.s32 $0xFFFFEC00  }
0x19: {  	[tilespmem:s13], [sflag:$0x3] =	stream.linear.gather [hbm4b:s6+s4], $0x1400, $0x38;
	[tilespmem:$0x1E400] =	vst v63  }
0x1a: {  	_ =	swait.ge [sflag:s12], $0x1400  }
0x1b: {  	[sflag:s12] =	ssyncset.done $0x0  }
0x1c: {  	[sflag:s12] =	ssyncadd.s32 $0xFFFFEC00  }
0x1d: {  	[tilespmem:s15], [sflag:$0x1] =	stream.indirect.gather [hbm4b:s1+s14], $0x80, s4, s14, $0xb8;
	[tilespmem:$0x1E400] =	vst v63  }
0x1e: {  	_ = 	snop  }
0x1f: {  	[tilespmem:s16], [sflag:$0x2] =	stream.indirect.gather [hbm4b:s1+s14], $0x80, s14, s14, $0xb8;
	[tilespmem:$0x1E400] =	vst v63  }
0x20: {  	[spmem:s18], [sflag:s17] =	dma.local [hbm:s7], $0x2780  }
0x21: {  	_ =	swait.ge [sflag:s12], $0x2780  }
0x22: {  	[sflag:s12] =	ssyncset.done $0x0  }
0x23: {  	[sflag:s12] =	ssyncadd.s32 $0xFFFFD880  }
0x24: {  	[bflag:$0x0] =	sbarrier.arrive $0xFFFF  }
0x25: {  	_ =	swait.ge [sflag:s19], $0x4000  }
0x26: {  	[sflag:s19] =	ssyncset.done $0x0  }
0x27: {  	s29 =	simm.s32 $0x1400;
	[sflag:s19] =	ssyncadd.s32 $0xFFFFC000  }
0x28: {  	[spmem:s3] =	stream.indirect.scatter.add.f32 [tilespmem:s15], [sflag:$0x3], $0x80, s29, s14, $0xb8;
	[tilespmem:$0x1E400] =	vst v63  }
0x29: {  	_ =	swait.ge [sflag:s12], $0x4000  }
0x2a: {  	[sflag:s12] =	ssyncset.done $0x0  }
0x2b: {  	s29 =	simm.s32 $0x100;
	[sflag:s12] =	ssyncadd.s32 $0xFFFFC000  }
0x2c: {  	[tilespmem:s15], [sflag:$0x1] =	stream.indirect.gather [hbm4b:s1+s14], $0x80, s29, s14, $0xb8;
	[tilespmem:$0x1E400] =	vst v63  }
0x2d: {  	_ =	swait.ge [sflag:s20], $0x4000  }
0x2e: {  	[sflag:s20] =	ssyncset.done $0x0  }
0x2f: {  	s29 =	simm.s32 $0x1480;
	[sflag:s20] =	ssyncadd.s32 $0xFFFFC000  }
0x30: {  	[spmem:s3] =	stream.indirect.scatter.add.f32 [tilespmem:s16], [sflag:$0x3], $0x80, s29, s14, $0xb8;
	[tilespmem:$0x1E400] =	vst v63  }
0x31: {  	_ =	swait.ge [sflag:s12], $0x4000  }
0x32: {  	[sflag:s12] =	ssyncset.done $0x0  }
0x33: {  	s30 =	simm.s32 $0x180;
	s29 =	simm.s32 $0x400;
	[sflag:s12] =	ssyncadd.s32 $0xFFFFC000  }
.LBB2_2:
0x34: {  	[tilespmem:s16], [sflag:$0x2] =	stream.indirect.gather [hbm4b:s1+s14], $0x80, s30, s14, $0xb8;
	[tilespmem:$0x1E400] =	vst v63  }
0x35: {  	s30 =	smov.u32 s29  }
0x36: {  	p0 =	sne.s32 s29, $0x4400;
	s29 =	sadd.s32 $0x400, s29;
	_ =	swait.ge [sflag:s19], $0x4000  }
0x37: {  	s30 =	sshra.s32 s30, $0x2;
	[sflag:s19] =	ssyncset.done $0x0  }
0x38: {  	s31 =	sadd.s32 $0x1400, s30;
	[sflag:s19] =	ssyncadd.s32 $0xFFFFC000  }
0x39: {  	[spmem:s3] =	stream.indirect.scatter.add.f32 [tilespmem:s15], [sflag:$0x3], $0x80, s31, s14, $0xb8;
	[tilespmem:$0x1E400] =	vst v63  }
0x3a: {  	_ =	swait.ge [sflag:s12], $0x4000  }
0x3b: {  	[sflag:s12] =	ssyncset.done $0x0  }
0x3c: {  	s31 =	sadd.s32 $0x100, s30;
	[sflag:s12] =	ssyncadd.s32 $0xFFFFC000  }
0x3d: {  	[tilespmem:s15], [sflag:$0x1] =	stream.indirect.gather [hbm4b:s1+s14], $0x80, s31, s14, $0xb8;
	[tilespmem:$0x1E400] =	vst v63  }
0x3e: {  	_ =	swait.ge [sflag:s20], $0x4000  }
0x3f: {  	[sflag:s20] =	ssyncset.done $0x0  }
.Ltmp0:
0x40: {  	s31 =	sadd.s32 $0x1480, s30;
	[sflag:s20] =	ssyncadd.s32 $0xFFFFC000;
	(pc) =	sbr.rel @p0 .LBB2_2-.Ltmp0, $4  }
0x41: {  	[spmem:s3] =	stream.indirect.scatter.add.f32 [tilespmem:s16], [sflag:$0x3], $0x80, s31, s14, $0xb8;
	[tilespmem:$0x1E400] =	vst v63  }
0x42: {  	_ =	swait.ge [sflag:s12], $0x4000  }
0x43: {  	[sflag:s12] =	ssyncset.done $0x0  }
0x44: {  	s30 =	sadd.s32 $0x180, s30;
	[sflag:s12] =	ssyncadd.s32 $0xFFFFC000  }
0x45: {  	[tilespmem:s16], [sflag:$0x2] =	stream.indirect.gather [hbm4b:s1+s14], $0x80, s30, s14, $0xb8;
	[tilespmem:$0x1E400] =	vst v63  }
0x46: {  	_ =	swait.ge [sflag:s19], $0x4000  }
0x47: {  	[sflag:s19] =	ssyncset.done $0x0  }
0x48: {  	[sflag:s19] =	ssyncadd.s32 $0xFFFFC000  }
0x49: {  	[spmem:s3] =	stream.indirect.scatter.add.f32 [tilespmem:s15], [sflag:$0x3], $0x80, s21, s14, $0xb8;
	[tilespmem:$0x1E400] =	vst v63  }
0x4a: {  	_ =	swait.ge [sflag:s12], $0x4000  }
0x4b: {  	[sflag:s12] =	ssyncset.done $0x0  }
0x4c: {  	[sflag:s12] =	ssyncadd.s32 $0xFFFFC000  }
0x4d: {  	[tilespmem:s15], [sflag:$0x1] =	stream.indirect.gather [hbm4b:s1+s14], $0x80, s22, s14, $0xb8;
	[tilespmem:$0x1E400] =	vst v63  }
0x4e: {  	_ =	swait.ge [sflag:s20], $0x4000  }
0x4f: {  	[sflag:s20] =	ssyncset.done $0x0  }
0x50: {  	[sflag:s20] =	ssyncadd.s32 $0xFFFFC000  }
0x51: {  	[spmem:s3] =	stream.indirect.scatter.add.f32 [tilespmem:s16], [sflag:$0x3], $0x80, s23, s14, $0xb8;
	[tilespmem:$0x1E400] =	vst v63  }
0x52: {  	_ =	swait.ge [sflag:s12], $0x4000  }
0x53: {  	[sflag:s12] =	ssyncset.done $0x0  }
0x54: {  	[sflag:s12] =	ssyncadd.s32 $0xFFFFC000  }
0x55: {  	[tilespmem:s16], [sflag:$0x2] =	stream.indirect.gather [hbm4b:s1+s14], $0x80, s24, s14, $0xb8;
	[tilespmem:$0x1E400] =	vst v63  }
0x56: {  	_ =	swait.ge [sflag:s19], $0x4000  }
0x57: {  	[sflag:s19] =	ssyncset.done $0x0  }
0x58: {  	[sflag:s19] =	ssyncadd.s32 $0xFFFFC000  }
0x59: {  	[spmem:s3] =	stream.indirect.scatter.add.f32 [tilespmem:s15], [sflag:$0x3], $0x80, s25, s14, $0xb8;
	[tilespmem:$0x1E400] =	vst v63  }
0x5a: {  	_ =	swait.ge [sflag:s12], $0x4000  }
0x5b: {  	[sflag:s12] =	ssyncset.done $0x0  }
0x5c: {  	[sflag:s12] =	ssyncadd.s32 $0xFFFFC000  }
0x5d: {  	[tilespmem:s15], [sflag:$0x1] =	stream.indirect.gather [hbm4b:s1+s14], $0x80, s24, s14, $0xb8;
	[tilespmem:$0x1E400] =	vst v63  }
0x5e: {  	_ =	swait.ge [sflag:s20], $0x4000  }
0x5f: {  	[sflag:s20] =	ssyncset.done $0x0  }
0x60: {  	[sflag:s20] =	ssyncadd.s32 $0xFFFFC000  }
0x61: {  	[spmem:s3] =	stream.indirect.scatter.add.f32 [tilespmem:s16], [sflag:$0x3], $0x80, s26, s14, $0xb8;
	[tilespmem:$0x1E400] =	vst v63  }
0x62: {  	_ =	swait.ge [sflag:s12], $0x4000  }
0x63: {  	[sflag:s12] =	ssyncset.done $0x0  }
0x64: {  	[sflag:s12] =	ssyncadd.s32 $0xFFFFC000  }
0x65: {  	[tilespmem:s16], [sflag:$0x2] =	stream.indirect.gather [hbm4b:s1+s14], $0x80, s24, s14, $0xb8;
	[tilespmem:$0x1E400] =	vst v63  }
0x66: {  	_ =	swait.ge [sflag:s19], $0x4000  }
0x67: {  	[sflag:s19] =	ssyncset.done $0x0  }
0x68: {  	[sflag:s19] =	ssyncadd.s32 $0xFFFFC000  }
0x69: {  	_ =	swait.ge [sflag:s20], $0x4000  }
0x6a: {  	[sflag:s20] =	ssyncset.done $0x0  }
0x6b: {  	s29 =	simm.s32 $0x0;
	[sflag:s20] =	ssyncadd.s32 $0xFFFFC000  }
0x6c: {  	[tilespmem:s29], [sflag:$0x3] =	stream.linear.gather [hbm4b:s8+s29], $0x1400, $0x38;
	[tilespmem:$0x1E400] =	vst v63  }
0x6d: {  	_ =	swait.ge [sflag:s12], $0x1400  }
0x6e: {  	[sflag:s12] =	ssyncset.done $0x0  }
0x6f: {  	[sflag:s12] =	ssyncadd.s32 $0xFFFFEC00  }
0x70: {  	[tilespmem:s13], [sflag:$0x3] =	stream.linear.gather [hbm4b:s9+s29], $0x1400, $0x38;
	[tilespmem:$0x1E400] =	vst v63  }
0x71: {  	_ =	swait.ge [sflag:s12], $0x1400  }
0x72: {  	[sflag:s12] =	ssyncset.done $0x0  }
0x73: {  	[sflag:s12] =	ssyncadd.s32 $0xFFFFEC00  }
0x74: {  	[tilespmem:s15], [sflag:$0x1] =	stream.indirect.gather [hbm4b:s1+s14], $0x80, s29, s14, $0xb8;
	[tilespmem:$0x1E400] =	vst v63  }
0x75: {  	_ = 	snop  }
0x76: {  	[tilespmem:s16], [sflag:$0x2] =	stream.indirect.gather [hbm4b:s1+s14], $0x80, s14, s14, $0xb8;
	[tilespmem:$0x1E400] =	vst v63  }
0x77: {  	_ =	swait.ge [sflag:s19], $0x4000  }
0x78: {  	[sflag:s19] =	ssyncset.done $0x0  }
0x79: {  	s29 =	simm.s32 $0x1400;
	[sflag:s19] =	ssyncadd.s32 $0xFFFFC000  }
0x7a: {  	[spmem:s3] =	stream.indirect.scatter.add.f32 [tilespmem:s15], [sflag:$0x3], $0x80, s29, s14, $0xb8;
	[tilespmem:$0x1E400] =	vst v63  }
0x7b: {  	_ =	swait.ge [sflag:s12], $0x4000  }
0x7c: {  	[sflag:s12] =	ssyncset.done $0x0  }
0x7d: {  	s29 =	simm.s32 $0x100;
	[sflag:s12] =	ssyncadd.s32 $0xFFFFC000  }
0x7e: {  	[tilespmem:s15], [sflag:$0x1] =	stream.indirect.gather [hbm4b:s1+s14], $0x80, s29, s14, $0xb8;
	[tilespmem:$0x1E400] =	vst v63  }
0x7f: {  	_ =	swait.ge [sflag:s20], $0x4000  }
0x80: {  	[sflag:s20] =	ssyncset.done $0x0  }
0x81: {  	s29 =	simm.s32 $0x1480;
	[sflag:s20] =	ssyncadd.s32 $0xFFFFC000  }
0x82: {  	[spmem:s3] =	stream.indirect.scatter.add.f32 [tilespmem:s16], [sflag:$0x3], $0x80, s29, s14, $0xb8;
	[tilespmem:$0x1E400] =	vst v63  }
0x83: {  	_ =	swait.ge [sflag:s12], $0x4000  }
0x84: {  	[sflag:s12] =	ssyncset.done $0x0  }
0x85: {  	s30 =	simm.s32 $0x180;
	s29 =	simm.s32 $0x400;
	[sflag:s12] =	ssyncadd.s32 $0xFFFFC000  }
.LBB2_4:
0x86: {  	[tilespmem:s16], [sflag:$0x2] =	stream.indirect.gather [hbm4b:s1+s14], $0x80, s30, s14, $0xb8;
	[tilespmem:$0x1E400] =	vst v63  }
0x87: {  	s30 =	smov.u32 s29  }
0x88: {  	p0 =	sne.s32 s29, $0x4400;
	s29 =	sadd.s32 $0x400, s29;
	_ =	swait.ge [sflag:s19], $0x4000  }
0x89: {  	s30 =	sshra.s32 s30, $0x2;
	[sflag:s19] =	ssyncset.done $0x0  }
0x8a: {  	s31 =	sadd.s32 $0x1400, s30;
	[sflag:s19] =	ssyncadd.s32 $0xFFFFC000  }
0x8b: {  	[spmem:s3] =	stream.indirect.scatter.add.f32 [tilespmem:s15], [sflag:$0x3], $0x80, s31, s14, $0xb8;
	[tilespmem:$0x1E400] =	vst v63  }
0x8c: {  	_ =	swait.ge [sflag:s12], $0x4000  }
0x8d: {  	[sflag:s12] =	ssyncset.done $0x0  }
0x8e: {  	s31 =	sadd.s32 $0x100, s30;
	[sflag:s12] =	ssyncadd.s32 $0xFFFFC000  }
0x8f: {  	[tilespmem:s15], [sflag:$0x1] =	stream.indirect.gather [hbm4b:s1+s14], $0x80, s31, s14, $0xb8;
	[tilespmem:$0x1E400] =	vst v63  }
0x90: {  	_ =	swait.ge [sflag:s20], $0x4000  }
0x91: {  	[sflag:s20] =	ssyncset.done $0x0  }
.Ltmp1:
0x92: {  	s31 =	sadd.s32 $0x1480, s30;
	[sflag:s20] =	ssyncadd.s32 $0xFFFFC000;
	(pc) =	sbr.rel @p0 .LBB2_4-.Ltmp1, $4  }
0x93: {  	[spmem:s3] =	stream.indirect.scatter.add.f32 [tilespmem:s16], [sflag:$0x3], $0x80, s31, s14, $0xb8;
	[tilespmem:$0x1E400] =	vst v63  }
0x94: {  	_ =	swait.ge [sflag:s12], $0x4000  }
0x95: {  	[sflag:s12] =	ssyncset.done $0x0  }
0x96: {  	s30 =	sadd.s32 $0x180, s30;
	[sflag:s12] =	ssyncadd.s32 $0xFFFFC000  }
0x97: {  	[tilespmem:s16], [sflag:$0x2] =	stream.indirect.gather [hbm4b:s1+s14], $0x80, s30, s14, $0xb8;
	[tilespmem:$0x1E400] =	vst v63  }
0x98: {  	_ =	swait.ge [sflag:s19], $0x4000  }
0x99: {  	[sflag:s19] =	ssyncset.done $0x0  }
0x9a: {  	[sflag:s19] =	ssyncadd.s32 $0xFFFFC000  }
0x9b: {  	[spmem:s3] =	stream.indirect.scatter.add.f32 [tilespmem:s15], [sflag:$0x3], $0x80, s21, s14, $0xb8;
	[tilespmem:$0x1E400] =	vst v63  }
0x9c: {  	_ =	swait.ge [sflag:s12], $0x4000  }
0x9d: {  	[sflag:s12] =	ssyncset.done $0x0  }
0x9e: {  	[sflag:s12] =	ssyncadd.s32 $0xFFFFC000  }
0x9f: {  	[tilespmem:s15], [sflag:$0x1] =	stream.indirect.gather [hbm4b:s1+s14], $0x80, s22, s14, $0xb8;
	[tilespmem:$0x1E400] =	vst v63  }
0xa0: {  	_ =	swait.ge [sflag:s20], $0x4000  }
0xa1: {  	[sflag:s20] =	ssyncset.done $0x0  }
0xa2: {  	[sflag:s20] =	ssyncadd.s32 $0xFFFFC000  }
0xa3: {  	[spmem:s3] =	stream.indirect.scatter.add.f32 [tilespmem:s16], [sflag:$0x3], $0x80, s23, s14, $0xb8;
	[tilespmem:$0x1E400] =	vst v63  }
0xa4: {  	_ =	swait.ge [sflag:s12], $0x4000  }
0xa5: {  	[sflag:s12] =	ssyncset.done $0x0  }
0xa6: {  	[sflag:s12] =	ssyncadd.s32 $0xFFFFC000  }
0xa7: {  	[tilespmem:s16], [sflag:$0x2] =	stream.indirect.gather [hbm4b:s1+s14], $0x80, s24, s14, $0xb8;
	[tilespmem:$0x1E400] =	vst v63  }
0xa8: {  	_ =	swait.ge [sflag:s19], $0x4000  }
0xa9: {  	[sflag:s19] =	ssyncset.done $0x0  }
0xaa: {  	[sflag:s19] =	ssyncadd.s32 $0xFFFFC000  }
0xab: {  	[spmem:s3] =	stream.indirect.scatter.add.f32 [tilespmem:s15], [sflag:$0x3], $0x80, s25, s14, $0xb8;
	[tilespmem:$0x1E400] =	vst v63  }
0xac: {  	_ =	swait.ge [sflag:s12], $0x4000  }
0xad: {  	[sflag:s12] =	ssyncset.done $0x0  }
0xae: {  	[sflag:s12] =	ssyncadd.s32 $0xFFFFC000  }
0xaf: {  	[tilespmem:s15], [sflag:$0x1] =	stream.indirect.gather [hbm4b:s1+s14], $0x80, s24, s14, $0xb8;
	[tilespmem:$0x1E400] =	vst v63  }
0xb0: {  	_ =	swait.ge [sflag:s20], $0x4000  }
0xb1: {  	[sflag:s20] =	ssyncset.done $0x0  }
0xb2: {  	[sflag:s20] =	ssyncadd.s32 $0xFFFFC000  }
0xb3: {  	[spmem:s3] =	stream.indirect.scatter.add.f32 [tilespmem:s16], [sflag:$0x3], $0x80, s26, s14, $0xb8;
	[tilespmem:$0x1E400] =	vst v63  }
0xb4: {  	_ =	swait.ge [sflag:s12], $0x4000  }
0xb5: {  	[sflag:s12] =	ssyncset.done $0x0  }
0xb6: {  	[sflag:s12] =	ssyncadd.s32 $0xFFFFC000  }
0xb7: {  	[tilespmem:s16], [sflag:$0x2] =	stream.indirect.gather [hbm4b:s1+s14], $0x80, s24, s14, $0xb8;
	[tilespmem:$0x1E400] =	vst v63  }
0xb8: {  	_ =	swait.ge [sflag:s19], $0x4000  }
0xb9: {  	[sflag:s19] =	ssyncset.done $0x0  }
0xba: {  	[sflag:s19] =	ssyncadd.s32 $0xFFFFC000  }
0xbb: {  	_ =	swait.ge [sflag:s20], $0x4000  }
0xbc: {  	s28 =	sadd.s32 $0x1, s28;
	[sflag:s20] =	ssyncset.done $0x0  }
0xbd: {  	p0 =	sne.s32 s28, s11;
	[sflag:s20] =	ssyncadd.s32 $0xFFFFC000  }
.Ltmp2:
0xbe: {  	[bflag:$0x0] =	sbarrier.arrive $0xFFFF;
	(pc) =	sbr.rel @p0 .LBB2_1-.Ltmp2, $4  }
0xbf: {  	[hbm:s10], [sflag:s17] =	dma.local [spmem:s18], $0x2780  }
0xc0: {  	_ =	swait.ge [sflag:s12], $0x2780  }
0xc1: {  	[sflag:s12] =	ssyncset.done $0x0  }
0xc2: {  	[sflag:s12] =	ssyncadd.s32 $0xFFFFD880  }
0xc3: {  	_ =	sfence.sel $0x180000  }
0xc4: {  	[bflag:$0x0] =	sbarrier.arrive $0xFFFF  }
0xc5: {  	p0 =	sne.s32 s2, $0x0;
	_ =	strace $0x9000004D  }
0xc6: {  	s0 =	sadd.s32 @!p0 $0x100000, s0;
	[bflag:$0x2] =	sbarrier.arrive $0xFFFF  }
0xc7: {  	[sflag:s0] =	ssyncadd.tile.s32 @!p0 $0x1;
	_ =	shalt  }
.Lfunc_end2:
_tile_overlayer_lowered:
.L_overlay_start_2:
0xc8: {  	(tag) =	ssettag $0x2  }
0xc9: {  	s0 =	rddreg [dreg:$0x0];
	s2 =	stileid.u32  }
0xca: {  	s1 =	rddreg [dreg:$0x1];
	p0 =	sne.s32 s2, $0x0  }
0xcb: {  	s3 =	rddreg [dreg:$0x2];
	[bflag:$0x3] =	sbarrier.arrive $0xFFFF;
	s2 =	simm.s32 @!p0 $0x1C03  }
0xcc: {  	[timem:s3], [sflag:s2] =	dma.local @!p0 [hbm:s0], s1  }
0xcd: {  	s0 =	simm.s32 @!p0 $0x3  }
0xce: {  	_ =	swait.ge @!p0 [sflag:s0], s1  }
0xcf: {  	s1 =	ssub.s32 @!p0 $0x0, s1;
	[sflag:s0] =	ssyncset.done @!p0 $0x0  }
0xd0: {  	[sflag:s0] =	ssyncadd.s32 @!p0 s1  }
0xd1: {  	[bflag:$0x3] =	sbarrier.arrive $0xFFFF  }
0xd2: {  	_ =	shalt  }

// kernel: kernel.20.cloned.1.call-start
scs
__scs_entry_jumppad:
0x0: {  	(pc) =	sbr.rel $0x88, $3  }
0x1: {  	(tag) =	ssettag $0x0;
	lr =	simm.s32 $0x1  }
0x2: {  	[smem:$0x3F95] =	sst lr;
	_ =	strace $0xD0000000  }
0x3: {  	_ = 	snop  }
0x4: {  	_ = 	snop  }
0x5: {  	_ = 	snop  }
0x6: {  	_ = 	snop  }
0x7: {  	_ = 	snop  }
__scs_overlays_trampoline_lowered:
0x8: {  	[smem:$0x3FA4] =	sst s0  }
0x9: {  	[smem:$0x3FA5] =	sst s1  }
0xa: {  	[smem:$0x3FA6] =	sst s2  }
0xb: {  	[smem:$0x3FA7] =	sst s3  }
0xc: {  	[smem:$0x3FA8] =	sst s4  }
0xd: {  	[smem:$0x3FA9] =	sst s5  }
0xe: {  	[smem:$0x3FAA] =	sst s6  }
0xf: {  	[smem:$0x3FAB] =	sst s7  }
0x10: {  	[smem:$0x3FAC] =	sst s8  }
0x11: {  	[smem:$0x3FAD] =	sst s9;
	s0 =	simm.s32 @!p0 $0x0  }
0x12: {  	s1 =	sld [smem:$0x3F93];
	s0 =	simm.s32 @p0 $0x1  }
0x13: {  	[smem:$0x3FAE] =	sst s0;
	s0 =	simm.s32 @!p1 $0x0  }
0x14: {  	s2 =	sld [smem:$0x3F92];
	s0 =	simm.s32 @p1 $0x1  }
0x15: {  	[smem:$0x3FAF] =	sst s0;
	s0 =	simm.s32 @!p2 $0x0  }
0x16: {  	s3 =	sld [smem:$0x3FDB];
	s0 =	simm.s32 @p2 $0x1  }
0x17: {  	s4 =	simm.s32 $0x1BF5;
	[smem:$0x3FB1] =	sst s0  }
0x18: {  	s0 =	sld [smem:$0x3F94];
	_ =	swait.ge [sflag:s4], $0x0  }
0x19: {  	s7 =	sld [smem:$0x3F95]  }
0x1a: {  	s8 =	sadd.s32 $0xFFFFE003, lr  }
0x1b: {  	s9 =	sadd.s32 $0xFFFFFEF7, lr;
	s5 =	simm.s32 $0xFFFFFFFF;
	p2 =	slt.u32 s8, $0xFFFFF086  }
0x1c: {  	p1 =	slt.u32 s9, $0xF7A;
	s5 =	simm.s32 @!p2 $0x0  }
0x1d: {  	s5 =	simm.s32 @p1 $0x1;
	p0 =	seq.s32 s7, s2  }
0x1e: {  	s7 =	smul.u32 @!p0 $0xF7A, s2;
	p2 =	seq.s32 @!p0 s5, $0x0  }
0x1f: {  	s9 =	smul.u32 $0xF7A, s1;
	s8 =	simm.s32 @!p0 $0x1BF5;
	p2 =	por !p2, p0  }
0x20: {  	[sflag:s8] =	ssyncset.s32 @!p0 $0xFFFFF086;
	s6 =	sadd.s32 @!p0 s3, s7;
	s7 =	simm.s32 @!p0 $0x108  }
0x21: {  	s3 =	sadd.s32 s3, s9;
	s6 =	sadd.s32 @!p0 $0x88, s6;
	s7 =	simm.s32 @p2 $0x1082  }
0x22: {  	[simem:s7], [sflag:s8] =	dma.local @!p0 [hbm:s6], $0xF7A  }
0x23: {  	s9 =	sor.u32 $0xD0000000, s2;
	s6 =	simm.s32 $0x108;
	_ =	swait.ge @!p0 [sflag:s8], $0x0  }
0x24: {  	s3 =	sadd.s32 $0x88, s3;
	s6 =	simm.s32 @!p1 $0x1082;
	[sflag:s4] =	ssyncset.s32 $0xFFFFF086  }
0x25: {  	[simem:s6], [sflag:s4] =	dma.local [hbm:s3], $0xF7A  }
0x26: {  	[smem:$0x3F95] =	sst s1;
	(tag) =	ssettag s2;
	_ =	strace s9  }
0x27: {  	s1 =	sld [smem:$0x3FA5]  }
0x28: {  	s2 =	sld [smem:$0x3FA6]  }
0x29: {  	s4 =	sld [smem:$0x3FA8]  }
0x2a: {  	p0 =	seq.s32 s5, $0x0;
	s5 =	sld [smem:$0x3FA9]  }
0x2b: {  	s6 =	sld [smem:$0x3FAA]  }
0x2c: {  	s7 =	sld [smem:$0x3FAB]  }
0x2d: {  	s3 =	simm.s32 $0x108;
	s8 =	sld [smem:$0x3FAC]  }
0x2e: {  	s3 =	simm.s32 @!p0 $0x1082;
	s9 =	sld [smem:$0x3FAD]  }
0x2f: {  	lr =	sadd.s32 s0, s3;
	s0 =	sld [smem:$0x3FA4]  }
0x30: {  	s3 =	sld [smem:$0x3FA7]  }
0x31: {  	[smem:$0x3FB0] =	sst s10  }
0x32: {  	s10 =	sld [smem:$0x3FAE];
	_ =	sdelay $0x3  }
0x33: {  	p0 =	seq.s32 s10, $0x1;
	s10 =	sld [smem:$0x3FB0];
	_ =	sdelay $0x3  }
0x34: {  	[smem:$0x3FB0] =	sst s10  }
0x35: {  	s10 =	sld [smem:$0x3FAF];
	_ =	sdelay $0x3  }
0x36: {  	p1 =	seq.s32 s10, $0x1;
	s10 =	sld [smem:$0x3FB0];
	_ =	sdelay $0x3  }
0x37: {  	[smem:$0x3FB0] =	sst s10  }
0x38: {  	s10 =	sld [smem:$0x3FB1]  }
0x39: {  	_ = 	snop;
	(pc) =	sbr.ind lr, $3  }
0x3a: {  	_ = 	snop  }
0x3b: {  	_ = 	snop  }
0x3c: {  	p2 =	seq.s32 s10, $0x1;
	s10 =	sld [smem:$0x3FB0]  }
0x3d: {  	_ =	shalt  }
0x3e: {  	_ =	shalt  }
0x3f: {  	_ =	shalt  }
0x40: {  	_ =	shalt  }
0x41: {  	_ =	shalt  }
0x42: {  	_ =	shalt  }
0x43: {  	_ =	shalt  }
0x44: {  	_ =	shalt  }
0x45: {  	_ =	shalt  }
0x46: {  	_ =	shalt  }
0x47: {  	_ =	shalt  }
0x48: {  	_ =	shalt  }
0x49: {  	_ =	shalt  }
0x4a: {  	_ =	shalt  }
0x4b: {  	_ =	shalt  }
0x4c: {  	_ =	shalt  }
0x4d: {  	_ =	shalt  }
0x4e: {  	_ =	shalt  }
0x4f: {  	_ =	shalt  }
0x50: {  	_ =	shalt  }
0x51: {  	_ =	shalt  }
0x52: {  	_ =	shalt  }
0x53: {  	_ =	shalt  }
0x54: {  	_ =	shalt  }
0x55: {  	_ =	shalt  }
0x56: {  	_ =	shalt  }
0x57: {  	_ =	shalt  }
0x58: {  	_ =	shalt  }
0x59: {  	_ =	shalt  }
0x5a: {  	_ =	shalt  }
0x5b: {  	_ =	shalt  }
0x5c: {  	_ =	shalt  }
0x5d: {  	_ =	shalt  }
0x5e: {  	_ =	shalt  }
0x5f: {  	_ =	shalt  }
0x60: {  	_ =	shalt  }
0x61: {  	_ =	shalt  }
0x62: {  	_ =	shalt  }
0x63: {  	_ =	shalt  }
0x64: {  	_ =	shalt  }
0x65: {  	_ =	shalt  }
0x66: {  	_ =	shalt  }
0x67: {  	_ =	shalt  }
0x68: {  	_ =	shalt  }
0x69: {  	_ =	shalt  }
0x6a: {  	_ =	shalt  }
0x6b: {  	_ =	shalt  }
0x6c: {  	_ =	shalt  }
0x6d: {  	_ =	shalt  }
0x6e: {  	_ =	shalt  }
0x6f: {  	_ =	shalt  }
0x70: {  	_ =	shalt  }
0x71: {  	_ =	shalt  }
0x72: {  	_ =	shalt  }
0x73: {  	_ =	shalt  }
0x74: {  	_ =	shalt  }
0x75: {  	_ =	shalt  }
0x76: {  	_ =	shalt  }
0x77: {  	_ =	shalt  }
0x78: {  	_ =	shalt  }
0x79: {  	_ =	shalt  }
0x7a: {  	_ =	shalt  }
0x7b: {  	_ =	shalt  }
0x7c: {  	_ =	shalt  }
0x7d: {  	_ =	shalt  }
0x7e: {  	_ =	shalt  }
0x7f: {  	_ =	shalt  }
0x80: {  	_ =	shalt  }
0x81: {  	_ =	shalt  }
0x82: {  	_ =	shalt  }
0x83: {  	_ =	shalt  }
0x84: {  	_ =	shalt  }
0x85: {  	_ =	shalt  }
0x86: {  	_ =	shalt  }
0x87: {  	_ =	shalt  }
.Lfunc_end0:
.L_simem_size_0:
called_computation.3_lowered:
.L_overlay_start_0:
0x88: {  	s2 =	sld [smem:$0x3FD9]  }
0x89: {  	s3 =	sld [smem:$0x3FFE];
	_ =	sdelay $0x1  }
0x8a: {  	s1 =	srdreg.scid  }
0x8b: {  	s0 =	sand.u32 $0x1, s1  }
0x8c: {  	s17 =	sshll.u32 s0, $0xA;
	s2 =	sadd.s32 s3, s2  }
0x8d: {  	s2 =	sadd.s32 s2, s17  }
0x8e: {  	[smem:$0x3FBC] =	sst s2  }
0x8f: {  	_ = 	snop  }
0x90: {  	s2 =	sld [smem:$0x3FD0];
	(tm) =	ssettm $0x1  }
0x91: {  	s18 =	sld [smem:$0x3FFB];
	_ =	sdelay $0x3  }
0x92: {  	_ =	strace s18  }
0x93: {  	s3 =	sld [smem:$0x3FFC];
	_ =	sdelay $0x3  }
0x94: {  	_ =	strace s3  }
0x95: {  	s3 =	sld [smem:$0x3FFD];
	_ =	sdelay $0x3  }
0x96: {  	_ =	strace s3  }
0x97: {  	_ =	strace $0x8FFFFFFF  }
0x98: {  	s19 =	sld [smem:$0x3FDB];
	_ =	sdelay $0x1  }
0x99: {  	s4 =	simm.s32 $_scs_section_size  }
0x9a: {  	s5 =	simm.s32 $_size__tile_overlayer_lowered;
	s6 =	simm.s32 $_tile_overlayer_lowered  }
0x9b: {  	s22 =	simm.s32 $0x1BFF;
	s21 =	sshll.u32 s6, $0x1;
	s3 =	sadd.s32 s4, s19  }
0x9c: {  	s7 =	simm.s32 $0x0;
	s20 =	sshll.u32 s5, $0x1;
	s5 =	sadd.s32 s21, s3  }
0x9d: {  	[timem:s7], [sflag:s22] =	dma.local [hbm:s5], s20  }
0x9e: {  	_ =	swait.ge [sflag:s22], s20  }
0x9f: {  	s4 =	ssub.s32 $0x0, s20;
	[sflag:s22] =	ssyncset.done $0x0  }
0xa0: {  	[sflag:s22] =	ssyncadd.s32 s4;
	_ =	sdelay $0x1  }
0xa1: {  	s23 =	simm.s32 $0x1B8B  }
0xa2: {  	_ =	swait.ge [sflag:s23], $0x1  }
0xa3: {  	[sflag:s23] =	ssyncset.done $0x0  }
0xa4: {  	s25 =	simm.s32 $0x1B8E;
	s24 =	sld [smem:$0x3FFE];
	[sflag:s23] =	ssyncadd.s32 $0xFFFFFFFF  }
0xa5: {  	s26 =	simm.s32 $execute0_lowered;
	[smem:$0x3FD2] =	sst s25  }
0xa6: {  	s5 =	sshll.u32 s26, $0x1;
	_ =	strace $0x8000004F;
	[dreg:$0x1] =	wrdreg $0xFFFFFFFF  }
0xa7: {  	s28 =	simm.s32 $_size_execute0_lowered;
	s3 =	sadd.s32 s3, s5;
	[dreg:$0x0] =	wrdreg $0x0  }
0xa8: {  	s5 =	sshll.u32 s28, $0x1;
	[dreg:$0x2] =	wrdreg s3  }
0xa9: {  	[dreg:$0x3] =	wrdreg s5  }
0xaa: {  	[dreg:$0x4] =	wrdreg $0xC0  }
0xab: {  	_ =	task [dreg:s7], $0x5FFFF  }
0xac: {  	[dreg:$0x1] =	wrdreg $0xFFFFFFFF  }
0xad: {  	[dreg:$0x0] =	wrdreg $0x60  }
0xae: {  	[dreg:$0x2] =	wrdreg s2  }
0xaf: {  	[dreg:$0x3] =	wrdreg s24  }
0xb0: {  	[dreg:$0x4] =	wrdreg $0xA8000  }
0xb1: {  	[dreg:$0x5] =	wrdreg $0x9  }
0xb2: {  	_ =	task.clear_ibuf [dreg:s7], $0x6FFFF;
	_ =	strace $0x9000004F  }
0xb3: {  	s29 =	simm.s32 $0x9;
	_ =	strace $0x80000051  }
0xb4: {  	_ =	swait.ge [sflag:s29], $0x1  }
0xb5: {  	[sflag:s29] =	ssyncadd.s32 $0xFFFFFFFF  }
0xb6: {  	_ =	strace $0x90000051  }
0xb7: {  	_ =	sfence  }
0xb8: {  	s30 =	sld [smem:$0x0];
	_ =	sdelay $0x2  }
0xb9: {  	s31 =	sshll.u32 s1, $0xD;
	s1 =	sshrl.u32 s1, $0x2  }
0xba: {  	s3 =	sand.u32 $0x4000, s31;
	s1 =	sadd.s32 s1, s30  }
0xbb: {  	s0 =	sor.u32 s3, s0;
	s1 =	sshll.u32 s1, $0x11  }
0xbc: {  	s0 =	sor.u32 s1, s0  }
0xbd: {  	s0 =	sadd.s32 $0x8F2B, s0  }
0xbe: {  	[sflag:s0] =	ssyncadd.remote.s32 $0x1  }
0xbf: {  	_ =	sfence.sel $0xFFFF  }
0xc0: {  	[dreg:$0x0] =	wrdreg $0xFFFFFFFF;
	(pc) =	sbr.abs _section_cstart, $3  }
0xc1: {  	[dreg:$0x1] =	wrdreg $0xFFFFFFFF  }
0xc2: {  	_ =	task.clear_ibuf [dreg:s7], $0x2FFFF;
	_ =	strace $0x9FFFFFFF  }
0xc3: {  	(tm) =	ssettm $0x7FFFFFFF  }
tec
execute0_lowered:
.L_overlay_start_1:
0x0: {  	(tag) =	ssettag $0x1  }
0x1: {  	s1 =	rddreg [dreg:$0x0]  }
0x2: {  	s5 =	rddreg [dreg:$0x1]  }
0x3: {  	s3 =	rddreg [dreg:$0x2]  }
0x4: {  	s0 =	rddreg [dreg:$0x3];
	s4 =	simm.s32 $0x0;
	s2 =	stileid.u32  }
0x5: {  	s7 =	srdreg.scid;
	s15 =	simm.s32 $0x2800;
	s16 =	simm.s32 $0x6800  }
0x6: {  	s19 =	simm.s32 $0x1;
	s20 =	simm.s32 $0x2;
	s21 =	simm.s32 $0x2600  }
0x7: {  	s22 =	simm.s32 $0x1300;
	s23 =	simm.s32 $0x2680;
	s24 =	simm.s32 $0x1380  }
0x8: {  	s25 =	simm.s32 $0x2700;
	s28 =	simm.s32 $0x0;
	[smem:$0x7FF] =	sst s4  }
0x9: {  	s6 =	smul.u32 $0x13C00, s2;
	s8 =	sadd.s32 $0xD400, s5;
	s7 =	sand.u32 $0x1, s7  }
0xa: {  	s12 =	sadd.s32 $0x3400, s5;
	s13 =	smul.u32 $0x4F000, s2;
	s17 =	sshll.u32 s2, $0x6  }
0xb: {  	_ =	strace $0x80000050;
	s10 =	smul.u32 $0x13C000, s7;
	s11 =	sshll.u32 s7, $0x4  }
0xc: {  	s7 =	ssub.s32 $0x2, s7;
	s17 =	sor.u32 $0x1C03, s17;
	s9 =	sshrl.u32 s6, $0x3  }
0xd: {  	s11 =	sor.u32 s2, s11;
	s29 =	sshrl.u32 s7, $0x1;
	s30 =	sshrl.u32 s13, $0x2  }
0xe: {  	s13 =	simm.s32 $0x1400;
	s9 =	sadd.s32 s9, s5;
	s6 =	sadd.s32 s6, s10  }
0xf: {  	s26 =	smul.u32 $0x2800, s11;
	s11 =	ssub.s32 s7, s29;
	s18 =	sadd.s32 s30, s3  }
0x10: {  	s6 =	sshrl.u32 s6, $0x3;
	s7 =	sadd.s32 $0x17400, s9;
	s11 =	smax.u32 s11, $0x1  }
0x11: {  	s18 =	sshrl.u32 s18, $0x3;
	s14 =	sadd.s32 s6, s5;
	s10 =	sshrl.u32 s26, $0x3  }
0x12: {  	s26 =	simm.s32 $0x2780;
	s5 =	sadd.s32 s8, s10;
	s6 =	sadd.s32 s12, s10  }
0x13: {  	s31 =	sadd.s32 $0x280, s10;
	s10 =	sadd.s32 $0x3EC00, s14;
	s14 =	simm.s32 $0x80  }
0x14: {  	s8 =	sadd.s32 s8, s31;
	s9 =	sadd.s32 s12, s31;
	s12 =	simm.s32 $0x3  }
.LBB2_1:
0x15: {  	[tilespmem:s4], [sflag:$0x3] =	stream.linear.gather [hbm4b:s5+s4], $0x1400, $0x38;
	[tilespmem:$0x1E400] =	vst v63  }
0x16: {  	_ =	swait.ge [sflag:s12], $0x1400  }
0x17: {  	[sflag:s12] =	ssyncset.done $0x0  }
0x18: {  	[sflag:s12] =	ssyncadd.s32 $0xFFFFEC00  }
0x19: {  	[tilespmem:s13], [sflag:$0x3] =	stream.linear.gather [hbm4b:s6+s4], $0x1400, $0x38;
	[tilespmem:$0x1E400] =	vst v63  }
0x1a: {  	_ =	swait.ge [sflag:s12], $0x1400  }
0x1b: {  	[sflag:s12] =	ssyncset.done $0x0  }
0x1c: {  	[sflag:s12] =	ssyncadd.s32 $0xFFFFEC00  }
0x1d: {  	[tilespmem:s15], [sflag:$0x1] =	stream.indirect.gather [hbm4b:s1+s14], $0x80, s4, s14, $0xb8;
	[tilespmem:$0x1E400] =	vst v63  }
0x1e: {  	_ = 	snop  }
0x1f: {  	[tilespmem:s16], [sflag:$0x2] =	stream.indirect.gather [hbm4b:s1+s14], $0x80, s14, s14, $0xb8;
	[tilespmem:$0x1E400] =	vst v63  }
0x20: {  	[spmem:s18], [sflag:s17] =	dma.local [hbm:s7], $0x2780  }
0x21: {  	_ =	swait.ge [sflag:s12], $0x2780  }
0x22: {  	[sflag:s12] =	ssyncset.done $0x0  }
0x23: {  	[sflag:s12] =	ssyncadd.s32 $0xFFFFD880  }
0x24: {  	[bflag:$0x0] =	sbarrier.arrive $0xFFFF  }
0x25: {  	_ =	swait.ge [sflag:s19], $0x4000  }
0x26: {  	[sflag:s19] =	ssyncset.done $0x0  }
0x27: {  	s29 =	simm.s32 $0x1400;
	[sflag:s19] =	ssyncadd.s32 $0xFFFFC000  }
0x28: {  	[spmem:s3] =	stream.indirect.scatter.add.f32 [tilespmem:s15], [sflag:$0x3], $0x80, s29, s14, $0xb8;
	[tilespmem:$0x1E400] =	vst v63  }
0x29: {  	_ =	swait.ge [sflag:s12], $0x4000  }
0x2a: {  	[sflag:s12] =	ssyncset.done $0x0  }
0x2b: {  	s29 =	simm.s32 $0x100;
	[sflag:s12] =	ssyncadd.s32 $0xFFFFC000  }
0x2c: {  	[tilespmem:s15], [sflag:$0x1] =	stream.indirect.gather [hbm4b:s1+s14], $0x80, s29, s14, $0xb8;
	[tilespmem:$0x1E400] =	vst v63  }
0x2d: {  	_ =	swait.ge [sflag:s20], $0x4000  }
0x2e: {  	[sflag:s20] =	ssyncset.done $0x0  }
0x2f: {  	s29 =	simm.s32 $0x1480;
	[sflag:s20] =	ssyncadd.s32 $0xFFFFC000  }
0x30: {  	[spmem:s3] =	stream.indirect.scatter.add.f32 [tilespmem:s16], [sflag:$0x3], $0x80, s29, s14, $0xb8;
	[tilespmem:$0x1E400] =	vst v63  }
0x31: {  	_ =	swait.ge [sflag:s12], $0x4000  }
0x32: {  	[sflag:s12] =	ssyncset.done $0x0  }
0x33: {  	s30 =	simm.s32 $0x180;
	s29 =	simm.s32 $0x400;
	[sflag:s12] =	ssyncadd.s32 $0xFFFFC000  }
.LBB2_2:
0x34: {  	[tilespmem:s16], [sflag:$0x2] =	stream.indirect.gather [hbm4b:s1+s14], $0x80, s30, s14, $0xb8;
	[tilespmem:$0x1E400] =	vst v63  }
0x35: {  	s30 =	smov.u32 s29  }
0x36: {  	p0 =	sne.s32 s29, $0x4400;
	s29 =	sadd.s32 $0x400, s29;
	_ =	swait.ge [sflag:s19], $0x4000  }
0x37: {  	s30 =	sshra.s32 s30, $0x2;
	[sflag:s19] =	ssyncset.done $0x0  }
0x38: {  	s31 =	sadd.s32 $0x1400, s30;
	[sflag:s19] =	ssyncadd.s32 $0xFFFFC000  }
0x39: {  	[spmem:s3] =	stream.indirect.scatter.add.f32 [tilespmem:s15], [sflag:$0x3], $0x80, s31, s14, $0xb8;
	[tilespmem:$0x1E400] =	vst v63  }
0x3a: {  	_ =	swait.ge [sflag:s12], $0x4000  }
0x3b: {  	[sflag:s12] =	ssyncset.done $0x0  }
0x3c: {  	s31 =	sadd.s32 $0x100, s30;
	[sflag:s12] =	ssyncadd.s32 $0xFFFFC000  }
0x3d: {  	[tilespmem:s15], [sflag:$0x1] =	stream.indirect.gather [hbm4b:s1+s14], $0x80, s31, s14, $0xb8;
	[tilespmem:$0x1E400] =	vst v63  }
0x3e: {  	_ =	swait.ge [sflag:s20], $0x4000  }
0x3f: {  	[sflag:s20] =	ssyncset.done $0x0  }
.Ltmp0:
0x40: {  	s31 =	sadd.s32 $0x1480, s30;
	[sflag:s20] =	ssyncadd.s32 $0xFFFFC000;
	(pc) =	sbr.rel @p0 .LBB2_2-.Ltmp0, $4  }
0x41: {  	[spmem:s3] =	stream.indirect.scatter.add.f32 [tilespmem:s16], [sflag:$0x3], $0x80, s31, s14, $0xb8;
	[tilespmem:$0x1E400] =	vst v63  }
0x42: {  	_ =	swait.ge [sflag:s12], $0x4000  }
0x43: {  	[sflag:s12] =	ssyncset.done $0x0  }
0x44: {  	s30 =	sadd.s32 $0x180, s30;
	[sflag:s12] =	ssyncadd.s32 $0xFFFFC000  }
0x45: {  	[tilespmem:s16], [sflag:$0x2] =	stream.indirect.gather [hbm4b:s1+s14], $0x80, s30, s14, $0xb8;
	[tilespmem:$0x1E400] =	vst v63  }
0x46: {  	_ =	swait.ge [sflag:s19], $0x4000  }
0x47: {  	[sflag:s19] =	ssyncset.done $0x0  }
0x48: {  	[sflag:s19] =	ssyncadd.s32 $0xFFFFC000  }
0x49: {  	[spmem:s3] =	stream.indirect.scatter.add.f32 [tilespmem:s15], [sflag:$0x3], $0x80, s21, s14, $0xb8;
	[tilespmem:$0x1E400] =	vst v63  }
0x4a: {  	_ =	swait.ge [sflag:s12], $0x4000  }
0x4b: {  	[sflag:s12] =	ssyncset.done $0x0  }
0x4c: {  	[sflag:s12] =	ssyncadd.s32 $0xFFFFC000  }
0x4d: {  	[tilespmem:s15], [sflag:$0x1] =	stream.indirect.gather [hbm4b:s1+s14], $0x80, s22, s14, $0xb8;
	[tilespmem:$0x1E400] =	vst v63  }
0x4e: {  	_ =	swait.ge [sflag:s20], $0x4000  }
0x4f: {  	[sflag:s20] =	ssyncset.done $0x0  }
0x50: {  	[sflag:s20] =	ssyncadd.s32 $0xFFFFC000  }
0x51: {  	[spmem:s3] =	stream.indirect.scatter.add.f32 [tilespmem:s16], [sflag:$0x3], $0x80, s23, s14, $0xb8;
	[tilespmem:$0x1E400] =	vst v63  }
0x52: {  	_ =	swait.ge [sflag:s12], $0x4000  }
0x53: {  	[sflag:s12] =	ssyncset.done $0x0  }
0x54: {  	[sflag:s12] =	ssyncadd.s32 $0xFFFFC000  }
0x55: {  	[tilespmem:s16], [sflag:$0x2] =	stream.indirect.gather [hbm4b:s1+s14], $0x80, s24, s14, $0xb8;
	[tilespmem:$0x1E400] =	vst v63  }
0x56: {  	_ =	swait.ge [sflag:s19], $0x4000  }
0x57: {  	[sflag:s19] =	ssyncset.done $0x0  }
0x58: {  	[sflag:s19] =	ssyncadd.s32 $0xFFFFC000  }
0x59: {  	[spmem:s3] =	stream.indirect.scatter.add.f32 [tilespmem:s15], [sflag:$0x3], $0x80, s25, s14, $0xb8;
	[tilespmem:$0x1E400] =	vst v63  }
0x5a: {  	_ =	swait.ge [sflag:s12], $0x4000  }
0x5b: {  	[sflag:s12] =	ssyncset.done $0x0  }
0x5c: {  	[sflag:s12] =	ssyncadd.s32 $0xFFFFC000  }
0x5d: {  	[tilespmem:s15], [sflag:$0x1] =	stream.indirect.gather [hbm4b:s1+s14], $0x80, s24, s14, $0xb8;
	[tilespmem:$0x1E400] =	vst v63  }
0x5e: {  	_ =	swait.ge [sflag:s20], $0x4000  }
0x5f: {  	[sflag:s20] =	ssyncset.done $0x0  }
0x60: {  	[sflag:s20] =	ssyncadd.s32 $0xFFFFC000  }
0x61: {  	[spmem:s3] =	stream.indirect.scatter.add.f32 [tilespmem:s16], [sflag:$0x3], $0x80, s26, s14, $0xb8;
	[tilespmem:$0x1E400] =	vst v63  }
0x62: {  	_ =	swait.ge [sflag:s12], $0x4000  }
0x63: {  	[sflag:s12] =	ssyncset.done $0x0  }
0x64: {  	[sflag:s12] =	ssyncadd.s32 $0xFFFFC000  }
0x65: {  	[tilespmem:s16], [sflag:$0x2] =	stream.indirect.gather [hbm4b:s1+s14], $0x80, s24, s14, $0xb8;
	[tilespmem:$0x1E400] =	vst v63  }
0x66: {  	_ =	swait.ge [sflag:s19], $0x4000  }
0x67: {  	[sflag:s19] =	ssyncset.done $0x0  }
0x68: {  	[sflag:s19] =	ssyncadd.s32 $0xFFFFC000  }
0x69: {  	_ =	swait.ge [sflag:s20], $0x4000  }
0x6a: {  	[sflag:s20] =	ssyncset.done $0x0  }
0x6b: {  	s29 =	simm.s32 $0x0;
	[sflag:s20] =	ssyncadd.s32 $0xFFFFC000  }
0x6c: {  	[tilespmem:s29], [sflag:$0x3] =	stream.linear.gather [hbm4b:s8+s29], $0x1400, $0x38;
	[tilespmem:$0x1E400] =	vst v63  }
0x6d: {  	_ =	swait.ge [sflag:s12], $0x1400  }
0x6e: {  	[sflag:s12] =	ssyncset.done $0x0  }
0x6f: {  	[sflag:s12] =	ssyncadd.s32 $0xFFFFEC00  }
0x70: {  	[tilespmem:s13], [sflag:$0x3] =	stream.linear.gather [hbm4b:s9+s29], $0x1400, $0x38;
	[tilespmem:$0x1E400] =	vst v63  }
0x71: {  	_ =	swait.ge [sflag:s12], $0x1400  }
0x72: {  	[sflag:s12] =	ssyncset.done $0x0  }
0x73: {  	[sflag:s12] =	ssyncadd.s32 $0xFFFFEC00  }
0x74: {  	[tilespmem:s15], [sflag:$0x1] =	stream.indirect.gather [hbm4b:s1+s14], $0x80, s29, s14, $0xb8;
	[tilespmem:$0x1E400] =	vst v63  }
0x75: {  	_ = 	snop  }
0x76: {  	[tilespmem:s16], [sflag:$0x2] =	stream.indirect.gather [hbm4b:s1+s14], $0x80, s14, s14, $0xb8;
	[tilespmem:$0x1E400] =	vst v63  }
0x77: {  	_ =	swait.ge [sflag:s19], $0x4000  }
0x78: {  	[sflag:s19] =	ssyncset.done $0x0  }
0x79: {  	s29 =	simm.s32 $0x1400;
	[sflag:s19] =	ssyncadd.s32 $0xFFFFC000  }
0x7a: {  	[spmem:s3] =	stream.indirect.scatter.add.f32 [tilespmem:s15], [sflag:$0x3], $0x80, s29, s14, $0xb8;
	[tilespmem:$0x1E400] =	vst v63  }
0x7b: {  	_ =	swait.ge [sflag:s12], $0x4000  }
0x7c: {  	[sflag:s12] =	ssyncset.done $0x0  }
0x7d: {  	s29 =	simm.s32 $0x100;
	[sflag:s12] =	ssyncadd.s32 $0xFFFFC000  }
0x7e: {  	[tilespmem:s15], [sflag:$0x1] =	stream.indirect.gather [hbm4b:s1+s14], $0x80, s29, s14, $0xb8;
	[tilespmem:$0x1E400] =	vst v63  }
0x7f: {  	_ =	swait.ge [sflag:s20], $0x4000  }
0x80: {  	[sflag:s20] =	ssyncset.done $0x0  }
0x81: {  	s29 =	simm.s32 $0x1480;
	[sflag:s20] =	ssyncadd.s32 $0xFFFFC000  }
0x82: {  	[spmem:s3] =	stream.indirect.scatter.add.f32 [tilespmem:s16], [sflag:$0x3], $0x80, s29, s14, $0xb8;
	[tilespmem:$0x1E400] =	vst v63  }
0x83: {  	_ =	swait.ge [sflag:s12], $0x4000  }
0x84: {  	[sflag:s12] =	ssyncset.done $0x0  }
0x85: {  	s30 =	simm.s32 $0x180;
	s29 =	simm.s32 $0x400;
	[sflag:s12] =	ssyncadd.s32 $0xFFFFC000  }
.LBB2_4:
0x86: {  	[tilespmem:s16], [sflag:$0x2] =	stream.indirect.gather [hbm4b:s1+s14], $0x80, s30, s14, $0xb8;
	[tilespmem:$0x1E400] =	vst v63  }
0x87: {  	s30 =	smov.u32 s29  }
0x88: {  	p0 =	sne.s32 s29, $0x4400;
	s29 =	sadd.s32 $0x400, s29;
	_ =	swait.ge [sflag:s19], $0x4000  }
0x89: {  	s30 =	sshra.s32 s30, $0x2;
	[sflag:s19] =	ssyncset.done $0x0  }
0x8a: {  	s31 =	sadd.s32 $0x1400, s30;
	[sflag:s19] =	ssyncadd.s32 $0xFFFFC000  }
0x8b: {  	[spmem:s3] =	stream.indirect.scatter.add.f32 [tilespmem:s15], [sflag:$0x3], $0x80, s31, s14, $0xb8;
	[tilespmem:$0x1E400] =	vst v63  }
0x8c: {  	_ =	swait.ge [sflag:s12], $0x4000  }
0x8d: {  	[sflag:s12] =	ssyncset.done $0x0  }
0x8e: {  	s31 =	sadd.s32 $0x100, s30;
	[sflag:s12] =	ssyncadd.s32 $0xFFFFC000  }
0x8f: {  	[tilespmem:s15], [sflag:$0x1] =	stream.indirect.gather [hbm4b:s1+s14], $0x80, s31, s14, $0xb8;
	[tilespmem:$0x1E400] =	vst v63  }
0x90: {  	_ =	swait.ge [sflag:s20], $0x4000  }
0x91: {  	[sflag:s20] =	ssyncset.done $0x0  }
.Ltmp1:
0x92: {  	s31 =	sadd.s32 $0x1480, s30;
	[sflag:s20] =	ssyncadd.s32 $0xFFFFC000;
	(pc) =	sbr.rel @p0 .LBB2_4-.Ltmp1, $4  }
0x93: {  	[spmem:s3] =	stream.indirect.scatter.add.f32 [tilespmem:s16], [sflag:$0x3], $0x80, s31, s14, $0xb8;
	[tilespmem:$0x1E400] =	vst v63  }
0x94: {  	_ =	swait.ge [sflag:s12], $0x4000  }
0x95: {  	[sflag:s12] =	ssyncset.done $0x0  }
0x96: {  	s30 =	sadd.s32 $0x180, s30;
	[sflag:s12] =	ssyncadd.s32 $0xFFFFC000  }
0x97: {  	[tilespmem:s16], [sflag:$0x2] =	stream.indirect.gather [hbm4b:s1+s14], $0x80, s30, s14, $0xb8;
	[tilespmem:$0x1E400] =	vst v63  }
0x98: {  	_ =	swait.ge [sflag:s19], $0x4000  }
0x99: {  	[sflag:s19] =	ssyncset.done $0x0  }
0x9a: {  	[sflag:s19] =	ssyncadd.s32 $0xFFFFC000  }
0x9b: {  	[spmem:s3] =	stream.indirect.scatter.add.f32 [tilespmem:s15], [sflag:$0x3], $0x80, s21, s14, $0xb8;
	[tilespmem:$0x1E400] =	vst v63  }
0x9c: {  	_ =	swait.ge [sflag:s12], $0x4000  }
0x9d: {  	[sflag:s12] =	ssyncset.done $0x0  }
0x9e: {  	[sflag:s12] =	ssyncadd.s32 $0xFFFFC000  }
0x9f: {  	[tilespmem:s15], [sflag:$0x1] =	stream.indirect.gather [hbm4b:s1+s14], $0x80, s22, s14, $0xb8;
	[tilespmem:$0x1E400] =	vst v63  }
0xa0: {  	_ =	swait.ge [sflag:s20], $0x4000  }
0xa1: {  	[sflag:s20] =	ssyncset.done $0x0  }
0xa2: {  	[sflag:s20] =	ssyncadd.s32 $0xFFFFC000  }
0xa3: {  	[spmem:s3] =	stream.indirect.scatter.add.f32 [tilespmem:s16], [sflag:$0x3], $0x80, s23, s14, $0xb8;
	[tilespmem:$0x1E400] =	vst v63  }
0xa4: {  	_ =	swait.ge [sflag:s12], $0x4000  }
0xa5: {  	[sflag:s12] =	ssyncset.done $0x0  }
0xa6: {  	[sflag:s12] =	ssyncadd.s32 $0xFFFFC000  }
0xa7: {  	[tilespmem:s16], [sflag:$0x2] =	stream.indirect.gather [hbm4b:s1+s14], $0x80, s24, s14, $0xb8;
	[tilespmem:$0x1E400] =	vst v63  }
0xa8: {  	_ =	swait.ge [sflag:s19], $0x4000  }
0xa9: {  	[sflag:s19] =	ssyncset.done $0x0  }
0xaa: {  	[sflag:s19] =	ssyncadd.s32 $0xFFFFC000  }
0xab: {  	[spmem:s3] =	stream.indirect.scatter.add.f32 [tilespmem:s15], [sflag:$0x3], $0x80, s25, s14, $0xb8;
	[tilespmem:$0x1E400] =	vst v63  }
0xac: {  	_ =	swait.ge [sflag:s12], $0x4000  }
0xad: {  	[sflag:s12] =	ssyncset.done $0x0  }
0xae: {  	[sflag:s12] =	ssyncadd.s32 $0xFFFFC000  }
0xaf: {  	[tilespmem:s15], [sflag:$0x1] =	stream.indirect.gather [hbm4b:s1+s14], $0x80, s24, s14, $0xb8;
	[tilespmem:$0x1E400] =	vst v63  }
0xb0: {  	_ =	swait.ge [sflag:s20], $0x4000  }
0xb1: {  	[sflag:s20] =	ssyncset.done $0x0  }
0xb2: {  	[sflag:s20] =	ssyncadd.s32 $0xFFFFC000  }
0xb3: {  	[spmem:s3] =	stream.indirect.scatter.add.f32 [tilespmem:s16], [sflag:$0x3], $0x80, s26, s14, $0xb8;
	[tilespmem:$0x1E400] =	vst v63  }
0xb4: {  	_ =	swait.ge [sflag:s12], $0x4000  }
0xb5: {  	[sflag:s12] =	ssyncset.done $0x0  }
0xb6: {  	[sflag:s12] =	ssyncadd.s32 $0xFFFFC000  }
0xb7: {  	[tilespmem:s16], [sflag:$0x2] =	stream.indirect.gather [hbm4b:s1+s14], $0x80, s24, s14, $0xb8;
	[tilespmem:$0x1E400] =	vst v63  }
0xb8: {  	_ =	swait.ge [sflag:s19], $0x4000  }
0xb9: {  	[sflag:s19] =	ssyncset.done $0x0  }
0xba: {  	[sflag:s19] =	ssyncadd.s32 $0xFFFFC000  }
0xbb: {  	_ =	swait.ge [sflag:s20], $0x4000  }
0xbc: {  	s28 =	sadd.s32 $0x1, s28;
	[sflag:s20] =	ssyncset.done $0x0  }
0xbd: {  	p0 =	sne.s32 s28, s11;
	[sflag:s20] =	ssyncadd.s32 $0xFFFFC000  }
.Ltmp2:
0xbe: {  	[bflag:$0x0] =	sbarrier.arrive $0xFFFF;
	(pc) =	sbr.rel @p0 .LBB2_1-.Ltmp2, $4  }
0xbf: {  	[hbm:s10], [sflag:s17] =	dma.local [spmem:s18], $0x2780  }
0xc0: {  	_ =	swait.ge [sflag:s12], $0x2780  }
0xc1: {  	[sflag:s12] =	ssyncset.done $0x0  }
0xc2: {  	[sflag:s12] =	ssyncadd.s32 $0xFFFFD880  }
0xc3: {  	_ =	sfence.sel $0x180000  }
0xc4: {  	[bflag:$0x0] =	sbarrier.arrive $0xFFFF  }
0xc5: {  	p0 =	sne.s32 s2, $0x0;
	_ =	strace $0x90000050  }
0xc6: {  	s0 =	sadd.s32 @!p0 $0x100000, s0;
	[bflag:$0x2] =	sbarrier.arrive $0xFFFF  }
0xc7: {  	[sflag:s0] =	ssyncadd.tile.s32 @!p0 $0x1;
	_ =	shalt  }
.Lfunc_end2:
_tile_overlayer_lowered:
.L_overlay_start_2:
0xc8: {  	(tag) =	ssettag $0x2  }
0xc9: {  	s0 =	rddreg [dreg:$0x0];
	s2 =	stileid.u32  }
0xca: {  	s1 =	rddreg [dreg:$0x1];
	p0 =	sne.s32 s2, $0x0  }
0xcb: {  	s3 =	rddreg [dreg:$0x2];
	[bflag:$0x3] =	sbarrier.arrive $0xFFFF;
	s2 =	simm.s32 @!p0 $0x1C03  }
0xcc: {  	[timem:s3], [sflag:s2] =	dma.local @!p0 [hbm:s0], s1  }
0xcd: {  	s0 =	simm.s32 @!p0 $0x3  }
0xce: {  	_ =	swait.ge @!p0 [sflag:s0], s1  }
0xcf: {  	s1 =	ssub.s32 @!p0 $0x0, s1;
	[sflag:s0] =	ssyncset.done @!p0 $0x0  }
0xd0: {  	[sflag:s0] =	ssyncadd.s32 @!p0 s1  }
0xd1: {  	[bflag:$0x3] =	sbarrier.arrive $0xFFFF  }
0xd2: {  	_ =	shalt  }

</sc_bundles>
